<compile_context>
chip_gen: v7x
topology: tpu7x:2x2x1
jax: 0.10.2.dev20260603
libtpu: 0.0.44.dev20260713+nightly
codegen_flags: <defaults>
</compile_context>

<pallas_src>
import functools
import jax
import jax.numpy as jnp
from jax import lax
from jax.experimental import pallas as pl
from jax.experimental.pallas import tpu as pltpu
from jax.experimental.pallas import tpu_sc as plsc

N = 50000
E = 800000
IN = 64
HEADS = 4
OUT = 16
SEM = 128

NPAD = 50176
QUARTER = NPAD // 4
ROWS_PER_SUB = QUARTER // 16
EPAD = 800768
E_PER_SUB = EPAD // 16
CHUNK = 128
NCHUNK = E_PER_SUB // CHUNK
TABW = 80



def _sc_edge_body(src_hbm, dst_hbm, tab_hbm, ert_hbm, zrows_hbm, out_hbm,
                  srcv, dstv, lidxv, rowsv, erv, msgv,
                  acc, sem1, sem2):
    c = lax.axis_index("c")
    s = lax.axis_index("s")

    for q in range(2):
        lo = (2 * c + q) * QUARTER

        pltpu.sync_copy(zrows_hbm, acc.at[pl.ds(s * ROWS_PER_SUB, ROWS_PER_SUB)])
        plsc.subcore_barrier()

        def chunk_body(t, carry):
            base = s * E_PER_SUB + t * CHUNK
            pltpu.sync_copy(src_hbm.at[pl.ds(base, CHUNK)], srcv)
            pltpu.sync_copy(dst_hbm.at[pl.ds(base, CHUNK)], dstv)
            pltpu.async_copy(tab_hbm.at[srcv], rowsv, sem1).wait()
            pltpu.async_copy(ert_hbm.at[dstv], erv, sem2).wait()

            for j in range(CHUNK // 16):
                d = dstv[pl.ds(j * 16, 16)]
                own = (d >= lo) & (d < lo + QUARTER)
                lidxv[pl.ds(j * 16, 16)] = jnp.where(own, d - lo, QUARTER)

            def edge_body(i, carry2):
                att = rowsv[i, pl.ds(64, 16)]
                erow = erv[i, pl.ds(0, 16)]
                v = att + erow
                e = jnp.maximum(v, 0.2 * v)
                ee = jnp.exp(e)
                msgv[i, pl.ds(64, 16)] = ee
                for h in range(HEADS):
                    msgv[i, pl.ds(h * 16, 16)] = rowsv[i, pl.ds(h * 16, 16)] * ee[h]
                return carry2

            lax.fori_loop(0, CHUNK, edge_body, 0)
            pltpu.sync_copy(msgv, acc.at[lidxv], add=True)
            return carry

        lax.fori_loop(0, NCHUNK, chunk_body, 0)
        plsc.subcore_barrier()

        pltpu.sync_copy(acc.at[pl.ds(s * ROWS_PER_SUB, ROWS_PER_SUB)],
                        out_hbm.at[pl.ds(lo + s * ROWS_PER_SUB, ROWS_PER_SUB)])
        plsc.subcore_barrier()


def _sc_edge(src, dst, tab, ert, zrows):
    mesh = plsc.VectorSubcoreMesh(core_axis_name="c", subcore_axis_name="s")
    k = functools.partial(
        pl.kernel, mesh=mesh,
        compiler_params=pltpu.CompilerParams(use_tc_tiling_on_sc=False),
        out_type=jax.ShapeDtypeStruct((NPAD, TABW), jnp.float32),
        scratch_types=[
            pltpu.VMEM((CHUNK,), jnp.int32),
            pltpu.VMEM((CHUNK,), jnp.int32),
            pltpu.VMEM((CHUNK,), jnp.int32),
            pltpu.VMEM((CHUNK, TABW), jnp.float32),
            pltpu.VMEM((CHUNK, 16), jnp.float32),
            pltpu.VMEM((CHUNK, TABW), jnp.float32),
            pltpu.VMEM_SHARED((QUARTER + 8, TABW), jnp.float32),
            pltpu.SemaphoreType.DMA,
            pltpu.SemaphoreType.DMA,
        ],
    )(_sc_edge_body)
    return k(src, dst, tab, ert, zrows)



def _pre_body(h_ref, w0_ref, a0_ref, b0m_ref, w1_ref, a1_ref, b1m_ref,
              g_ref, be_ref, tab0_ref, ert0_ref, tab1_ref, ert1_ref, ln_ref):
    h = h_ref[...]
    z12 = jnp.zeros((h.shape[0], 12), jnp.float32)
    f0 = jnp.dot(h, w0_ref[...], preferred_element_type=jnp.float32)
    el0 = jnp.dot(f0, a0_ref[...], preferred_element_type=jnp.float32)
    er0 = jnp.dot(f0, b0m_ref[...], preferred_element_type=jnp.float32)
    tab0_ref[...] = jnp.concatenate([f0, el0, z12], axis=1)
    ert0_ref[...] = jnp.concatenate([er0, z12], axis=1)
    f1 = jnp.dot(h, w1_ref[...], preferred_element_type=jnp.float32)
    el1 = jnp.dot(f1, a1_ref[...], preferred_element_type=jnp.float32)
    er1 = jnp.dot(f1, b1m_ref[...], preferred_element_type=jnp.float32)
    tab1_ref[...] = jnp.concatenate([f1, el1, z12], axis=1)
    ert1_ref[...] = jnp.concatenate([er1, z12], axis=1)
    mu = jnp.mean(h, axis=1, keepdims=True)
    var = jnp.mean((h - mu) ** 2, axis=1, keepdims=True)
    ln_ref[...] = (h - mu) / jnp.sqrt(var + 1e-5) * g_ref[...] + be_ref[...]


def _pre(h_pad, W0, A0, B0m, W1, A1, B1m, g2, b2):
    BLK = 1024
    G = NPAD // BLK
    full = lambda r, c: pl.BlockSpec((r, c), lambda i: (0, 0))
    blk = lambda c: pl.BlockSpec((BLK, c), lambda i: (i, 0))
    return pl.pallas_call(
        _pre_body,
        grid=(G,),
        in_specs=[blk(IN), full(IN, 64), full(64, HEADS), full(64, HEADS),
                  full(IN, 64), full(64, HEADS), full(64, HEADS),
                  full(1, IN), full(1, IN)],
        out_specs=[blk(TABW), blk(16), blk(TABW), blk(16), blk(IN)],
        out_shape=[
            jax.ShapeDtypeStruct((NPAD, TABW), jnp.float32),
            jax.ShapeDtypeStruct((NPAD, 16), jnp.float32),
            jax.ShapeDtypeStruct((NPAD, TABW), jnp.float32),
            jax.ShapeDtypeStruct((NPAD, 16), jnp.float32),
            jax.ShapeDtypeStruct((NPAD, IN), jnp.float32),
        ],
    )(h_pad, W0, A0, B0m, W1, A1, B1m, g2, b2)



def _postA_body(acc0_ref, acc1_ref, b0_ref, b1_ref, pw1_ref, pb1_ref,
                pw2_ref, z0_ref, z1_ref, part_ref):
    def head_norm(acc_ref):
        cols = []
        for h in range(HEADS):
            num = acc_ref[:, h * 16:(h + 1) * 16]
            den = jnp.maximum(acc_ref[:, 64 + h:65 + h], 1e-9)
            cols.append(num / den)
        return jnp.concatenate(cols, axis=1)

    def elu(x):
        return jnp.where(x > 0, x, jnp.exp(x) - 1.0)

    z0 = elu(head_norm(acc0_ref) + b0_ref[...])
    z1 = elu(head_norm(acc1_ref) + b1_ref[...])
    z0_ref[...] = z0
    z1_ref[...] = z1
    t0 = jnp.tanh(jnp.dot(z0, pw1_ref[...], preferred_element_type=jnp.float32)
                  + pb1_ref[...])
    t1 = jnp.tanh(jnp.dot(z1, pw1_ref[...], preferred_element_type=jnp.float32)
                  + pb1_ref[...])
    s0 = jnp.sum(jnp.dot(t0, pw2_ref[...], preferred_element_type=jnp.float32))
    s1 = jnp.sum(jnp.dot(t1, pw2_ref[...], preferred_element_type=jnp.float32))
    lanes = lax.broadcasted_iota(jnp.int32, (1, 128), 1)
    part_ref[...] = (jnp.where(lanes == 0, s0, 0.0)
                     + jnp.where(lanes == 1, s1, 0.0)).reshape(1, 1, 128)


def _postA(acc0, acc1, b0r, b1r, pW1, pb1r, pw2):
    BLK = 2000
    G = N // BLK
    full = lambda r, c: pl.BlockSpec((r, c), lambda i: (0, 0))
    blk = lambda c: pl.BlockSpec((BLK, c), lambda i: (i, 0))
    return pl.pallas_call(
        _postA_body,
        grid=(G,),
        in_specs=[blk(TABW), blk(TABW), full(1, 64), full(1, 64),
                  full(64, SEM), full(1, SEM), full(SEM, 1)],
        out_specs=[blk(64), blk(64),
                   pl.BlockSpec((1, 1, 128), lambda i: (i, 0, 0))],
        out_shape=[
            jax.ShapeDtypeStruct((N, 64), jnp.float32),
            jax.ShapeDtypeStruct((N, 64), jnp.float32),
            jax.ShapeDtypeStruct((G, 1, 128), jnp.float32),
        ],
    )(acc0, acc1, b0r, b1r, pW1, pb1r, pw2)


def _postB_body(ln_ref, z0_ref, z1_ref, beta0_ref, beta1_ref, out_ref):
    out_ref[...] = (ln_ref[...] + beta0_ref[...] * z0_ref[...]
                    + beta1_ref[...] * z1_ref[...])


def _postB(ln, z0, z1, beta0r, beta1r):
    BLK = 2000
    G = N // BLK
    full = lambda r, c: pl.BlockSpec((r, c), lambda i: (0, 0))
    blk = lambda c: pl.BlockSpec((BLK, c), lambda i: (i, 0))
    return pl.pallas_call(
        _postB_body,
        grid=(G,),
        in_specs=[blk(64), blk(64), blk(64), full(1, 64), full(1, 64)],
        out_specs=blk(64),
        out_shape=jax.ShapeDtypeStruct((N, 64), jnp.float32),
    )(ln, z0, z1, beta0r, beta1r)



def _headmat(a):
    m = jnp.zeros((IN, HEADS), jnp.float32)
    for h in range(HEADS):
        m = m.at[h * OUT:(h + 1) * OUT, h].set(a[0, h, :])
    return m


def kernel(h, edge_index_mp0, edge_index_mp1, W0, al0, ar0, b0, W1, al1, ar1,
           b1, ln_g, ln_b, pW1, pb1, pw2):
    h_pad = jnp.pad(h, ((0, NPAD - N), (0, 0)))
    pad = EPAD - E
    padi = jnp.full((pad,), NPAD - 1, jnp.int32)
    src0 = jnp.concatenate([edge_index_mp0[0], padi])
    dst0 = jnp.concatenate([edge_index_mp0[1], padi])
    src1 = jnp.concatenate([edge_index_mp1[0], padi])
    dst1 = jnp.concatenate([edge_index_mp1[1], padi])

    tab0, ert0, tab1, ert1, ln = _pre(
        h_pad, W0, _headmat(al0), _headmat(ar0), W1, _headmat(al1),
        _headmat(ar1), ln_g.reshape(1, IN), ln_b.reshape(1, IN))

    zrows = jnp.zeros((ROWS_PER_SUB, TABW), jnp.float32)
    acc0 = _sc_edge(src0, dst0, tab0, ert0, zrows)[:N]
    acc1 = _sc_edge(src1, dst1, tab1, ert1, zrows)[:N]

    z0, z1, parts = _postA(acc0, acc1, b0.reshape(1, 64), b1.reshape(1, 64),
                           pW1, pb1.reshape(1, SEM), pw2)
    w = parts.sum(axis=0).reshape(128)[:2] / N
    beta = jax.nn.softmax(w)
    beta0r = jnp.full((1, 64), beta[0])
    beta1r = jnp.full((1, 64), beta[1])
    return _postB(ln, z0, z1, beta0r, beta1r)

# --- scband reference (transcript-rebuilt; emitter-appended) ---
"""Pipeline reference for scband-msgatlayer-3307124818060 (READ-ONLY COPY).

The authoritative reference and input builder live on the scoring server;
editing this copy changes nothing except your own understanding.
"""

import jax, jax.numpy as jnp
import numpy as np

N = 50000
E = 800000
IN = 64
HEADS = 4
OUT = 16
SEM = 128

def setup_inputs(seed: int = 0):
    key = jax.random.key(seed)
    ks = jax.random.split(key, 20)
    inp = {}
    inp["h"] = jax.random.normal(ks[0], (N, IN), jnp.float32)
    inp["edge_index_mp0"] = jax.random.randint(ks[1], (2, E), 0, N, dtype=jnp.int32)
    inp["edge_index_mp1"] = jax.random.randint(ks[2], (2, E), 0, N, dtype=jnp.int32)
    s = 1.0 / np.sqrt(IN)
    inp["W0"] = jax.random.normal(ks[3], (IN, HEADS * OUT), jnp.float32) * s
    inp["al0"] = jax.random.normal(ks[4], (1, HEADS, OUT), jnp.float32) * s
    inp["ar0"] = jax.random.normal(ks[5], (1, HEADS, OUT), jnp.float32) * s
    inp["b0"] = jnp.zeros((HEADS * OUT,), jnp.float32)
    inp["W1"] = jax.random.normal(ks[6], (IN, HEADS * OUT), jnp.float32) * s
    inp["al1"] = jax.random.normal(ks[7], (1, HEADS, OUT), jnp.float32) * s
    inp["ar1"] = jax.random.normal(ks[8], (1, HEADS, OUT), jnp.float32) * s
    inp["b1"] = jnp.zeros((HEADS * OUT,), jnp.float32)
    inp["ln_g"] = jnp.ones((IN,), jnp.float32)
    inp["ln_b"] = jnp.zeros((IN,), jnp.float32)
    inp["pW1"] = jax.random.normal(ks[9], (HEADS * OUT, SEM), jnp.float32) * (1.0 / np.sqrt(HEADS * OUT))
    inp["pb1"] = jnp.zeros((SEM,), jnp.float32)
    inp["pw2"] = jax.random.normal(ks[10], (SEM, 1), jnp.float32) * (1.0 / np.sqrt(SEM))
    return inp

def _gat(h, src, dst, W, al, ar, b):
    # DGL GATConv: shared fc projection, additive attention, edge softmax, elu activation
    f = (h @ W).reshape(-1, HEADS, OUT)
    el = (f * al).sum(-1)
    er = (f * ar).sum(-1)
    e = jax.nn.leaky_relu(el[src] + er[dst], 0.2)
    emax = jax.ops.segment_max(e, dst, num_segments=N)
    emax = jnp.where(jnp.isfinite(emax), emax, 0.0)
    ee = jnp.exp(e - emax[dst])
    den = jax.ops.segment_sum(ee, dst, num_segments=N)
    alpha = ee / jnp.maximum(den[dst], 1e-9)
    msg = f[src] * alpha[:, :, None]
    rst = jax.ops.segment_sum(msg, dst, num_segments=N)
    rst = rst + b.reshape(1, HEADS, OUT)
    return jax.nn.elu(rst).reshape(N, HEADS * OUT)

def _layernorm(x, g, b):
    mu = x.mean(-1, keepdims=True)
    var = ((x - mu) ** 2).mean(-1, keepdims=True)
    return (x - mu) / jnp.sqrt(var + 1e-5) * g + b

def _sem_att(z, pW1, pb1, pw2):
    # MetapathAttention: project -> mean over nodes -> softmax over metapaths -> weighted sum
    t = jnp.tanh(z @ pW1 + pb1)
    w = (t @ pw2).mean(0)
    beta = jax.nn.softmax(w, axis=0)
    return (beta[None, :, :] * z).sum(1)

def reference(h, edge_index_mp0, edge_index_mp1, W0, al0, ar0, b0, W1, al1, ar1, b1, ln_g, ln_b, pW1, pb1, pw2):
    z0 = _gat(h, edge_index_mp0[0], edge_index_mp0[1], W0, al0, ar0, b0)
    z1 = _gat(h, edge_index_mp1[0], edge_index_mp1[1], W1, al1, ar1, b1)
    z = jnp.stack([z0, z1], axis=1)
    return _layernorm(h, ln_g, ln_b) + _sem_att(z, pW1, pb1, pw2)

if __name__ == "__main__":
    import jax
    _d = setup_inputs()
    print(jax.jit(kernel)(*tuple(_d.values())))

</pallas_src>

<mosaic_0001>
#map = affine_map<(d0, d1) -> (0)>
#map1 = affine_map<(d0, d1) -> (0, 0)>
module attributes {stable_mosaic.version = 14 : i64} {
  func.func @_sc_edge_body(%arg0: i32, %arg1: i32, %arg2: memref<800768xi32, #tpu.memory_space<hbm>>, %arg3: memref<800768xi32, #tpu.memory_space<hbm>>, %arg4: memref<50176x80xf32, #tpu.memory_space<hbm>>, %arg5: memref<50176x16xf32, #tpu.memory_space<hbm>>, %arg6: memref<784x80xf32, #tpu.memory_space<hbm>>, %arg7: memref<50176x80xf32, #tpu.memory_space<hbm>>, %arg8: memref<128xi32, #tpu.memory_space<vmem>>, %arg9: memref<128xi32, #tpu.memory_space<vmem>>, %arg10: memref<128xi32, #tpu.memory_space<vmem>>, %arg11: memref<128x80xf32, #tpu.memory_space<vmem>>, %arg12: memref<128x16xf32, #tpu.memory_space<vmem>>, %arg13: memref<128x80xf32, #tpu.memory_space<vmem>>, %arg14: memref<12552x80xf32, #tpu.memory_space<vmem_shared>>, %arg15: memref<!tpu.dma_semaphore, #tpu.memory_space<semaphore_mem>>, %arg16: memref<!tpu.dma_semaphore, #tpu.memory_space<semaphore_mem>>) attributes {dimension_semantics = [#tpu.dimension_semantics<core_parallel>, #tpu.dimension_semantics<subcore_parallel>], iteration_bounds = array<i64: 2, 16>, scalar_prefetch = 0 : i64, scratch_operands = 9 : i64, tpu.core_type = #tpu.core_type<sc_vector_subcore>, window_params = [{transform_indices = #map}, {transform_indices = #map}, {transform_indices = #map1}, {transform_indices = #map1}, {transform_indices = #map1}, {transform_indices = #map1}]} {
    %mul3A = arith.constant 2 : i32
    %mul3A_0 = arith.muli %mul3A, %arg0 : i32
    %add3A = arith.constant 0 : i32
    %add3A_1 = arith.addi %mul3A_0, %add3A : i32
    %mul3A_2 = arith.constant 12544 : i32
    %mul3A_3 = arith.muli %add3A_1, %mul3A_2 : i32
    %mul3A_4 = arith.constant 784 : i32
    %mul3A_5 = arith.muli %arg1, %mul3A_4 : i32
    "tpu.region"() ({
      %run_scoped3A = tpu.sem_alloc : memref<!tpu.dma_semaphore, #tpu.memory_space<semaphore_mem>>
      %dma_start3A = arith.constant 0 : i32
      %dma_start3A_40 = tpu.memref_slice %arg14[%mul3A_5, %dma_start3A] : memref<12552x80xf32, #tpu.memory_space<vmem_shared>> -> memref<784x80xf32, #tpu.memory_space<vmem_shared>>
      tpu.enqueue_dma source(%arg6 : memref<784x80xf32, #tpu.memory_space<hbm>>) target(%dma_start3A_40 : memref<784x80xf32, #tpu.memory_space<vmem_shared>>) target_semaphore(%run_scoped3A : memref<!tpu.dma_semaphore, #tpu.memory_space<semaphore_mem>>)
      %dma_wait3A = arith.constant 0 : i32
      %dma_wait3A_41 = tpu.memref_slice %arg14[%mul3A_5, %dma_wait3A] : memref<12552x80xf32, #tpu.memory_space<vmem_shared>> -> memref<784x80xf32, #tpu.memory_space<vmem_shared>>
      tpu.wait_dma2 semaphore(%run_scoped3A : memref<!tpu.dma_semaphore, #tpu.memory_space<semaphore_mem>>) src(%arg6 : memref<784x80xf32, #tpu.memory_space<hbm>>) dst(%dma_wait3A_41 : memref<784x80xf32, #tpu.memory_space<vmem_shared>>)
      tpu.yield
    }) : () -> ()
    %barrier3A = arith.constant 0 : index
    tpu.barrier barrier_id(%barrier3A)
    %scan3A = arith.constant 0 : i32
    %scan3A_6 = arith.constant 0 : i32
    %scan3A_7 = arith.constant 391 : i32
    %scan3A_8 = arith.addi %scan3A_6, %scan3A_7 : i32
    %scan3A_9 = arith.constant 1 : i32
    scf.for %scan3A_40 = %scan3A_6 to %scan3A_8 step %scan3A_9  : i32 {
      %mul3A_41 = arith.constant 50048 : i32
      %mul3A_42 = arith.muli %arg1, %mul3A_41 : i32
      %mul3A_43 = arith.constant 128 : i32
      %mul3A_44 = arith.muli %scan3A_40, %mul3A_43 : i32
      %add3A_45 = arith.addi %mul3A_42, %mul3A_44 : i32
      "tpu.region"() ({
        %run_scoped3A = tpu.sem_alloc : memref<!tpu.dma_semaphore, #tpu.memory_space<semaphore_mem>>
        %dma_start3A_205 = tpu.memref_slice %arg2[%add3A_45] : memref<800768xi32, #tpu.memory_space<hbm>> -> memref<128xi32, #tpu.memory_space<hbm>>
        %dma_start3A_206 = tpu.memref_slice %arg2[%add3A_45] : memref<800768xi32, #tpu.memory_space<hbm>> -> memref<128xi32, #tpu.memory_space<hbm>>
        tpu.enqueue_dma source(%dma_start3A_206 : memref<128xi32, #tpu.memory_space<hbm>>) target(%arg8 : memref<128xi32, #tpu.memory_space<vmem>>) target_semaphore(%run_scoped3A : memref<!tpu.dma_semaphore, #tpu.memory_space<semaphore_mem>>)
        %dma_wait3A_207 = tpu.memref_slice %arg2[%add3A_45] : memref<800768xi32, #tpu.memory_space<hbm>> -> memref<128xi32, #tpu.memory_space<hbm>>
        %dma_wait3A_208 = tpu.memref_slice %arg2[%add3A_45] : memref<800768xi32, #tpu.memory_space<hbm>> -> memref<128xi32, #tpu.memory_space<hbm>>
        tpu.wait_dma2 semaphore(%run_scoped3A : memref<!tpu.dma_semaphore, #tpu.memory_space<semaphore_mem>>) src(%dma_wait3A_208 : memref<128xi32, #tpu.memory_space<hbm>>) dst(%arg8 : memref<128xi32, #tpu.memory_space<vmem>>)
        tpu.yield
      }) : () -> ()
      "tpu.region"() ({
        %run_scoped3A = tpu.sem_alloc : memref<!tpu.dma_semaphore, #tpu.memory_space<semaphore_mem>>
        %dma_start3A_205 = tpu.memref_slice %arg3[%add3A_45] : memref<800768xi32, #tpu.memory_space<hbm>> -> memref<128xi32, #tpu.memory_space<hbm>>
        %dma_start3A_206 = tpu.memref_slice %arg3[%add3A_45] : memref<800768xi32, #tpu.memory_space<hbm>> -> memref<128xi32, #tpu.memory_space<hbm>>
        tpu.enqueue_dma source(%dma_start3A_206 : memref<128xi32, #tpu.memory_space<hbm>>) target(%arg9 : memref<128xi32, #tpu.memory_space<vmem>>) target_semaphore(%run_scoped3A : memref<!tpu.dma_semaphore, #tpu.memory_space<semaphore_mem>>)
        %dma_wait3A_207 = tpu.memref_slice %arg3[%add3A_45] : memref<800768xi32, #tpu.memory_space<hbm>> -> memref<128xi32, #tpu.memory_space<hbm>>
        %dma_wait3A_208 = tpu.memref_slice %arg3[%add3A_45] : memref<800768xi32, #tpu.memory_space<hbm>> -> memref<128xi32, #tpu.memory_space<hbm>>
        tpu.wait_dma2 semaphore(%run_scoped3A : memref<!tpu.dma_semaphore, #tpu.memory_space<semaphore_mem>>) src(%dma_wait3A_208 : memref<128xi32, #tpu.memory_space<hbm>>) dst(%arg9 : memref<128xi32, #tpu.memory_space<vmem>>)
        tpu.yield
      }) : () -> ()
      %dma_start3A = arith.constant 0 : i32
      %dma_start3A_46 = arith.constant 0 : i32
      %dma_start3A_47 = tpu.memref_slice %arg4[%dma_start3A, %dma_start3A_46] : memref<50176x80xf32, #tpu.memory_space<hbm>> -> memref<50176x80xf32, #tpu.memory_space<hbm>>
      tpu.enqueue_indirect_dma source(%dma_start3A_47 : memref<50176x80xf32, #tpu.memory_space<hbm>>) target(%arg11 : memref<128x80xf32, #tpu.memory_space<vmem>>) offsets(%arg8 : memref<128xi32, #tpu.memory_space<vmem>>) semaphore(%arg15 : memref<!tpu.dma_semaphore, #tpu.memory_space<semaphore_mem>>)
      %dma_wait3A = arith.constant 0 : i32
      %dma_wait3A_48 = arith.constant 0 : i32
      %dma_wait3A_49 = tpu.memref_slice %arg4[%dma_wait3A, %dma_wait3A_48] : memref<50176x80xf32, #tpu.memory_space<hbm>> -> memref<50176x80xf32, #tpu.memory_space<hbm>>
      tpu.wait_indirect_dma semaphore(%arg15 : memref<!tpu.dma_semaphore, #tpu.memory_space<semaphore_mem>>) src(%dma_wait3A_49 : memref<50176x80xf32, #tpu.memory_space<hbm>>) dst(%arg11 : memref<128x80xf32, #tpu.memory_space<vmem>>)
      %dma_start3A_50 = arith.constant 0 : i32
      %dma_start3A_51 = arith.constant 0 : i32
      %dma_start3A_52 = tpu.memref_slice %arg5[%dma_start3A_50, %dma_start3A_51] : memref<50176x16xf32, #tpu.memory_space<hbm>> -> memref<50176x16xf32, #tpu.memory_space<hbm>>
      tpu.enqueue_indirect_dma source(%dma_start3A_52 : memref<50176x16xf32, #tpu.memory_space<hbm>>) target(%arg12 : memref<128x16xf32, #tpu.memory_space<vmem>>) offsets(%arg9 : memref<128xi32, #tpu.memory_space<vmem>>) semaphore(%arg16 : memref<!tpu.dma_semaphore, #tpu.memory_space<semaphore_mem>>)
      %dma_wait3A_53 = arith.constant 0 : i32
      %dma_wait3A_54 = arith.constant 0 : i32
      %dma_wait3A_55 = tpu.memref_slice %arg5[%dma_wait3A_53, %dma_wait3A_54] : memref<50176x16xf32, #tpu.memory_space<hbm>> -> memref<50176x16xf32, #tpu.memory_space<hbm>>
      tpu.wait_indirect_dma semaphore(%arg16 : memref<!tpu.dma_semaphore, #tpu.memory_space<semaphore_mem>>) src(%dma_wait3A_55 : memref<50176x16xf32, #tpu.memory_space<hbm>>) dst(%arg12 : memref<128x16xf32, #tpu.memory_space<vmem>>)
      %get3A = arith.constant 0 : index
      %get3A_56 = tpu.vector_load %arg9[%get3A] {strides = array<i32>} : memref<128xi32, #tpu.memory_space<vmem>>, vector<16xi32>,
      %get3A_57 = vector.shape_cast %get3A_56 : vector<16xi32> to vector<16xi32>
      %ge3A = vector.broadcast %mul3A_3 : i32 to vector<16xi32>
      %ge3A_58 = arith.cmpi sge, %get3A_57, %ge3A : vector<16xi32>
      %add3A_59 = arith.constant 12544 : i32
      %add3A_60 = arith.addi %mul3A_3, %add3A_59 : i32
      %lt3A = vector.broadcast %add3A_60 : i32 to vector<16xi32>
      %lt3A_61 = arith.cmpi slt, %get3A_57, %lt3A : vector<16xi32>
      %and3A = arith.andi %ge3A_58, %lt3A_61 : vector<16xi1>
      %sub3A = vector.broadcast %mul3A_3 : i32 to vector<16xi32>
      %sub3A_62 = arith.subi %get3A_57, %sub3A : vector<16xi32>
      %jit3A = arith.constant 12544 : i32
      %broadcast_in_dim3A = vector.broadcast %jit3A : i32 to vector<16xi32>
      %select_n3A = arith.select %and3A, %sub3A_62, %broadcast_in_dim3A : vector<16xi1>, vector<16xi32>
      %swap3A = arith.constant 0 : index
      %swap3A_63 = tpu.vector_load %arg10[%swap3A] {strides = array<i32>} : memref<128xi32, #tpu.memory_space<vmem>>, vector<16xi32>,
      %swap3A_64 = vector.shape_cast %swap3A_63 : vector<16xi32> to vector<16xi32>
      %swap3A_65 = vector.shape_cast %select_n3A : vector<16xi32> to vector<16xi32>
      tpu.vector_store %arg10[%swap3A], %swap3A_65 {strides = array<i32>} : memref<128xi32, #tpu.memory_space<vmem>>, vector<16xi32>,
      %get3A_66 = arith.constant 16 : index
      %get3A_67 = tpu.vector_load %arg9[%get3A_66] {strides = array<i32>} : memref<128xi32, #tpu.memory_space<vmem>>, vector<16xi32>,
      %get3A_68 = vector.shape_cast %get3A_67 : vector<16xi32> to vector<16xi32>
      %ge3A_69 = vector.broadcast %mul3A_3 : i32 to vector<16xi32>
      %ge3A_70 = arith.cmpi sge, %get3A_68, %ge3A_69 : vector<16xi32>
      %add3A_71 = arith.constant 12544 : i32
      %add3A_72 = arith.addi %mul3A_3, %add3A_71 : i32
      %lt3A_73 = vector.broadcast %add3A_72 : i32 to vector<16xi32>
      %lt3A_74 = arith.cmpi slt, %get3A_68, %lt3A_73 : vector<16xi32>
      %and3A_75 = arith.andi %ge3A_70, %lt3A_74 : vector<16xi1>
      %sub3A_76 = vector.broadcast %mul3A_3 : i32 to vector<16xi32>
      %sub3A_77 = arith.subi %get3A_68, %sub3A_76 : vector<16xi32>
      %jit3A_78 = arith.constant 12544 : i32
      %broadcast_in_dim3A_79 = vector.broadcast %jit3A_78 : i32 to vector<16xi32>
      %select_n3A_80 = arith.select %and3A_75, %sub3A_77, %broadcast_in_dim3A_79 : vector<16xi1>, vector<16xi32>
      %swap3A_81 = arith.constant 16 : index
      %swap3A_82 = tpu.vector_load %arg10[%swap3A_81] {strides = array<i32>} : memref<128xi32, #tpu.memory_space<vmem>>, vector<16xi32>,
      %swap3A_83 = vector.shape_cast %swap3A_82 : vector<16xi32> to vector<16xi32>
      %swap3A_84 = vector.shape_cast %select_n3A_80 : vector<16xi32> to vector<16xi32>
      tpu.vector_store %arg10[%swap3A_81], %swap3A_84 {strides = array<i32>} : memref<128xi32, #tpu.memory_space<vmem>>, vector<16xi32>,
      %get3A_85 = arith.constant 32 : index
      %get3A_86 = tpu.vector_load %arg9[%get3A_85] {strides = array<i32>} : memref<128xi32, #tpu.memory_space<vmem>>, vector<16xi32>,
      %get3A_87 = vector.shape_cast %get3A_86 : vector<16xi32> to vector<16xi32>
      %ge3A_88 = vector.broadcast %mul3A_3 : i32 to vector<16xi32>
      %ge3A_89 = arith.cmpi sge, %get3A_87, %ge3A_88 : vector<16xi32>
      %add3A_90 = arith.constant 12544 : i32
      %add3A_91 = arith.addi %mul3A_3, %add3A_90 : i32
      %lt3A_92 = vector.broadcast %add3A_91 : i32 to vector<16xi32>
      %lt3A_93 = arith.cmpi slt, %get3A_87, %lt3A_92 : vector<16xi32>
      %and3A_94 = arith.andi %ge3A_89, %lt3A_93 : vector<16xi1>
      %sub3A_95 = vector.broadcast %mul3A_3 : i32 to vector<16xi32>
      %sub3A_96 = arith.subi %get3A_87, %sub3A_95 : vector<16xi32>
      %jit3A_97 = arith.constant 12544 : i32
      %broadcast_in_dim3A_98 = vector.broadcast %jit3A_97 : i32 to vector<16xi32>
      %select_n3A_99 = arith.select %and3A_94, %sub3A_96, %broadcast_in_dim3A_98 : vector<16xi1>, vector<16xi32>
      %swap3A_100 = arith.constant 32 : index
      %swap3A_101 = tpu.vector_load %arg10[%swap3A_100] {strides = array<i32>} : memref<128xi32, #tpu.memory_space<vmem>>, vector<16xi32>,
      %swap3A_102 = vector.shape_cast %swap3A_101 : vector<16xi32> to vector<16xi32>
      %swap3A_103 = vector.shape_cast %select_n3A_99 : vector<16xi32> to vector<16xi32>
      tpu.vector_store %arg10[%swap3A_100], %swap3A_103 {strides = array<i32>} : memref<128xi32, #tpu.memory_space<vmem>>, vector<16xi32>,
      %get3A_104 = arith.constant 48 : index
      %get3A_105 = tpu.vector_load %arg9[%get3A_104] {strides = array<i32>} : memref<128xi32, #tpu.memory_space<vmem>>, vector<16xi32>,
      %get3A_106 = vector.shape_cast %get3A_105 : vector<16xi32> to vector<16xi32>
      %ge3A_107 = vector.broadcast %mul3A_3 : i32 to vector<16xi32>
      %ge3A_108 = arith.cmpi sge, %get3A_106, %ge3A_107 : vector<16xi32>
      %add3A_109 = arith.constant 12544 : i32
      %add3A_110 = arith.addi %mul3A_3, %add3A_109 : i32
      %lt3A_111 = vector.broadcast %add3A_110 : i32 to vector<16xi32>
      %lt3A_112 = arith.cmpi slt, %get3A_106, %lt3A_111 : vector<16xi32>
      %and3A_113 = arith.andi %ge3A_108, %lt3A_112 : vector<16xi1>
      %sub3A_114 = vector.broadcast %mul3A_3 : i32 to vector<16xi32>
      %sub3A_115 = arith.subi %get3A_106, %sub3A_114 : vector<16xi32>
      %jit3A_116 = arith.constant 12544 : i32
      %broadcast_in_dim3A_117 = vector.broadcast %jit3A_116 : i32 to vector<16xi32>
      %select_n3A_118 = arith.select %and3A_113, %sub3A_115, %broadcast_in_dim3A_117 : vector<16xi1>, vector<16xi32>
      %swap3A_119 = arith.constant 48 : index
      %swap3A_120 = tpu.vector_load %arg10[%swap3A_119] {strides = array<i32>} : memref<128xi32, #tpu.memory_space<vmem>>, vector<16xi32>,
      %swap3A_121 = vector.shape_cast %swap3A_120 : vector<16xi32> to vector<16xi32>
      %swap3A_122 = vector.shape_cast %select_n3A_118 : vector<16xi32> to vector<16xi32>
      tpu.vector_store %arg10[%swap3A_119], %swap3A_122 {strides = array<i32>} : memref<128xi32, #tpu.memory_space<vmem>>, vector<16xi32>,
      %get3A_123 = arith.constant 64 : index
      %get3A_124 = tpu.vector_load %arg9[%get3A_123] {strides = array<i32>} : memref<128xi32, #tpu.memory_space<vmem>>, vector<16xi32>,
      %get3A_125 = vector.shape_cast %get3A_124 : vector<16xi32> to vector<16xi32>
      %ge3A_126 = vector.broadcast %mul3A_3 : i32 to vector<16xi32>
      %ge3A_127 = arith.cmpi sge, %get3A_125, %ge3A_126 : vector<16xi32>
      %add3A_128 = arith.constant 12544 : i32
      %add3A_129 = arith.addi %mul3A_3, %add3A_128 : i32
      %lt3A_130 = vector.broadcast %add3A_129 : i32 to vector<16xi32>
      %lt3A_131 = arith.cmpi slt, %get3A_125, %lt3A_130 : vector<16xi32>
      %and3A_132 = arith.andi %ge3A_127, %lt3A_131 : vector<16xi1>
      %sub3A_133 = vector.broadcast %mul3A_3 : i32 to vector<16xi32>
      %sub3A_134 = arith.subi %get3A_125, %sub3A_133 : vector<16xi32>
      %jit3A_135 = arith.constant 12544 : i32
      %broadcast_in_dim3A_136 = vector.broadcast %jit3A_135 : i32 to vector<16xi32>
      %select_n3A_137 = arith.select %and3A_132, %sub3A_134, %broadcast_in_dim3A_136 : vector<16xi1>, vector<16xi32>
      %swap3A_138 = arith.constant 64 : index
      %swap3A_139 = tpu.vector_load %arg10[%swap3A_138] {strides = array<i32>} : memref<128xi32, #tpu.memory_space<vmem>>, vector<16xi32>,
      %swap3A_140 = vector.shape_cast %swap3A_139 : vector<16xi32> to vector<16xi32>
      %swap3A_141 = vector.shape_cast %select_n3A_137 : vector<16xi32> to vector<16xi32>
      tpu.vector_store %arg10[%swap3A_138], %swap3A_141 {strides = array<i32>} : memref<128xi32, #tpu.memory_space<vmem>>, vector<16xi32>,
      %get3A_142 = arith.constant 80 : index
      %get3A_143 = tpu.vector_load %arg9[%get3A_142] {strides = array<i32>} : memref<128xi32, #tpu.memory_space<vmem>>, vector<16xi32>,
      %get3A_144 = vector.shape_cast %get3A_143 : vector<16xi32> to vector<16xi32>
      %ge3A_145 = vector.broadcast %mul3A_3 : i32 to vector<16xi32>
      %ge3A_146 = arith.cmpi sge, %get3A_144, %ge3A_145 : vector<16xi32>
      %add3A_147 = arith.constant 12544 : i32
      %add3A_148 = arith.addi %mul3A_3, %add3A_147 : i32
      %lt3A_149 = vector.broadcast %add3A_148 : i32 to vector<16xi32>
      %lt3A_150 = arith.cmpi slt, %get3A_144, %lt3A_149 : vector<16xi32>
      %and3A_151 = arith.andi %ge3A_146, %lt3A_150 : vector<16xi1>
      %sub3A_152 = vector.broadcast %mul3A_3 : i32 to vector<16xi32>
      %sub3A_153 = arith.subi %get3A_144, %sub3A_152 : vector<16xi32>
      %jit3A_154 = arith.constant 12544 : i32
      %broadcast_in_dim3A_155 = vector.broadcast %jit3A_154 : i32 to vector<16xi32>
      %select_n3A_156 = arith.select %and3A_151, %sub3A_153, %broadcast_in_dim3A_155 : vector<16xi1>, vector<16xi32>
      %swap3A_157 = arith.constant 80 : index
      %swap3A_158 = tpu.vector_load %arg10[%swap3A_157] {strides = array<i32>} : memref<128xi32, #tpu.memory_space<vmem>>, vector<16xi32>,
      %swap3A_159 = vector.shape_cast %swap3A_158 : vector<16xi32> to vector<16xi32>
      %swap3A_160 = vector.shape_cast %select_n3A_156 : vector<16xi32> to vector<16xi32>
      tpu.vector_store %arg10[%swap3A_157], %swap3A_160 {strides = array<i32>} : memref<128xi32, #tpu.memory_space<vmem>>, vector<16xi32>,
      %get3A_161 = arith.constant 96 : index
      %get3A_162 = tpu.vector_load %arg9[%get3A_161] {strides = array<i32>} : memref<128xi32, #tpu.memory_space<vmem>>, vector<16xi32>,
      %get3A_163 = vector.shape_cast %get3A_162 : vector<16xi32> to vector<16xi32>
      %ge3A_164 = vector.broadcast %mul3A_3 : i32 to vector<16xi32>
      %ge3A_165 = arith.cmpi sge, %get3A_163, %ge3A_164 : vector<16xi32>
      %add3A_166 = arith.constant 12544 : i32
      %add3A_167 = arith.addi %mul3A_3, %add3A_166 : i32
      %lt3A_168 = vector.broadcast %add3A_167 : i32 to vector<16xi32>
      %lt3A_169 = arith.cmpi slt, %get3A_163, %lt3A_168 : vector<16xi32>
      %and3A_170 = arith.andi %ge3A_165, %lt3A_169 : vector<16xi1>
      %sub3A_171 = vector.broadcast %mul3A_3 : i32 to vector<16xi32>
      %sub3A_172 = arith.subi %get3A_163, %sub3A_171 : vector<16xi32>
      %jit3A_173 = arith.constant 12544 : i32
      %broadcast_in_dim3A_174 = vector.broadcast %jit3A_173 : i32 to vector<16xi32>
      %select_n3A_175 = arith.select %and3A_170, %sub3A_172, %broadcast_in_dim3A_174 : vector<16xi1>, vector<16xi32>
      %swap3A_176 = arith.constant 96 : index
      %swap3A_177 = tpu.vector_load %arg10[%swap3A_176] {strides = array<i32>} : memref<128xi32, #tpu.memory_space<vmem>>, vector<16xi32>,
      %swap3A_178 = vector.shape_cast %swap3A_177 : vector<16xi32> to vector<16xi32>
      %swap3A_179 = vector.shape_cast %select_n3A_175 : vector<16xi32> to vector<16xi32>
      tpu.vector_store %arg10[%swap3A_176], %swap3A_179 {strides = array<i32>} : memref<128xi32, #tpu.memory_space<vmem>>, vector<16xi32>,
      %get3A_180 = arith.constant 112 : index
      %get3A_181 = tpu.vector_load %arg9[%get3A_180] {strides = array<i32>} : memref<128xi32, #tpu.memory_space<vmem>>, vector<16xi32>,
      %get3A_182 = vector.shape_cast %get3A_181 : vector<16xi32> to vector<16xi32>
      %ge3A_183 = vector.broadcast %mul3A_3 : i32 to vector<16xi32>
      %ge3A_184 = arith.cmpi sge, %get3A_182, %ge3A_183 : vector<16xi32>
      %add3A_185 = arith.constant 12544 : i32
      %add3A_186 = arith.addi %mul3A_3, %add3A_185 : i32
      %lt3A_187 = vector.broadcast %add3A_186 : i32 to vector<16xi32>
      %lt3A_188 = arith.cmpi slt, %get3A_182, %lt3A_187 : vector<16xi32>
      %and3A_189 = arith.andi %ge3A_184, %lt3A_188 : vector<16xi1>
      %sub3A_190 = vector.broadcast %mul3A_3 : i32 to vector<16xi32>
      %sub3A_191 = arith.subi %get3A_182, %sub3A_190 : vector<16xi32>
      %jit3A_192 = arith.constant 12544 : i32
      %broadcast_in_dim3A_193 = vector.broadcast %jit3A_192 : i32 to vector<16xi32>
      %select_n3A_194 = arith.select %and3A_189, %sub3A_191, %broadcast_in_dim3A_193 : vector<16xi1>, vector<16xi32>
      %swap3A_195 = arith.constant 112 : index
      %swap3A_196 = tpu.vector_load %arg10[%swap3A_195] {strides = array<i32>} : memref<128xi32, #tpu.memory_space<vmem>>, vector<16xi32>,
      %swap3A_197 = vector.shape_cast %swap3A_196 : vector<16xi32> to vector<16xi32>
      %swap3A_198 = vector.shape_cast %select_n3A_194 : vector<16xi32> to vector<16xi32>
      tpu.vector_store %arg10[%swap3A_195], %swap3A_198 {strides = array<i32>} : memref<128xi32, #tpu.memory_space<vmem>>, vector<16xi32>,
      %scan3A_199 = arith.constant 0 : i32
      %scan3A_200 = arith.constant 0 : i32
      %scan3A_201 = arith.constant 128 : i32
      %scan3A_202 = arith.addi %scan3A_200, %scan3A_201 : i32
      %scan3A_203 = arith.constant 1 : i32
      scf.for %scan3A_205 = %scan3A_200 to %scan3A_202 step %scan3A_203  : i32 {
        %get3A_206 = arith.index_cast %scan3A_205 : i32 to index
        %get3A_207 = arith.constant 64 : index
        %get3A_208 = tpu.vector_load %arg11[%get3A_206, %get3A_207] {strides = array<i32>} : memref<128x80xf32, #tpu.memory_space<vmem>>, vector<1x16xf32>,
        %get3A_209 = vector.shape_cast %get3A_208 : vector<1x16xf32> to vector<16xf32>
        %get3A_210 = arith.index_cast %scan3A_205 : i32 to index
        %get3A_211 = arith.constant 0 : index
        %get3A_212 = tpu.vector_load %arg12[%get3A_210, %get3A_211] {strides = array<i32>} : memref<128x16xf32, #tpu.memory_space<vmem>>, vector<1x16xf32>,
        %get3A_213 = vector.shape_cast %get3A_212 : vector<1x16xf32> to vector<16xf32>
        %add3A_214 = arith.addf %get3A_209, %get3A_213 : vector<16xf32>
        %mul3A_215 = arith.constant 2.000000e-01 : f32
        %mul3A_216 = vector.broadcast %mul3A_215 : f32 to vector<16xf32>
        %mul3A_217 = arith.mulf %mul3A_216, %add3A_214 : vector<16xf32>
        %max3A = arith.maximumf %add3A_214, %mul3A_217 : vector<16xf32>
        %exp3A = math.exp %max3A : vector<16xf32>
        %swap3A_218 = arith.index_cast %scan3A_205 : i32 to index
        %swap3A_219 = arith.constant 64 : index
        %swap3A_220 = tpu.vector_load %arg13[%swap3A_218, %swap3A_219] {strides = array<i32>} : memref<128x80xf32, #tpu.memory_space<vmem>>, vector<1x16xf32>,
        %swap3A_221 = vector.shape_cast %swap3A_220 : vector<1x16xf32> to vector<16xf32>
        %swap3A_222 = vector.shape_cast %exp3A : vector<16xf32> to vector<1x16xf32>
        tpu.vector_store %arg13[%swap3A_218, %swap3A_219], %swap3A_222 {strides = array<i32>} : memref<128x80xf32, #tpu.memory_space<vmem>>, vector<1x16xf32>,
        %get3A_223 = arith.index_cast %scan3A_205 : i32 to index
        %get3A_224 = arith.constant 0 : index
        %get3A_225 = tpu.vector_load %arg11[%get3A_223, %get3A_224] {strides = array<i32>} : memref<128x80xf32, #tpu.memory_space<vmem>>, vector<1x16xf32>,
        %get3A_226 = vector.shape_cast %get3A_225 : vector<1x16xf32> to vector<16xf32>
        %slice3A = vector.extract_strided_slice %exp3A {offsets = [0], sizes = [1], strides = [1]} : vector<16xf32> to vector<1xf32>
        %squeeze3A = vector.extract %slice3A[0] : f32 from vector<1xf32>
        %mul3A_227 = vector.broadcast %squeeze3A : f32 to vector<16xf32>
        %mul3A_228 = arith.mulf %get3A_226, %mul3A_227 : vector<16xf32>
        %swap3A_229 = arith.index_cast %scan3A_205 : i32 to index
        %swap3A_230 = arith.constant 0 : index
        %swap3A_231 = tpu.vector_load %arg13[%swap3A_229, %swap3A_230] {strides = array<i32>} : memref<128x80xf32, #tpu.memory_space<vmem>>, vector<1x16xf32>,
        %swap3A_232 = vector.shape_cast %swap3A_231 : vector<1x16xf32> to vector<16xf32>
        %swap3A_233 = vector.shape_cast %mul3A_228 : vector<16xf32> to vector<1x16xf32>
        tpu.vector_store %arg13[%swap3A_229, %swap3A_230], %swap3A_233 {strides = array<i32>} : memref<128x80xf32, #tpu.memory_space<vmem>>, vector<1x16xf32>,
        %get3A_234 = arith.index_cast %scan3A_205 : i32 to index
        %get3A_235 = arith.constant 16 : index
        %get3A_236 = tpu.vector_load %arg11[%get3A_234, %get3A_235] {strides = array<i32>} : memref<128x80xf32, #tpu.memory_space<vmem>>, vector<1x16xf32>,
        %get3A_237 = vector.shape_cast %get3A_236 : vector<1x16xf32> to vector<16xf32>
        %slice3A_238 = vector.extract_strided_slice %exp3A {offsets = [1], sizes = [1], strides = [1]} : vector<16xf32> to vector<1xf32>
        %squeeze3A_239 = vector.extract %slice3A_238[0] : f32 from vector<1xf32>
        %mul3A_240 = vector.broadcast %squeeze3A_239 : f32 to vector<16xf32>
        %mul3A_241 = arith.mulf %get3A_237, %mul3A_240 : vector<16xf32>
        %swap3A_242 = arith.index_cast %scan3A_205 : i32 to index
        %swap3A_243 = arith.constant 16 : index
        %swap3A_244 = tpu.vector_load %arg13[%swap3A_242, %swap3A_243] {strides = array<i32>} : memref<128x80xf32, #tpu.memory_space<vmem>>, vector<1x16xf32>,
        %swap3A_245 = vector.shape_cast %swap3A_244 : vector<1x16xf32> to vector<16xf32>
        %swap3A_246 = vector.shape_cast %mul3A_241 : vector<16xf32> to vector<1x16xf32>
        tpu.vector_store %arg13[%swap3A_242, %swap3A_243], %swap3A_246 {strides = array<i32>} : memref<128x80xf32, #tpu.memory_space<vmem>>, vector<1x16xf32>,
        %get3A_247 = arith.index_cast %scan3A_205 : i32 to index
        %get3A_248 = arith.constant 32 : index
        %get3A_249 = tpu.vector_load %arg11[%get3A_247, %get3A_248] {strides = array<i32>} : memref<128x80xf32, #tpu.memory_space<vmem>>, vector<1x16xf32>,
        %get3A_250 = vector.shape_cast %get3A_249 : vector<1x16xf32> to vector<16xf32>
        %slice3A_251 = vector.extract_strided_slice %exp3A {offsets = [2], sizes = [1], strides = [1]} : vector<16xf32> to vector<1xf32>
        %squeeze3A_252 = vector.extract %slice3A_251[0] : f32 from vector<1xf32>
        %mul3A_253 = vector.broadcast %squeeze3A_252 : f32 to vector<16xf32>
        %mul3A_254 = arith.mulf %get3A_250, %mul3A_253 : vector<16xf32>
        %swap3A_255 = arith.index_cast %scan3A_205 : i32 to index
        %swap3A_256 = arith.constant 32 : index
        %swap3A_257 = tpu.vector_load %arg13[%swap3A_255, %swap3A_256] {strides = array<i32>} : memref<128x80xf32, #tpu.memory_space<vmem>>, vector<1x16xf32>,
        %swap3A_258 = vector.shape_cast %swap3A_257 : vector<1x16xf32> to vector<16xf32>
        %swap3A_259 = vector.shape_cast %mul3A_254 : vector<16xf32> to vector<1x16xf32>
        tpu.vector_store %arg13[%swap3A_255, %swap3A_256], %swap3A_259 {strides = array<i32>} : memref<128x80xf32, #tpu.memory_space<vmem>>, vector<1x16xf32>,
        %get3A_260 = arith.index_cast %scan3A_205 : i32 to index
        %get3A_261 = arith.constant 48 : index
        %get3A_262 = tpu.vector_load %arg11[%get3A_260, %get3A_261] {strides = array<i32>} : memref<128x80xf32, #tpu.memory_space<vmem>>, vector<1x16xf32>,
        %get3A_263 = vector.shape_cast %get3A_262 : vector<1x16xf32> to vector<16xf32>
        %slice3A_264 = vector.extract_strided_slice %exp3A {offsets = [3], sizes = [1], strides = [1]} : vector<16xf32> to vector<1xf32>
        %squeeze3A_265 = vector.extract %slice3A_264[0] : f32 from vector<1xf32>
        %mul3A_266 = vector.broadcast %squeeze3A_265 : f32 to vector<16xf32>
        %mul3A_267 = arith.mulf %get3A_263, %mul3A_266 : vector<16xf32>
        %swap3A_268 = arith.index_cast %scan3A_205 : i32 to index
        %swap3A_269 = arith.constant 48 : index
        %swap3A_270 = tpu.vector_load %arg13[%swap3A_268, %swap3A_269] {strides = array<i32>} : memref<128x80xf32, #tpu.memory_space<vmem>>, vector<1x16xf32>,
        %swap3A_271 = vector.shape_cast %swap3A_270 : vector<1x16xf32> to vector<16xf32>
        %swap3A_272 = vector.shape_cast %mul3A_267 : vector<16xf32> to vector<1x16xf32>
        tpu.vector_store %arg13[%swap3A_268, %swap3A_269], %swap3A_272 {strides = array<i32>} : memref<128x80xf32, #tpu.memory_space<vmem>>, vector<1x16xf32>,
      }
      %scan3A_204 = arith.constant 128 : i32
      "tpu.region"() ({
        %run_scoped3A = tpu.sem_alloc : memref<!tpu.dma_semaphore, #tpu.memory_space<semaphore_mem>>
        %dma_start3A_205 = arith.constant 0 : i32
        %dma_start3A_206 = arith.constant 0 : i32
        %dma_start3A_207 = tpu.memref_slice %arg14[%dma_start3A_205, %dma_start3A_206] : memref<12552x80xf32, #tpu.memory_space<vmem_shared>> -> memref<12552x80xf32, #tpu.memory_space<vmem_shared>>
        tpu.enqueue_indirect_dma source(%arg13 : memref<128x80xf32, #tpu.memory_space<vmem>>) target(%dma_start3A_207 : memref<12552x80xf32, #tpu.memory_space<vmem_shared>>) offsets(%arg10 : memref<128xi32, #tpu.memory_space<vmem>>) semaphore(%run_scoped3A : memref<!tpu.dma_semaphore, #tpu.memory_space<semaphore_mem>>) {add = true}
        %dma_wait3A_208 = arith.constant 0 : i32
        %dma_wait3A_209 = arith.constant 0 : i32
        %dma_wait3A_210 = tpu.memref_slice %arg14[%dma_wait3A_208, %dma_wait3A_209] : memref<12552x80xf32, #tpu.memory_space<vmem_shared>> -> memref<12552x80xf32, #tpu.memory_space<vmem_shared>>
        tpu.wait_indirect_dma semaphore(%run_scoped3A : memref<!tpu.dma_semaphore, #tpu.memory_space<semaphore_mem>>) src(%arg13 : memref<128x80xf32, #tpu.memory_space<vmem>>) dst(%dma_wait3A_210 : memref<12552x80xf32, #tpu.memory_space<vmem_shared>>)
        tpu.yield
      }) : () -> ()
    }
    %scan3A_10 = arith.constant 391 : i32
    %barrier3A_11 = arith.constant 0 : index
    tpu.barrier barrier_id(%barrier3A_11)
    %mul3A_12 = arith.constant 784 : i32
    %mul3A_13 = arith.muli %arg1, %mul3A_12 : i32
    %mul3A_14 = arith.constant 784 : i32
    %mul3A_15 = arith.muli %arg1, %mul3A_14 : i32
    %add3A_16 = arith.addi %mul3A_3, %mul3A_15 : i32
    "tpu.region"() ({
      %run_scoped3A = tpu.sem_alloc : memref<!tpu.dma_semaphore, #tpu.memory_space<semaphore_mem>>
      %dma_start3A = arith.constant 0 : i32
      %dma_start3A_40 = tpu.memref_slice %arg7[%add3A_16, %dma_start3A] : memref<50176x80xf32, #tpu.memory_space<hbm>> -> memref<784x80xf32, #tpu.memory_space<hbm>>
      %dma_start3A_41 = arith.constant 0 : i32
      %dma_start3A_42 = tpu.memref_slice %arg14[%mul3A_13, %dma_start3A_41] : memref<12552x80xf32, #tpu.memory_space<vmem_shared>> -> memref<784x80xf32, #tpu.memory_space<vmem_shared>>
      tpu.enqueue_dma source(%dma_start3A_42 : memref<784x80xf32, #tpu.memory_space<vmem_shared>>) target(%dma_start3A_40 : memref<784x80xf32, #tpu.memory_space<hbm>>) target_semaphore(%run_scoped3A : memref<!tpu.dma_semaphore, #tpu.memory_space<semaphore_mem>>)
      %dma_wait3A = arith.constant 0 : i32
      %dma_wait3A_43 = tpu.memref_slice %arg7[%add3A_16, %dma_wait3A] : memref<50176x80xf32, #tpu.memory_space<hbm>> -> memref<784x80xf32, #tpu.memory_space<hbm>>
      %dma_wait3A_44 = arith.constant 0 : i32
      %dma_wait3A_45 = tpu.memref_slice %arg14[%mul3A_13, %dma_wait3A_44] : memref<12552x80xf32, #tpu.memory_space<vmem_shared>> -> memref<784x80xf32, #tpu.memory_space<vmem_shared>>
      tpu.wait_dma2 semaphore(%run_scoped3A : memref<!tpu.dma_semaphore, #tpu.memory_space<semaphore_mem>>) src(%dma_wait3A_45 : memref<784x80xf32, #tpu.memory_space<vmem_shared>>) dst(%dma_wait3A_43 : memref<784x80xf32, #tpu.memory_space<hbm>>)
      tpu.yield
    }) : () -> ()
    %barrier3A_17 = arith.constant 0 : index
    tpu.barrier barrier_id(%barrier3A_17)
    %mul3A_18 = arith.constant 2 : i32
    %mul3A_19 = arith.muli %mul3A_18, %arg0 : i32
    %add3A_20 = arith.constant 1 : i32
    %add3A_21 = arith.addi %mul3A_19, %add3A_20 : i32
    %mul3A_22 = arith.constant 12544 : i32
    %mul3A_23 = arith.muli %add3A_21, %mul3A_22 : i32
    %mul3A_24 = arith.constant 784 : i32
    %mul3A_25 = arith.muli %arg1, %mul3A_24 : i32
    "tpu.region"() ({
      %run_scoped3A = tpu.sem_alloc : memref<!tpu.dma_semaphore, #tpu.memory_space<semaphore_mem>>
      %dma_start3A = arith.constant 0 : i32
      %dma_start3A_40 = tpu.memref_slice %arg14[%mul3A_25, %dma_start3A] : memref<12552x80xf32, #tpu.memory_space<vmem_shared>> -> memref<784x80xf32, #tpu.memory_space<vmem_shared>>
      tpu.enqueue_dma source(%arg6 : memref<784x80xf32, #tpu.memory_space<hbm>>) target(%dma_start3A_40 : memref<784x80xf32, #tpu.memory_space<vmem_shared>>) target_semaphore(%run_scoped3A : memref<!tpu.dma_semaphore, #tpu.memory_space<semaphore_mem>>)
      %dma_wait3A = arith.constant 0 : i32
      %dma_wait3A_41 = tpu.memref_slice %arg14[%mul3A_25, %dma_wait3A] : memref<12552x80xf32, #tpu.memory_space<vmem_shared>> -> memref<784x80xf32, #tpu.memory_space<vmem_shared>>
      tpu.wait_dma2 semaphore(%run_scoped3A : memref<!tpu.dma_semaphore, #tpu.memory_space<semaphore_mem>>) src(%arg6 : memref<784x80xf32, #tpu.memory_space<hbm>>) dst(%dma_wait3A_41 : memref<784x80xf32, #tpu.memory_space<vmem_shared>>)
      tpu.yield
    }) : () -> ()
    %barrier3A_26 = arith.constant 0 : index
    tpu.barrier barrier_id(%barrier3A_26)
    %scan3A_27 = arith.constant 0 : i32
    %scan3A_28 = arith.constant 0 : i32
    %scan3A_29 = arith.constant 391 : i32
    %scan3A_30 = arith.addi %scan3A_28, %scan3A_29 : i32
    %scan3A_31 = arith.constant 1 : i32
    scf.for %scan3A_40 = %scan3A_28 to %scan3A_30 step %scan3A_31  : i32 {
      %mul3A_41 = arith.constant 50048 : i32
      %mul3A_42 = arith.muli %arg1, %mul3A_41 : i32
      %mul3A_43 = arith.constant 128 : i32
      %mul3A_44 = arith.muli %scan3A_40, %mul3A_43 : i32
      %add3A_45 = arith.addi %mul3A_42, %mul3A_44 : i32
      "tpu.region"() ({
        %run_scoped3A = tpu.sem_alloc : memref<!tpu.dma_semaphore, #tpu.memory_space<semaphore_mem>>
        %dma_start3A_205 = tpu.memref_slice %arg2[%add3A_45] : memref<800768xi32, #tpu.memory_space<hbm>> -> memref<128xi32, #tpu.memory_space<hbm>>
        %dma_start3A_206 = tpu.memref_slice %arg2[%add3A_45] : memref<800768xi32, #tpu.memory_space<hbm>> -> memref<128xi32, #tpu.memory_space<hbm>>
        tpu.enqueue_dma source(%dma_start3A_206 : memref<128xi32, #tpu.memory_space<hbm>>) target(%arg8 : memref<128xi32, #tpu.memory_space<vmem>>) target_semaphore(%run_scoped3A : memref<!tpu.dma_semaphore, #tpu.memory_space<semaphore_mem>>)
        %dma_wait3A_207 = tpu.memref_slice %arg2[%add3A_45] : memref<800768xi32, #tpu.memory_space<hbm>> -> memref<128xi32, #tpu.memory_space<hbm>>
        %dma_wait3A_208 = tpu.memref_slice %arg2[%add3A_45] : memref<800768xi32, #tpu.memory_space<hbm>> -> memref<128xi32, #tpu.memory_space<hbm>>
        tpu.wait_dma2 semaphore(%run_scoped3A : memref<!tpu.dma_semaphore, #tpu.memory_space<semaphore_mem>>) src(%dma_wait3A_208 : memref<128xi32, #tpu.memory_space<hbm>>) dst(%arg8 : memref<128xi32, #tpu.memory_space<vmem>>)
        tpu.yield
      }) : () -> ()
      "tpu.region"() ({
        %run_scoped3A = tpu.sem_alloc : memref<!tpu.dma_semaphore, #tpu.memory_space<semaphore_mem>>
        %dma_start3A_205 = tpu.memref_slice %arg3[%add3A_45] : memref<800768xi32, #tpu.memory_space<hbm>> -> memref<128xi32, #tpu.memory_space<hbm>>
        %dma_start3A_206 = tpu.memref_slice %arg3[%add3A_45] : memref<800768xi32, #tpu.memory_space<hbm>> -> memref<128xi32, #tpu.memory_space<hbm>>
        tpu.enqueue_dma source(%dma_start3A_206 : memref<128xi32, #tpu.memory_space<hbm>>) target(%arg9 : memref<128xi32, #tpu.memory_space<vmem>>) target_semaphore(%run_scoped3A : memref<!tpu.dma_semaphore, #tpu.memory_space<semaphore_mem>>)
        %dma_wait3A_207 = tpu.memref_slice %arg3[%add3A_45] : memref<800768xi32, #tpu.memory_space<hbm>> -> memref<128xi32, #tpu.memory_space<hbm>>
        %dma_wait3A_208 = tpu.memref_slice %arg3[%add3A_45] : memref<800768xi32, #tpu.memory_space<hbm>> -> memref<128xi32, #tpu.memory_space<hbm>>
        tpu.wait_dma2 semaphore(%run_scoped3A : memref<!tpu.dma_semaphore, #tpu.memory_space<semaphore_mem>>) src(%dma_wait3A_208 : memref<128xi32, #tpu.memory_space<hbm>>) dst(%arg9 : memref<128xi32, #tpu.memory_space<vmem>>)
        tpu.yield
      }) : () -> ()
      %dma_start3A = arith.constant 0 : i32
      %dma_start3A_46 = arith.constant 0 : i32
      %dma_start3A_47 = tpu.memref_slice %arg4[%dma_start3A, %dma_start3A_46] : memref<50176x80xf32, #tpu.memory_space<hbm>> -> memref<50176x80xf32, #tpu.memory_space<hbm>>
      tpu.enqueue_indirect_dma source(%dma_start3A_47 : memref<50176x80xf32, #tpu.memory_space<hbm>>) target(%arg11 : memref<128x80xf32, #tpu.memory_space<vmem>>) offsets(%arg8 : memref<128xi32, #tpu.memory_space<vmem>>) semaphore(%arg15 : memref<!tpu.dma_semaphore, #tpu.memory_space<semaphore_mem>>)
      %dma_wait3A = arith.constant 0 : i32
      %dma_wait3A_48 = arith.constant 0 : i32
      %dma_wait3A_49 = tpu.memref_slice %arg4[%dma_wait3A, %dma_wait3A_48] : memref<50176x80xf32, #tpu.memory_space<hbm>> -> memref<50176x80xf32, #tpu.memory_space<hbm>>
      tpu.wait_indirect_dma semaphore(%arg15 : memref<!tpu.dma_semaphore, #tpu.memory_space<semaphore_mem>>) src(%dma_wait3A_49 : memref<50176x80xf32, #tpu.memory_space<hbm>>) dst(%arg11 : memref<128x80xf32, #tpu.memory_space<vmem>>)
      %dma_start3A_50 = arith.constant 0 : i32
      %dma_start3A_51 = arith.constant 0 : i32
      %dma_start3A_52 = tpu.memref_slice %arg5[%dma_start3A_50, %dma_start3A_51] : memref<50176x16xf32, #tpu.memory_space<hbm>> -> memref<50176x16xf32, #tpu.memory_space<hbm>>
      tpu.enqueue_indirect_dma source(%dma_start3A_52 : memref<50176x16xf32, #tpu.memory_space<hbm>>) target(%arg12 : memref<128x16xf32, #tpu.memory_space<vmem>>) offsets(%arg9 : memref<128xi32, #tpu.memory_space<vmem>>) semaphore(%arg16 : memref<!tpu.dma_semaphore, #tpu.memory_space<semaphore_mem>>)
      %dma_wait3A_53 = arith.constant 0 : i32
      %dma_wait3A_54 = arith.constant 0 : i32
      %dma_wait3A_55 = tpu.memref_slice %arg5[%dma_wait3A_53, %dma_wait3A_54] : memref<50176x16xf32, #tpu.memory_space<hbm>> -> memref<50176x16xf32, #tpu.memory_space<hbm>>
      tpu.wait_indirect_dma semaphore(%arg16 : memref<!tpu.dma_semaphore, #tpu.memory_space<semaphore_mem>>) src(%dma_wait3A_55 : memref<50176x16xf32, #tpu.memory_space<hbm>>) dst(%arg12 : memref<128x16xf32, #tpu.memory_space<vmem>>)
      %get3A = arith.constant 0 : index
      %get3A_56 = tpu.vector_load %arg9[%get3A] {strides = array<i32>} : memref<128xi32, #tpu.memory_space<vmem>>, vector<16xi32>,
      %get3A_57 = vector.shape_cast %get3A_56 : vector<16xi32> to vector<16xi32>
      %ge3A = vector.broadcast %mul3A_23 : i32 to vector<16xi32>
      %ge3A_58 = arith.cmpi sge, %get3A_57, %ge3A : vector<16xi32>
      %add3A_59 = arith.constant 12544 : i32
      %add3A_60 = arith.addi %mul3A_23, %add3A_59 : i32
      %lt3A = vector.broadcast %add3A_60 : i32 to vector<16xi32>
      %lt3A_61 = arith.cmpi slt, %get3A_57, %lt3A : vector<16xi32>
      %and3A = arith.andi %ge3A_58, %lt3A_61 : vector<16xi1>
      %sub3A = vector.broadcast %mul3A_23 : i32 to vector<16xi32>
      %sub3A_62 = arith.subi %get3A_57, %sub3A : vector<16xi32>
      %jit3A = arith.constant 12544 : i32
      %broadcast_in_dim3A = vector.broadcast %jit3A : i32 to vector<16xi32>
      %select_n3A = arith.select %and3A, %sub3A_62, %broadcast_in_dim3A : vector<16xi1>, vector<16xi32>
      %swap3A = arith.constant 0 : index
      %swap3A_63 = tpu.vector_load %arg10[%swap3A] {strides = array<i32>} : memref<128xi32, #tpu.memory_space<vmem>>, vector<16xi32>,
      %swap3A_64 = vector.shape_cast %swap3A_63 : vector<16xi32> to vector<16xi32>
      %swap3A_65 = vector.shape_cast %select_n3A : vector<16xi32> to vector<16xi32>
      tpu.vector_store %arg10[%swap3A], %swap3A_65 {strides = array<i32>} : memref<128xi32, #tpu.memory_space<vmem>>, vector<16xi32>,
      %get3A_66 = arith.constant 16 : index
      %get3A_67 = tpu.vector_load %arg9[%get3A_66] {strides = array<i32>} : memref<128xi32, #tpu.memory_space<vmem>>, vector<16xi32>,
      %get3A_68 = vector.shape_cast %get3A_67 : vector<16xi32> to vector<16xi32>
      %ge3A_69 = vector.broadcast %mul3A_23 : i32 to vector<16xi32>
      %ge3A_70 = arith.cmpi sge, %get3A_68, %ge3A_69 : vector<16xi32>
      %add3A_71 = arith.constant 12544 : i32
      %add3A_72 = arith.addi %mul3A_23, %add3A_71 : i32
      %lt3A_73 = vector.broadcast %add3A_72 : i32 to vector<16xi32>
      %lt3A_74 = arith.cmpi slt, %get3A_68, %lt3A_73 : vector<16xi32>
      %and3A_75 = arith.andi %ge3A_70, %lt3A_74 : vector<16xi1>
      %sub3A_76 = vector.broadcast %mul3A_23 : i32 to vector<16xi32>
      %sub3A_77 = arith.subi %get3A_68, %sub3A_76 : vector<16xi32>
      %jit3A_78 = arith.constant 12544 : i32
      %broadcast_in_dim3A_79 = vector.broadcast %jit3A_78 : i32 to vector<16xi32>
      %select_n3A_80 = arith.select %and3A_75, %sub3A_77, %broadcast_in_dim3A_79 : vector<16xi1>, vector<16xi32>
      %swap3A_81 = arith.constant 16 : index
      %swap3A_82 = tpu.vector_load %arg10[%swap3A_81] {strides = array<i32>} : memref<128xi32, #tpu.memory_space<vmem>>, vector<16xi32>,
      %swap3A_83 = vector.shape_cast %swap3A_82 : vector<16xi32> to vector<16xi32>
      %swap3A_84 = vector.shape_cast %select_n3A_80 : vector<16xi32> to vector<16xi32>
      tpu.vector_store %arg10[%swap3A_81], %swap3A_84 {strides = array<i32>} : memref<128xi32, #tpu.memory_space<vmem>>, vector<16xi32>,
      %get3A_85 = arith.constant 32 : index
      %get3A_86 = tpu.vector_load %arg9[%get3A_85] {strides = array<i32>} : memref<128xi32, #tpu.memory_space<vmem>>, vector<16xi32>,
      %get3A_87 = vector.shape_cast %get3A_86 : vector<16xi32> to vector<16xi32>
      %ge3A_88 = vector.broadcast %mul3A_23 : i32 to vector<16xi32>
      %ge3A_89 = arith.cmpi sge, %get3A_87, %ge3A_88 : vector<16xi32>
      %add3A_90 = arith.constant 12544 : i32
      %add3A_91 = arith.addi %mul3A_23, %add3A_90 : i32
      %lt3A_92 = vector.broadcast %add3A_91 : i32 to vector<16xi32>
      %lt3A_93 = arith.cmpi slt, %get3A_87, %lt3A_92 : vector<16xi32>
      %and3A_94 = arith.andi %ge3A_89, %lt3A_93 : vector<16xi1>
      %sub3A_95 = vector.broadcast %mul3A_23 : i32 to vector<16xi32>
      %sub3A_96 = arith.subi %get3A_87, %sub3A_95 : vector<16xi32>
      %jit3A_97 = arith.constant 12544 : i32
      %broadcast_in_dim3A_98 = vector.broadcast %jit3A_97 : i32 to vector<16xi32>
      %select_n3A_99 = arith.select %and3A_94, %sub3A_96, %broadcast_in_dim3A_98 : vector<16xi1>, vector<16xi32>
      %swap3A_100 = arith.constant 32 : index
      %swap3A_101 = tpu.vector_load %arg10[%swap3A_100] {strides = array<i32>} : memref<128xi32, #tpu.memory_space<vmem>>, vector<16xi32>,
      %swap3A_102 = vector.shape_cast %swap3A_101 : vector<16xi32> to vector<16xi32>
      %swap3A_103 = vector.shape_cast %select_n3A_99 : vector<16xi32> to vector<16xi32>
      tpu.vector_store %arg10[%swap3A_100], %swap3A_103 {strides = array<i32>} : memref<128xi32, #tpu.memory_space<vmem>>, vector<16xi32>,
      %get3A_104 = arith.constant 48 : index
      %get3A_105 = tpu.vector_load %arg9[%get3A_104] {strides = array<i32>} : memref<128xi32, #tpu.memory_space<vmem>>, vector<16xi32>,
      %get3A_106 = vector.shape_cast %get3A_105 : vector<16xi32> to vector<16xi32>
      %ge3A_107 = vector.broadcast %mul3A_23 : i32 to vector<16xi32>
      %ge3A_108 = arith.cmpi sge, %get3A_106, %ge3A_107 : vector<16xi32>
      %add3A_109 = arith.constant 12544 : i32
      %add3A_110 = arith.addi %mul3A_23, %add3A_109 : i32
      %lt3A_111 = vector.broadcast %add3A_110 : i32 to vector<16xi32>
      %lt3A_112 = arith.cmpi slt, %get3A_106, %lt3A_111 : vector<16xi32>
      %and3A_113 = arith.andi %ge3A_108, %lt3A_112 : vector<16xi1>
      %sub3A_114 = vector.broadcast %mul3A_23 : i32 to vector<16xi32>
      %sub3A_115 = arith.subi %get3A_106, %sub3A_114 : vector<16xi32>
      %jit3A_116 = arith.constant 12544 : i32
      %broadcast_in_dim3A_117 = vector.broadcast %jit3A_116 : i32 to vector<16xi32>
      %select_n3A_118 = arith.select %and3A_113, %sub3A_115, %broadcast_in_dim3A_117 : vector<16xi1>, vector<16xi32>
      %swap3A_119 = arith.constant 48 : index
      %swap3A_120 = tpu.vector_load %arg10[%swap3A_119] {strides = array<i32>} : memref<128xi32, #tpu.memory_space<vmem>>, vector<16xi32>,
      %swap3A_121 = vector.shape_cast %swap3A_120 : vector<16xi32> to vector<16xi32>
      %swap3A_122 = vector.shape_cast %select_n3A_118 : vector<16xi32> to vector<16xi32>
      tpu.vector_store %arg10[%swap3A_119], %swap3A_122 {strides = array<i32>} : memref<128xi32, #tpu.memory_space<vmem>>, vector<16xi32>,
      %get3A_123 = arith.constant 64 : index
      %get3A_124 = tpu.vector_load %arg9[%get3A_123] {strides = array<i32>} : memref<128xi32, #tpu.memory_space<vmem>>, vector<16xi32>,
      %get3A_125 = vector.shape_cast %get3A_124 : vector<16xi32> to vector<16xi32>
      %ge3A_126 = vector.broadcast %mul3A_23 : i32 to vector<16xi32>
      %ge3A_127 = arith.cmpi sge, %get3A_125, %ge3A_126 : vector<16xi32>
      %add3A_128 = arith.constant 12544 : i32
      %add3A_129 = arith.addi %mul3A_23, %add3A_128 : i32
      %lt3A_130 = vector.broadcast %add3A_129 : i32 to vector<16xi32>
      %lt3A_131 = arith.cmpi slt, %get3A_125, %lt3A_130 : vector<16xi32>
      %and3A_132 = arith.andi %ge3A_127, %lt3A_131 : vector<16xi1>
      %sub3A_133 = vector.broadcast %mul3A_23 : i32 to vector<16xi32>
      %sub3A_134 = arith.subi %get3A_125, %sub3A_133 : vector<16xi32>
      %jit3A_135 = arith.constant 12544 : i32
      %broadcast_in_dim3A_136 = vector.broadcast %jit3A_135 : i32 to vector<16xi32>
      %select_n3A_137 = arith.select %and3A_132, %sub3A_134, %broadcast_in_dim3A_136 : vector<16xi1>, vector<16xi32>
      %swap3A_138 = arith.constant 64 : index
      %swap3A_139 = tpu.vector_load %arg10[%swap3A_138] {strides = array<i32>} : memref<128xi32, #tpu.memory_space<vmem>>, vector<16xi32>,
      %swap3A_140 = vector.shape_cast %swap3A_139 : vector<16xi32> to vector<16xi32>
      %swap3A_141 = vector.shape_cast %select_n3A_137 : vector<16xi32> to vector<16xi32>
      tpu.vector_store %arg10[%swap3A_138], %swap3A_141 {strides = array<i32>} : memref<128xi32, #tpu.memory_space<vmem>>, vector<16xi32>,
      %get3A_142 = arith.constant 80 : index
      %get3A_143 = tpu.vector_load %arg9[%get3A_142] {strides = array<i32>} : memref<128xi32, #tpu.memory_space<vmem>>, vector<16xi32>,
      %get3A_144 = vector.shape_cast %get3A_143 : vector<16xi32> to vector<16xi32>
      %ge3A_145 = vector.broadcast %mul3A_23 : i32 to vector<16xi32>
      %ge3A_146 = arith.cmpi sge, %get3A_144, %ge3A_145 : vector<16xi32>
      %add3A_147 = arith.constant 12544 : i32
      %add3A_148 = arith.addi %mul3A_23, %add3A_147 : i32
      %lt3A_149 = vector.broadcast %add3A_148 : i32 to vector<16xi32>
      %lt3A_150 = arith.cmpi slt, %get3A_144, %lt3A_149 : vector<16xi32>
      %and3A_151 = arith.andi %ge3A_146, %lt3A_150 : vector<16xi1>
      %sub3A_152 = vector.broadcast %mul3A_23 : i32 to vector<16xi32>
      %sub3A_153 = arith.subi %get3A_144, %sub3A_152 : vector<16xi32>
      %jit3A_154 = arith.constant 12544 : i32
      %broadcast_in_dim3A_155 = vector.broadcast %jit3A_154 : i32 to vector<16xi32>
      %select_n3A_156 = arith.select %and3A_151, %sub3A_153, %broadcast_in_dim3A_155 : vector<16xi1>, vector<16xi32>
      %swap3A_157 = arith.constant 80 : index
      %swap3A_158 = tpu.vector_load %arg10[%swap3A_157] {strides = array<i32>} : memref<128xi32, #tpu.memory_space<vmem>>, vector<16xi32>,
      %swap3A_159 = vector.shape_cast %swap3A_158 : vector<16xi32> to vector<16xi32>
      %swap3A_160 = vector.shape_cast %select_n3A_156 : vector<16xi32> to vector<16xi32>
      tpu.vector_store %arg10[%swap3A_157], %swap3A_160 {strides = array<i32>} : memref<128xi32, #tpu.memory_space<vmem>>, vector<16xi32>,
      %get3A_161 = arith.constant 96 : index
      %get3A_162 = tpu.vector_load %arg9[%get3A_161] {strides = array<i32>} : memref<128xi32, #tpu.memory_space<vmem>>, vector<16xi32>,
      %get3A_163 = vector.shape_cast %get3A_162 : vector<16xi32> to vector<16xi32>
      %ge3A_164 = vector.broadcast %mul3A_23 : i32 to vector<16xi32>
      %ge3A_165 = arith.cmpi sge, %get3A_163, %ge3A_164 : vector<16xi32>
      %add3A_166 = arith.constant 12544 : i32
      %add3A_167 = arith.addi %mul3A_23, %add3A_166 : i32
      %lt3A_168 = vector.broadcast %add3A_167 : i32 to vector<16xi32>
      %lt3A_169 = arith.cmpi slt, %get3A_163, %lt3A_168 : vector<16xi32>
      %and3A_170 = arith.andi %ge3A_165, %lt3A_169 : vector<16xi1>
      %sub3A_171 = vector.broadcast %mul3A_23 : i32 to vector<16xi32>
      %sub3A_172 = arith.subi %get3A_163, %sub3A_171 : vector<16xi32>
      %jit3A_173 = arith.constant 12544 : i32
      %broadcast_in_dim3A_174 = vector.broadcast %jit3A_173 : i32 to vector<16xi32>
      %select_n3A_175 = arith.select %and3A_170, %sub3A_172, %broadcast_in_dim3A_174 : vector<16xi1>, vector<16xi32>
      %swap3A_176 = arith.constant 96 : index
      %swap3A_177 = tpu.vector_load %arg10[%swap3A_176] {strides = array<i32>} : memref<128xi32, #tpu.memory_space<vmem>>, vector<16xi32>,
      %swap3A_178 = vector.shape_cast %swap3A_177 : vector<16xi32> to vector<16xi32>
      %swap3A_179 = vector.shape_cast %select_n3A_175 : vector<16xi32> to vector<16xi32>
      tpu.vector_store %arg10[%swap3A_176], %swap3A_179 {strides = array<i32>} : memref<128xi32, #tpu.memory_space<vmem>>, vector<16xi32>,
      %get3A_180 = arith.constant 112 : index
      %get3A_181 = tpu.vector_load %arg9[%get3A_180] {strides = array<i32>} : memref<128xi32, #tpu.memory_space<vmem>>, vector<16xi32>,
      %get3A_182 = vector.shape_cast %get3A_181 : vector<16xi32> to vector<16xi32>
      %ge3A_183 = vector.broadcast %mul3A_23 : i32 to vector<16xi32>
      %ge3A_184 = arith.cmpi sge, %get3A_182, %ge3A_183 : vector<16xi32>
      %add3A_185 = arith.constant 12544 : i32
      %add3A_186 = arith.addi %mul3A_23, %add3A_185 : i32
      %lt3A_187 = vector.broadcast %add3A_186 : i32 to vector<16xi32>
      %lt3A_188 = arith.cmpi slt, %get3A_182, %lt3A_187 : vector<16xi32>
      %and3A_189 = arith.andi %ge3A_184, %lt3A_188 : vector<16xi1>
      %sub3A_190 = vector.broadcast %mul3A_23 : i32 to vector<16xi32>
      %sub3A_191 = arith.subi %get3A_182, %sub3A_190 : vector<16xi32>
      %jit3A_192 = arith.constant 12544 : i32
      %broadcast_in_dim3A_193 = vector.broadcast %jit3A_192 : i32 to vector<16xi32>
      %select_n3A_194 = arith.select %and3A_189, %sub3A_191, %broadcast_in_dim3A_193 : vector<16xi1>, vector<16xi32>
      %swap3A_195 = arith.constant 112 : index
      %swap3A_196 = tpu.vector_load %arg10[%swap3A_195] {strides = array<i32>} : memref<128xi32, #tpu.memory_space<vmem>>, vector<16xi32>,
      %swap3A_197 = vector.shape_cast %swap3A_196 : vector<16xi32> to vector<16xi32>
      %swap3A_198 = vector.shape_cast %select_n3A_194 : vector<16xi32> to vector<16xi32>
      tpu.vector_store %arg10[%swap3A_195], %swap3A_198 {strides = array<i32>} : memref<128xi32, #tpu.memory_space<vmem>>, vector<16xi32>,
      %scan3A_199 = arith.constant 0 : i32
      %scan3A_200 = arith.constant 0 : i32
      %scan3A_201 = arith.constant 128 : i32
      %scan3A_202 = arith.addi %scan3A_200, %scan3A_201 : i32
      %scan3A_203 = arith.constant 1 : i32
      scf.for %scan3A_205 = %scan3A_200 to %scan3A_202 step %scan3A_203  : i32 {
        %get3A_206 = arith.index_cast %scan3A_205 : i32 to index
        %get3A_207 = arith.constant 64 : index
        %get3A_208 = tpu.vector_load %arg11[%get3A_206, %get3A_207] {strides = array<i32>} : memref<128x80xf32, #tpu.memory_space<vmem>>, vector<1x16xf32>,
        %get3A_209 = vector.shape_cast %get3A_208 : vector<1x16xf32> to vector<16xf32>
        %get3A_210 = arith.index_cast %scan3A_205 : i32 to index
        %get3A_211 = arith.constant 0 : index
        %get3A_212 = tpu.vector_load %arg12[%get3A_210, %get3A_211] {strides = array<i32>} : memref<128x16xf32, #tpu.memory_space<vmem>>, vector<1x16xf32>,
        %get3A_213 = vector.shape_cast %get3A_212 : vector<1x16xf32> to vector<16xf32>
        %add3A_214 = arith.addf %get3A_209, %get3A_213 : vector<16xf32>
        %mul3A_215 = arith.constant 2.000000e-01 : f32
        %mul3A_216 = vector.broadcast %mul3A_215 : f32 to vector<16xf32>
        %mul3A_217 = arith.mulf %mul3A_216, %add3A_214 : vector<16xf32>
        %max3A = arith.maximumf %add3A_214, %mul3A_217 : vector<16xf32>
        %exp3A = math.exp %max3A : vector<16xf32>
        %swap3A_218 = arith.index_cast %scan3A_205 : i32 to index
        %swap3A_219 = arith.constant 64 : index
        %swap3A_220 = tpu.vector_load %arg13[%swap3A_218, %swap3A_219] {strides = array<i32>} : memref<128x80xf32, #tpu.memory_space<vmem>>, vector<1x16xf32>,
        %swap3A_221 = vector.shape_cast %swap3A_220 : vector<1x16xf32> to vector<16xf32>
        %swap3A_222 = vector.shape_cast %exp3A : vector<16xf32> to vector<1x16xf32>
        tpu.vector_store %arg13[%swap3A_218, %swap3A_219], %swap3A_222 {strides = array<i32>} : memref<128x80xf32, #tpu.memory_space<vmem>>, vector<1x16xf32>,
        %get3A_223 = arith.index_cast %scan3A_205 : i32 to index
        %get3A_224 = arith.constant 0 : index
        %get3A_225 = tpu.vector_load %arg11[%get3A_223, %get3A_224] {strides = array<i32>} : memref<128x80xf32, #tpu.memory_space<vmem>>, vector<1x16xf32>,
        %get3A_226 = vector.shape_cast %get3A_225 : vector<1x16xf32> to vector<16xf32>
        %slice3A = vector.extract_strided_slice %exp3A {offsets = [0], sizes = [1], strides = [1]} : vector<16xf32> to vector<1xf32>
        %squeeze3A = vector.extract %slice3A[0] : f32 from vector<1xf32>
        %mul3A_227 = vector.broadcast %squeeze3A : f32 to vector<16xf32>
        %mul3A_228 = arith.mulf %get3A_226, %mul3A_227 : vector<16xf32>
        %swap3A_229 = arith.index_cast %scan3A_205 : i32 to index
        %swap3A_230 = arith.constant 0 : index
        %swap3A_231 = tpu.vector_load %arg13[%swap3A_229, %swap3A_230] {strides = array<i32>} : memref<128x80xf32, #tpu.memory_space<vmem>>, vector<1x16xf32>,
        %swap3A_232 = vector.shape_cast %swap3A_231 : vector<1x16xf32> to vector<16xf32>
        %swap3A_233 = vector.shape_cast %mul3A_228 : vector<16xf32> to vector<1x16xf32>
        tpu.vector_store %arg13[%swap3A_229, %swap3A_230], %swap3A_233 {strides = array<i32>} : memref<128x80xf32, #tpu.memory_space<vmem>>, vector<1x16xf32>,
        %get3A_234 = arith.index_cast %scan3A_205 : i32 to index
        %get3A_235 = arith.constant 16 : index
        %get3A_236 = tpu.vector_load %arg11[%get3A_234, %get3A_235] {strides = array<i32>} : memref<128x80xf32, #tpu.memory_space<vmem>>, vector<1x16xf32>,
        %get3A_237 = vector.shape_cast %get3A_236 : vector<1x16xf32> to vector<16xf32>
        %slice3A_238 = vector.extract_strided_slice %exp3A {offsets = [1], sizes = [1], strides = [1]} : vector<16xf32> to vector<1xf32>
        %squeeze3A_239 = vector.extract %slice3A_238[0] : f32 from vector<1xf32>
        %mul3A_240 = vector.broadcast %squeeze3A_239 : f32 to vector<16xf32>
        %mul3A_241 = arith.mulf %get3A_237, %mul3A_240 : vector<16xf32>
        %swap3A_242 = arith.index_cast %scan3A_205 : i32 to index
        %swap3A_243 = arith.constant 16 : index
        %swap3A_244 = tpu.vector_load %arg13[%swap3A_242, %swap3A_243] {strides = array<i32>} : memref<128x80xf32, #tpu.memory_space<vmem>>, vector<1x16xf32>,
        %swap3A_245 = vector.shape_cast %swap3A_244 : vector<1x16xf32> to vector<16xf32>
        %swap3A_246 = vector.shape_cast %mul3A_241 : vector<16xf32> to vector<1x16xf32>
        tpu.vector_store %arg13[%swap3A_242, %swap3A_243], %swap3A_246 {strides = array<i32>} : memref<128x80xf32, #tpu.memory_space<vmem>>, vector<1x16xf32>,
        %get3A_247 = arith.index_cast %scan3A_205 : i32 to index
        %get3A_248 = arith.constant 32 : index
        %get3A_249 = tpu.vector_load %arg11[%get3A_247, %get3A_248] {strides = array<i32>} : memref<128x80xf32, #tpu.memory_space<vmem>>, vector<1x16xf32>,
        %get3A_250 = vector.shape_cast %get3A_249 : vector<1x16xf32> to vector<16xf32>
        %slice3A_251 = vector.extract_strided_slice %exp3A {offsets = [2], sizes = [1], strides = [1]} : vector<16xf32> to vector<1xf32>
        %squeeze3A_252 = vector.extract %slice3A_251[0] : f32 from vector<1xf32>
        %mul3A_253 = vector.broadcast %squeeze3A_252 : f32 to vector<16xf32>
        %mul3A_254 = arith.mulf %get3A_250, %mul3A_253 : vector<16xf32>
        %swap3A_255 = arith.index_cast %scan3A_205 : i32 to index
        %swap3A_256 = arith.constant 32 : index
        %swap3A_257 = tpu.vector_load %arg13[%swap3A_255, %swap3A_256] {strides = array<i32>} : memref<128x80xf32, #tpu.memory_space<vmem>>, vector<1x16xf32>,
        %swap3A_258 = vector.shape_cast %swap3A_257 : vector<1x16xf32> to vector<16xf32>
        %swap3A_259 = vector.shape_cast %mul3A_254 : vector<16xf32> to vector<1x16xf32>
        tpu.vector_store %arg13[%swap3A_255, %swap3A_256], %swap3A_259 {strides = array<i32>} : memref<128x80xf32, #tpu.memory_space<vmem>>, vector<1x16xf32>,
        %get3A_260 = arith.index_cast %scan3A_205 : i32 to index
        %get3A_261 = arith.constant 48 : index
        %get3A_262 = tpu.vector_load %arg11[%get3A_260, %get3A_261] {strides = array<i32>} : memref<128x80xf32, #tpu.memory_space<vmem>>, vector<1x16xf32>,
        %get3A_263 = vector.shape_cast %get3A_262 : vector<1x16xf32> to vector<16xf32>
        %slice3A_264 = vector.extract_strided_slice %exp3A {offsets = [3], sizes = [1], strides = [1]} : vector<16xf32> to vector<1xf32>
        %squeeze3A_265 = vector.extract %slice3A_264[0] : f32 from vector<1xf32>
        %mul3A_266 = vector.broadcast %squeeze3A_265 : f32 to vector<16xf32>
        %mul3A_267 = arith.mulf %get3A_263, %mul3A_266 : vector<16xf32>
        %swap3A_268 = arith.index_cast %scan3A_205 : i32 to index
        %swap3A_269 = arith.constant 48 : index
        %swap3A_270 = tpu.vector_load %arg13[%swap3A_268, %swap3A_269] {strides = array<i32>} : memref<128x80xf32, #tpu.memory_space<vmem>>, vector<1x16xf32>,
        %swap3A_271 = vector.shape_cast %swap3A_270 : vector<1x16xf32> to vector<16xf32>
        %swap3A_272 = vector.shape_cast %mul3A_267 : vector<16xf32> to vector<1x16xf32>
        tpu.vector_store %arg13[%swap3A_268, %swap3A_269], %swap3A_272 {strides = array<i32>} : memref<128x80xf32, #tpu.memory_space<vmem>>, vector<1x16xf32>,
      }
      %scan3A_204 = arith.constant 128 : i32
      "tpu.region"() ({
        %run_scoped3A = tpu.sem_alloc : memref<!tpu.dma_semaphore, #tpu.memory_space<semaphore_mem>>
        %dma_start3A_205 = arith.constant 0 : i32
        %dma_start3A_206 = arith.constant 0 : i32
        %dma_start3A_207 = tpu.memref_slice %arg14[%dma_start3A_205, %dma_start3A_206] : memref<12552x80xf32, #tpu.memory_space<vmem_shared>> -> memref<12552x80xf32, #tpu.memory_space<vmem_shared>>
        tpu.enqueue_indirect_dma source(%arg13 : memref<128x80xf32, #tpu.memory_space<vmem>>) target(%dma_start3A_207 : memref<12552x80xf32, #tpu.memory_space<vmem_shared>>) offsets(%arg10 : memref<128xi32, #tpu.memory_space<vmem>>) semaphore(%run_scoped3A : memref<!tpu.dma_semaphore, #tpu.memory_space<semaphore_mem>>) {add = true}
        %dma_wait3A_208 = arith.constant 0 : i32
        %dma_wait3A_209 = arith.constant 0 : i32
        %dma_wait3A_210 = tpu.memref_slice %arg14[%dma_wait3A_208, %dma_wait3A_209] : memref<12552x80xf32, #tpu.memory_space<vmem_shared>> -> memref<12552x80xf32, #tpu.memory_space<vmem_shared>>
        tpu.wait_indirect_dma semaphore(%run_scoped3A : memref<!tpu.dma_semaphore, #tpu.memory_space<semaphore_mem>>) src(%arg13 : memref<128x80xf32, #tpu.memory_space<vmem>>) dst(%dma_wait3A_210 : memref<12552x80xf32, #tpu.memory_space<vmem_shared>>)
        tpu.yield
      }) : () -> ()
    }
    %scan3A_32 = arith.constant 391 : i32
    %barrier3A_33 = arith.constant 0 : index
    tpu.barrier barrier_id(%barrier3A_33)
    %mul3A_34 = arith.constant 784 : i32
    %mul3A_35 = arith.muli %arg1, %mul3A_34 : i32
    %mul3A_36 = arith.constant 784 : i32
    %mul3A_37 = arith.muli %arg1, %mul3A_36 : i32
    %add3A_38 = arith.addi %mul3A_23, %mul3A_37 : i32
    "tpu.region"() ({
      %run_scoped3A = tpu.sem_alloc : memref<!tpu.dma_semaphore, #tpu.memory_space<semaphore_mem>>
      %dma_start3A = arith.constant 0 : i32
      %dma_start3A_40 = tpu.memref_slice %arg7[%add3A_38, %dma_start3A] : memref<50176x80xf32, #tpu.memory_space<hbm>> -> memref<784x80xf32, #tpu.memory_space<hbm>>
      %dma_start3A_41 = arith.constant 0 : i32
      %dma_start3A_42 = tpu.memref_slice %arg14[%mul3A_35, %dma_start3A_41] : memref<12552x80xf32, #tpu.memory_space<vmem_shared>> -> memref<784x80xf32, #tpu.memory_space<vmem_shared>>
      tpu.enqueue_dma source(%dma_start3A_42 : memref<784x80xf32, #tpu.memory_space<vmem_shared>>) target(%dma_start3A_40 : memref<784x80xf32, #tpu.memory_space<hbm>>) target_semaphore(%run_scoped3A : memref<!tpu.dma_semaphore, #tpu.memory_space<semaphore_mem>>)
      %dma_wait3A = arith.constant 0 : i32
      %dma_wait3A_43 = tpu.memref_slice %arg7[%add3A_38, %dma_wait3A] : memref<50176x80xf32, #tpu.memory_space<hbm>> -> memref<784x80xf32, #tpu.memory_space<hbm>>
      %dma_wait3A_44 = arith.constant 0 : i32
      %dma_wait3A_45 = tpu.memref_slice %arg14[%mul3A_35, %dma_wait3A_44] : memref<12552x80xf32, #tpu.memory_space<vmem_shared>> -> memref<784x80xf32, #tpu.memory_space<vmem_shared>>
      tpu.wait_dma2 semaphore(%run_scoped3A : memref<!tpu.dma_semaphore, #tpu.memory_space<semaphore_mem>>) src(%dma_wait3A_45 : memref<784x80xf32, #tpu.memory_space<vmem_shared>>) dst(%dma_wait3A_43 : memref<784x80xf32, #tpu.memory_space<hbm>>)
      tpu.yield
    }) : () -> ()
    %barrier3A_39 = arith.constant 0 : index
    tpu.barrier barrier_id(%barrier3A_39)
    return
  }
}

#map = affine_map<(d0, d1) -> (0)>
#map1 = affine_map<(d0, d1) -> (0, 0)>
module attributes {stable_mosaic.version = 14 : i64} {
  func.func @_sc_edge_body(%arg0: i32, %arg1: i32, %arg2: memref<800768xi32, #tpu.memory_space<hbm>>, %arg3: memref<800768xi32, #tpu.memory_space<hbm>>, %arg4: memref<50176x80xf32, #tpu.memory_space<hbm>>, %arg5: memref<50176x16xf32, #tpu.memory_space<hbm>>, %arg6: memref<784x80xf32, #tpu.memory_space<hbm>>, %arg7: memref<50176x80xf32, #tpu.memory_space<hbm>>, %arg8: memref<128xi32, #tpu.memory_space<vmem>>, %arg9: memref<128xi32, #tpu.memory_space<vmem>>, %arg10: memref<128xi32, #tpu.memory_space<vmem>>, %arg11: memref<128x80xf32, #tpu.memory_space<vmem>>, %arg12: memref<128x16xf32, #tpu.memory_space<vmem>>, %arg13: memref<128x80xf32, #tpu.memory_space<vmem>>, %arg14: memref<12552x80xf32, #tpu.memory_space<vmem_shared>>, %arg15: memref<!tpu.dma_semaphore, #tpu.memory_space<semaphore_mem>>, %arg16: memref<!tpu.dma_semaphore, #tpu.memory_space<semaphore_mem>>) attributes {dimension_semantics = [#tpu.dimension_semantics<core_parallel>, #tpu.dimension_semantics<subcore_parallel>], iteration_bounds = array<i64: 2, 16>, scalar_prefetch = 0 : i64, scratch_operands = 9 : i64, tpu.core_type = #tpu.core_type<sc_vector_subcore>, window_params = [{transform_indices = #map}, {transform_indices = #map}, {transform_indices = #map1}, {transform_indices = #map1}, {transform_indices = #map1}, {transform_indices = #map1}]} {
    %mul3A = arith.constant 2 : i32
    %mul3A_0 = arith.muli %mul3A, %arg0 : i32
    %add3A = arith.constant 0 : i32
    %add3A_1 = arith.addi %mul3A_0, %add3A : i32
    %mul3A_2 = arith.constant 12544 : i32
    %mul3A_3 = arith.muli %add3A_1, %mul3A_2 : i32
    %mul3A_4 = arith.constant 784 : i32
    %mul3A_5 = arith.muli %arg1, %mul3A_4 : i32
    "tpu.region"() ({
      %run_scoped3A = tpu.sem_alloc : memref<!tpu.dma_semaphore, #tpu.memory_space<semaphore_mem>>
      %dma_start3A = arith.constant 0 : i32
      %dma_start3A_40 = tpu.memref_slice %arg14[%mul3A_5, %dma_start3A] : memref<12552x80xf32, #tpu.memory_space<vmem_shared>> -> memref<784x80xf32, #tpu.memory_space<vmem_shared>>
      tpu.enqueue_dma source(%arg6 : memref<784x80xf32, #tpu.memory_space<hbm>>) target(%dma_start3A_40 : memref<784x80xf32, #tpu.memory_space<vmem_shared>>) target_semaphore(%run_scoped3A : memref<!tpu.dma_semaphore, #tpu.memory_space<semaphore_mem>>)
      %dma_wait3A = arith.constant 0 : i32
      %dma_wait3A_41 = tpu.memref_slice %arg14[%mul3A_5, %dma_wait3A] : memref<12552x80xf32, #tpu.memory_space<vmem_shared>> -> memref<784x80xf32, #tpu.memory_space<vmem_shared>>
      tpu.wait_dma2 semaphore(%run_scoped3A : memref<!tpu.dma_semaphore, #tpu.memory_space<semaphore_mem>>) src(%arg6 : memref<784x80xf32, #tpu.memory_space<hbm>>) dst(%dma_wait3A_41 : memref<784x80xf32, #tpu.memory_space<vmem_shared>>)
      tpu.yield
    }) : () -> ()
    %barrier3A = arith.constant 0 : index
    tpu.barrier barrier_id(%barrier3A)
    %scan3A = arith.constant 0 : i32
    %scan3A_6 = arith.constant 0 : i32
    %scan3A_7 = arith.constant 391 : i32
    %scan3A_8 = arith.addi %scan3A_6, %scan3A_7 : i32
    %scan3A_9 = arith.constant 1 : i32
    scf.for %scan3A_40 = %scan3A_6 to %scan3A_8 step %scan3A_9  : i32 {
      %mul3A_41 = arith.constant 50048 : i32
      %mul3A_42 = arith.muli %arg1, %mul3A_41 : i32
      %mul3A_43 = arith.constant 128 : i32
      %mul3A_44 = arith.muli %scan3A_40, %mul3A_43 : i32
      %add3A_45 = arith.addi %mul3A_42, %mul3A_44 : i32
      "tpu.region"() ({
        %run_scoped3A = tpu.sem_alloc : memref<!tpu.dma_semaphore, #tpu.memory_space<semaphore_mem>>
        %dma_start3A_205 = tpu.memref_slice %arg2[%add3A_45] : memref<800768xi32, #tpu.memory_space<hbm>> -> memref<128xi32, #tpu.memory_space<hbm>>
        %dma_start3A_206 = tpu.memref_slice %arg2[%add3A_45] : memref<800768xi32, #tpu.memory_space<hbm>> -> memref<128xi32, #tpu.memory_space<hbm>>
        tpu.enqueue_dma source(%dma_start3A_206 : memref<128xi32, #tpu.memory_space<hbm>>) target(%arg8 : memref<128xi32, #tpu.memory_space<vmem>>) target_semaphore(%run_scoped3A : memref<!tpu.dma_semaphore, #tpu.memory_space<semaphore_mem>>)
        %dma_wait3A_207 = tpu.memref_slice %arg2[%add3A_45] : memref<800768xi32, #tpu.memory_space<hbm>> -> memref<128xi32, #tpu.memory_space<hbm>>
        %dma_wait3A_208 = tpu.memref_slice %arg2[%add3A_45] : memref<800768xi32, #tpu.memory_space<hbm>> -> memref<128xi32, #tpu.memory_space<hbm>>
        tpu.wait_dma2 semaphore(%run_scoped3A : memref<!tpu.dma_semaphore, #tpu.memory_space<semaphore_mem>>) src(%dma_wait3A_208 : memref<128xi32, #tpu.memory_space<hbm>>) dst(%arg8 : memref<128xi32, #tpu.memory_space<vmem>>)
        tpu.yield
      }) : () -> ()
      "tpu.region"() ({
        %run_scoped3A = tpu.sem_alloc : memref<!tpu.dma_semaphore, #tpu.memory_space<semaphore_mem>>
        %dma_start3A_205 = tpu.memref_slice %arg3[%add3A_45] : memref<800768xi32, #tpu.memory_space<hbm>> -> memref<128xi32, #tpu.memory_space<hbm>>
        %dma_start3A_206 = tpu.memref_slice %arg3[%add3A_45] : memref<800768xi32, #tpu.memory_space<hbm>> -> memref<128xi32, #tpu.memory_space<hbm>>
        tpu.enqueue_dma source(%dma_start3A_206 : memref<128xi32, #tpu.memory_space<hbm>>) target(%arg9 : memref<128xi32, #tpu.memory_space<vmem>>) target_semaphore(%run_scoped3A : memref<!tpu.dma_semaphore, #tpu.memory_space<semaphore_mem>>)
        %dma_wait3A_207 = tpu.memref_slice %arg3[%add3A_45] : memref<800768xi32, #tpu.memory_space<hbm>> -> memref<128xi32, #tpu.memory_space<hbm>>
        %dma_wait3A_208 = tpu.memref_slice %arg3[%add3A_45] : memref<800768xi32, #tpu.memory_space<hbm>> -> memref<128xi32, #tpu.memory_space<hbm>>
        tpu.wait_dma2 semaphore(%run_scoped3A : memref<!tpu.dma_semaphore, #tpu.memory_space<semaphore_mem>>) src(%dma_wait3A_208 : memref<128xi32, #tpu.memory_space<hbm>>) dst(%arg9 : memref<128xi32, #tpu.memory_space<vmem>>)
        tpu.yield
      }) : () -> ()
      %dma_start3A = arith.constant 0 : i32
      %dma_start3A_46 = arith.constant 0 : i32
      %dma_start3A_47 = tpu.memref_slice %arg4[%dma_start3A, %dma_start3A_46] : memref<50176x80xf32, #tpu.memory_space<hbm>> -> memref<50176x80xf32, #tpu.memory_space<hbm>>
      tpu.enqueue_indirect_dma source(%dma_start3A_47 : memref<50176x80xf32, #tpu.memory_space<hbm>>) target(%arg11 : memref<128x80xf32, #tpu.memory_space<vmem>>) offsets(%arg8 : memref<128xi32, #tpu.memory_space<vmem>>) semaphore(%arg15 : memref<!tpu.dma_semaphore, #tpu.memory_space<semaphore_mem>>)
      %dma_wait3A = arith.constant 0 : i32
      %dma_wait3A_48 = arith.constant 0 : i32
      %dma_wait3A_49 = tpu.memref_slice %arg4[%dma_wait3A, %dma_wait3A_48] : memref<50176x80xf32, #tpu.memory_space<hbm>> -> memref<50176x80xf32, #tpu.memory_space<hbm>>
      tpu.wait_indirect_dma semaphore(%arg15 : memref<!tpu.dma_semaphore, #tpu.memory_space<semaphore_mem>>) src(%dma_wait3A_49 : memref<50176x80xf32, #tpu.memory_space<hbm>>) dst(%arg11 : memref<128x80xf32, #tpu.memory_space<vmem>>)
      %dma_start3A_50 = arith.constant 0 : i32
      %dma_start3A_51 = arith.constant 0 : i32
      %dma_start3A_52 = tpu.memref_slice %arg5[%dma_start3A_50, %dma_start3A_51] : memref<50176x16xf32, #tpu.memory_space<hbm>> -> memref<50176x16xf32, #tpu.memory_space<hbm>>
      tpu.enqueue_indirect_dma source(%dma_start3A_52 : memref<50176x16xf32, #tpu.memory_space<hbm>>) target(%arg12 : memref<128x16xf32, #tpu.memory_space<vmem>>) offsets(%arg9 : memref<128xi32, #tpu.memory_space<vmem>>) semaphore(%arg16 : memref<!tpu.dma_semaphore, #tpu.memory_space<semaphore_mem>>)
      %dma_wait3A_53 = arith.constant 0 : i32
      %dma_wait3A_54 = arith.constant 0 : i32
      %dma_wait3A_55 = tpu.memref_slice %arg5[%dma_wait3A_53, %dma_wait3A_54] : memref<50176x16xf32, #tpu.memory_space<hbm>> -> memref<50176x16xf32, #tpu.memory_space<hbm>>
      tpu.wait_indirect_dma semaphore(%arg16 : memref<!tpu.dma_semaphore, #tpu.memory_space<semaphore_mem>>) src(%dma_wait3A_55 : memref<50176x16xf32, #tpu.memory_space<hbm>>) dst(%arg12 : memref<128x16xf32, #tpu.memory_space<vmem>>)
      %get3A = arith.constant 0 : index
      %get3A_56 = tpu.vector_load %arg9[%get3A] {strides = array<i32>} : memref<128xi32, #tpu.memory_space<vmem>>, vector<16xi32>,
      %get3A_57 = vector.shape_cast %get3A_56 : vector<16xi32> to vector<16xi32>
      %ge3A = vector.broadcast %mul3A_3 : i32 to vector<16xi32>
      %ge3A_58 = arith.cmpi sge, %get3A_57, %ge3A : vector<16xi32>
      %add3A_59 = arith.constant 12544 : i32
      %add3A_60 = arith.addi %mul3A_3, %add3A_59 : i32
      %lt3A = vector.broadcast %add3A_60 : i32 to vector<16xi32>
      %lt3A_61 = arith.cmpi slt, %get3A_57, %lt3A : vector<16xi32>
      %and3A = arith.andi %ge3A_58, %lt3A_61 : vector<16xi1>
      %sub3A = vector.broadcast %mul3A_3 : i32 to vector<16xi32>
      %sub3A_62 = arith.subi %get3A_57, %sub3A : vector<16xi32>
      %jit3A = arith.constant 12544 : i32
      %broadcast_in_dim3A = vector.broadcast %jit3A : i32 to vector<16xi32>
      %select_n3A = arith.select %and3A, %sub3A_62, %broadcast_in_dim3A : vector<16xi1>, vector<16xi32>
      %swap3A = arith.constant 0 : index
      %swap3A_63 = tpu.vector_load %arg10[%swap3A] {strides = array<i32>} : memref<128xi32, #tpu.memory_space<vmem>>, vector<16xi32>,
      %swap3A_64 = vector.shape_cast %swap3A_63 : vector<16xi32> to vector<16xi32>
      %swap3A_65 = vector.shape_cast %select_n3A : vector<16xi32> to vector<16xi32>
      tpu.vector_store %arg10[%swap3A], %swap3A_65 {strides = array<i32>} : memref<128xi32, #tpu.memory_space<vmem>>, vector<16xi32>,
      %get3A_66 = arith.constant 16 : index
      %get3A_67 = tpu.vector_load %arg9[%get3A_66] {strides = array<i32>} : memref<128xi32, #tpu.memory_space<vmem>>, vector<16xi32>,
      %get3A_68 = vector.shape_cast %get3A_67 : vector<16xi32> to vector<16xi32>
      %ge3A_69 = vector.broadcast %mul3A_3 : i32 to vector<16xi32>
      %ge3A_70 = arith.cmpi sge, %get3A_68, %ge3A_69 : vector<16xi32>
      %add3A_71 = arith.constant 12544 : i32
      %add3A_72 = arith.addi %mul3A_3, %add3A_71 : i32
      %lt3A_73 = vector.broadcast %add3A_72 : i32 to vector<16xi32>
      %lt3A_74 = arith.cmpi slt, %get3A_68, %lt3A_73 : vector<16xi32>
      %and3A_75 = arith.andi %ge3A_70, %lt3A_74 : vector<16xi1>
      %sub3A_76 = vector.broadcast %mul3A_3 : i32 to vector<16xi32>
      %sub3A_77 = arith.subi %get3A_68, %sub3A_76 : vector<16xi32>
      %jit3A_78 = arith.constant 12544 : i32
      %broadcast_in_dim3A_79 = vector.broadcast %jit3A_78 : i32 to vector<16xi32>
      %select_n3A_80 = arith.select %and3A_75, %sub3A_77, %broadcast_in_dim3A_79 : vector<16xi1>, vector<16xi32>
      %swap3A_81 = arith.constant 16 : index
      %swap3A_82 = tpu.vector_load %arg10[%swap3A_81] {strides = array<i32>} : memref<128xi32, #tpu.memory_space<vmem>>, vector<16xi32>,
      %swap3A_83 = vector.shape_cast %swap3A_82 : vector<16xi32> to vector<16xi32>
      %swap3A_84 = vector.shape_cast %select_n3A_80 : vector<16xi32> to vector<16xi32>
      tpu.vector_store %arg10[%swap3A_81], %swap3A_84 {strides = array<i32>} : memref<128xi32, #tpu.memory_space<vmem>>, vector<16xi32>,
      %get3A_85 = arith.constant 32 : index
      %get3A_86 = tpu.vector_load %arg9[%get3A_85] {strides = array<i32>} : memref<128xi32, #tpu.memory_space<vmem>>, vector<16xi32>,
      %get3A_87 = vector.shape_cast %get3A_86 : vector<16xi32> to vector<16xi32>
      %ge3A_88 = vector.broadcast %mul3A_3 : i32 to vector<16xi32>
      %ge3A_89 = arith.cmpi sge, %get3A_87, %ge3A_88 : vector<16xi32>
      %add3A_90 = arith.constant 12544 : i32
      %add3A_91 = arith.addi %mul3A_3, %add3A_90 : i32
      %lt3A_92 = vector.broadcast %add3A_91 : i32 to vector<16xi32>
      %lt3A_93 = arith.cmpi slt, %get3A_87, %lt3A_92 : vector<16xi32>
      %and3A_94 = arith.andi %ge3A_89, %lt3A_93 : vector<16xi1>
      %sub3A_95 = vector.broadcast %mul3A_3 : i32 to vector<16xi32>
      %sub3A_96 = arith.subi %get3A_87, %sub3A_95 : vector<16xi32>
      %jit3A_97 = arith.constant 12544 : i32
      %broadcast_in_dim3A_98 = vector.broadcast %jit3A_97 : i32 to vector<16xi32>
      %select_n3A_99 = arith.select %and3A_94, %sub3A_96, %broadcast_in_dim3A_98 : vector<16xi1>, vector<16xi32>
      %swap3A_100 = arith.constant 32 : index
      %swap3A_101 = tpu.vector_load %arg10[%swap3A_100] {strides = array<i32>} : memref<128xi32, #tpu.memory_space<vmem>>, vector<16xi32>,
      %swap3A_102 = vector.shape_cast %swap3A_101 : vector<16xi32> to vector<16xi32>
      %swap3A_103 = vector.shape_cast %select_n3A_99 : vector<16xi32> to vector<16xi32>
      tpu.vector_store %arg10[%swap3A_100], %swap3A_103 {strides = array<i32>} : memref<128xi32, #tpu.memory_space<vmem>>, vector<16xi32>,
      %get3A_104 = arith.constant 48 : index
      %get3A_105 = tpu.vector_load %arg9[%get3A_104] {strides = array<i32>} : memref<128xi32, #tpu.memory_space<vmem>>, vector<16xi32>,
      %get3A_106 = vector.shape_cast %get3A_105 : vector<16xi32> to vector<16xi32>
      %ge3A_107 = vector.broadcast %mul3A_3 : i32 to vector<16xi32>
      %ge3A_108 = arith.cmpi sge, %get3A_106, %ge3A_107 : vector<16xi32>
      %add3A_109 = arith.constant 12544 : i32
      %add3A_110 = arith.addi %mul3A_3, %add3A_109 : i32
      %lt3A_111 = vector.broadcast %add3A_110 : i32 to vector<16xi32>
      %lt3A_112 = arith.cmpi slt, %get3A_106, %lt3A_111 : vector<16xi32>
      %and3A_113 = arith.andi %ge3A_108, %lt3A_112 : vector<16xi1>
      %sub3A_114 = vector.broadcast %mul3A_3 : i32 to vector<16xi32>
      %sub3A_115 = arith.subi %get3A_106, %sub3A_114 : vector<16xi32>
      %jit3A_116 = arith.constant 12544 : i32
      %broadcast_in_dim3A_117 = vector.broadcast %jit3A_116 : i32 to vector<16xi32>
      %select_n3A_118 = arith.select %and3A_113, %sub3A_115, %broadcast_in_dim3A_117 : vector<16xi1>, vector<16xi32>
      %swap3A_119 = arith.constant 48 : index
      %swap3A_120 = tpu.vector_load %arg10[%swap3A_119] {strides = array<i32>} : memref<128xi32, #tpu.memory_space<vmem>>, vector<16xi32>,
      %swap3A_121 = vector.shape_cast %swap3A_120 : vector<16xi32> to vector<16xi32>
      %swap3A_122 = vector.shape_cast %select_n3A_118 : vector<16xi32> to vector<16xi32>
      tpu.vector_store %arg10[%swap3A_119], %swap3A_122 {strides = array<i32>} : memref<128xi32, #tpu.memory_space<vmem>>, vector<16xi32>,
      %get3A_123 = arith.constant 64 : index
      %get3A_124 = tpu.vector_load %arg9[%get3A_123] {strides = array<i32>} : memref<128xi32, #tpu.memory_space<vmem>>, vector<16xi32>,
      %get3A_125 = vector.shape_cast %get3A_124 : vector<16xi32> to vector<16xi32>
      %ge3A_126 = vector.broadcast %mul3A_3 : i32 to vector<16xi32>
      %ge3A_127 = arith.cmpi sge, %get3A_125, %ge3A_126 : vector<16xi32>
      %add3A_128 = arith.constant 12544 : i32
      %add3A_129 = arith.addi %mul3A_3, %add3A_128 : i32
      %lt3A_130 = vector.broadcast %add3A_129 : i32 to vector<16xi32>
      %lt3A_131 = arith.cmpi slt, %get3A_125, %lt3A_130 : vector<16xi32>
      %and3A_132 = arith.andi %ge3A_127, %lt3A_131 : vector<16xi1>
      %sub3A_133 = vector.broadcast %mul3A_3 : i32 to vector<16xi32>
      %sub3A_134 = arith.subi %get3A_125, %sub3A_133 : vector<16xi32>
      %jit3A_135 = arith.constant 12544 : i32
      %broadcast_in_dim3A_136 = vector.broadcast %jit3A_135 : i32 to vector<16xi32>
      %select_n3A_137 = arith.select %and3A_132, %sub3A_134, %broadcast_in_dim3A_136 : vector<16xi1>, vector<16xi32>
      %swap3A_138 = arith.constant 64 : index
      %swap3A_139 = tpu.vector_load %arg10[%swap3A_138] {strides = array<i32>} : memref<128xi32, #tpu.memory_space<vmem>>, vector<16xi32>,
      %swap3A_140 = vector.shape_cast %swap3A_139 : vector<16xi32> to vector<16xi32>
      %swap3A_141 = vector.shape_cast %select_n3A_137 : vector<16xi32> to vector<16xi32>
      tpu.vector_store %arg10[%swap3A_138], %swap3A_141 {strides = array<i32>} : memref<128xi32, #tpu.memory_space<vmem>>, vector<16xi32>,
      %get3A_142 = arith.constant 80 : index
      %get3A_143 = tpu.vector_load %arg9[%get3A_142] {strides = array<i32>} : memref<128xi32, #tpu.memory_space<vmem>>, vector<16xi32>,
      %get3A_144 = vector.shape_cast %get3A_143 : vector<16xi32> to vector<16xi32>
      %ge3A_145 = vector.broadcast %mul3A_3 : i32 to vector<16xi32>
      %ge3A_146 = arith.cmpi sge, %get3A_144, %ge3A_145 : vector<16xi32>
      %add3A_147 = arith.constant 12544 : i32
      %add3A_148 = arith.addi %mul3A_3, %add3A_147 : i32
      %lt3A_149 = vector.broadcast %add3A_148 : i32 to vector<16xi32>
      %lt3A_150 = arith.cmpi slt, %get3A_144, %lt3A_149 : vector<16xi32>
      %and3A_151 = arith.andi %ge3A_146, %lt3A_150 : vector<16xi1>
      %sub3A_152 = vector.broadcast %mul3A_3 : i32 to vector<16xi32>
      %sub3A_153 = arith.subi %get3A_144, %sub3A_152 : vector<16xi32>
      %jit3A_154 = arith.constant 12544 : i32
      %broadcast_in_dim3A_155 = vector.broadcast %jit3A_154 : i32 to vector<16xi32>
      %select_n3A_156 = arith.select %and3A_151, %sub3A_153, %broadcast_in_dim3A_155 : vector<16xi1>, vector<16xi32>
      %swap3A_157 = arith.constant 80 : index
      %swap3A_158 = tpu.vector_load %arg10[%swap3A_157] {strides = array<i32>} : memref<128xi32, #tpu.memory_space<vmem>>, vector<16xi32>,
      %swap3A_159 = vector.shape_cast %swap3A_158 : vector<16xi32> to vector<16xi32>
      %swap3A_160 = vector.shape_cast %select_n3A_156 : vector<16xi32> to vector<16xi32>
      tpu.vector_store %arg10[%swap3A_157], %swap3A_160 {strides = array<i32>} : memref<128xi32, #tpu.memory_space<vmem>>, vector<16xi32>,
      %get3A_161 = arith.constant 96 : index
      %get3A_162 = tpu.vector_load %arg9[%get3A_161] {strides = array<i32>} : memref<128xi32, #tpu.memory_space<vmem>>, vector<16xi32>,
      %get3A_163 = vector.shape_cast %get3A_162 : vector<16xi32> to vector<16xi32>
      %ge3A_164 = vector.broadcast %mul3A_3 : i32 to vector<16xi32>
      %ge3A_165 = arith.cmpi sge, %get3A_163, %ge3A_164 : vector<16xi32>
      %add3A_166 = arith.constant 12544 : i32
      %add3A_167 = arith.addi %mul3A_3, %add3A_166 : i32
      %lt3A_168 = vector.broadcast %add3A_167 : i32 to vector<16xi32>
      %lt3A_169 = arith.cmpi slt, %get3A_163, %lt3A_168 : vector<16xi32>
      %and3A_170 = arith.andi %ge3A_165, %lt3A_169 : vector<16xi1>
      %sub3A_171 = vector.broadcast %mul3A_3 : i32 to vector<16xi32>
      %sub3A_172 = arith.subi %get3A_163, %sub3A_171 : vector<16xi32>
      %jit3A_173 = arith.constant 12544 : i32
      %broadcast_in_dim3A_174 = vector.broadcast %jit3A_173 : i32 to vector<16xi32>
      %select_n3A_175 = arith.select %and3A_170, %sub3A_172, %broadcast_in_dim3A_174 : vector<16xi1>, vector<16xi32>
      %swap3A_176 = arith.constant 96 : index
      %swap3A_177 = tpu.vector_load %arg10[%swap3A_176] {strides = array<i32>} : memref<128xi32, #tpu.memory_space<vmem>>, vector<16xi32>,
      %swap3A_178 = vector.shape_cast %swap3A_177 : vector<16xi32> to vector<16xi32>
      %swap3A_179 = vector.shape_cast %select_n3A_175 : vector<16xi32> to vector<16xi32>
      tpu.vector_store %arg10[%swap3A_176], %swap3A_179 {strides = array<i32>} : memref<128xi32, #tpu.memory_space<vmem>>, vector<16xi32>,
      %get3A_180 = arith.constant 112 : index
      %get3A_181 = tpu.vector_load %arg9[%get3A_180] {strides = array<i32>} : memref<128xi32, #tpu.memory_space<vmem>>, vector<16xi32>,
      %get3A_182 = vector.shape_cast %get3A_181 : vector<16xi32> to vector<16xi32>
      %ge3A_183 = vector.broadcast %mul3A_3 : i32 to vector<16xi32>
      %ge3A_184 = arith.cmpi sge, %get3A_182, %ge3A_183 : vector<16xi32>
      %add3A_185 = arith.constant 12544 : i32
      %add3A_186 = arith.addi %mul3A_3, %add3A_185 : i32
      %lt3A_187 = vector.broadcast %add3A_186 : i32 to vector<16xi32>
      %lt3A_188 = arith.cmpi slt, %get3A_182, %lt3A_187 : vector<16xi32>
      %and3A_189 = arith.andi %ge3A_184, %lt3A_188 : vector<16xi1>
      %sub3A_190 = vector.broadcast %mul3A_3 : i32 to vector<16xi32>
      %sub3A_191 = arith.subi %get3A_182, %sub3A_190 : vector<16xi32>
      %jit3A_192 = arith.constant 12544 : i32
      %broadcast_in_dim3A_193 = vector.broadcast %jit3A_192 : i32 to vector<16xi32>
      %select_n3A_194 = arith.select %and3A_189, %sub3A_191, %broadcast_in_dim3A_193 : vector<16xi1>, vector<16xi32>
      %swap3A_195 = arith.constant 112 : index
      %swap3A_196 = tpu.vector_load %arg10[%swap3A_195] {strides = array<i32>} : memref<128xi32, #tpu.memory_space<vmem>>, vector<16xi32>,
      %swap3A_197 = vector.shape_cast %swap3A_196 : vector<16xi32> to vector<16xi32>
      %swap3A_198 = vector.shape_cast %select_n3A_194 : vector<16xi32> to vector<16xi32>
      tpu.vector_store %arg10[%swap3A_195], %swap3A_198 {strides = array<i32>} : memref<128xi32, #tpu.memory_space<vmem>>, vector<16xi32>,
      %scan3A_199 = arith.constant 0 : i32
      %scan3A_200 = arith.constant 0 : i32
      %scan3A_201 = arith.constant 128 : i32
      %scan3A_202 = arith.addi %scan3A_200, %scan3A_201 : i32
      %scan3A_203 = arith.constant 1 : i32
      scf.for %scan3A_205 = %scan3A_200 to %scan3A_202 step %scan3A_203  : i32 {
        %get3A_206 = arith.index_cast %scan3A_205 : i32 to index
        %get3A_207 = arith.constant 64 : index
        %get3A_208 = tpu.vector_load %arg11[%get3A_206, %get3A_207] {strides = array<i32>} : memref<128x80xf32, #tpu.memory_space<vmem>>, vector<1x16xf32>,
        %get3A_209 = vector.shape_cast %get3A_208 : vector<1x16xf32> to vector<16xf32>
        %get3A_210 = arith.index_cast %scan3A_205 : i32 to index
        %get3A_211 = arith.constant 0 : index
        %get3A_212 = tpu.vector_load %arg12[%get3A_210, %get3A_211] {strides = array<i32>} : memref<128x16xf32, #tpu.memory_space<vmem>>, vector<1x16xf32>,
        %get3A_213 = vector.shape_cast %get3A_212 : vector<1x16xf32> to vector<16xf32>
        %add3A_214 = arith.addf %get3A_209, %get3A_213 : vector<16xf32>
        %mul3A_215 = arith.constant 2.000000e-01 : f32
        %mul3A_216 = vector.broadcast %mul3A_215 : f32 to vector<16xf32>
        %mul3A_217 = arith.mulf %mul3A_216, %add3A_214 : vector<16xf32>
        %max3A = arith.maximumf %add3A_214, %mul3A_217 : vector<16xf32>
        %exp3A = math.exp %max3A : vector<16xf32>
        %swap3A_218 = arith.index_cast %scan3A_205 : i32 to index
        %swap3A_219 = arith.constant 64 : index
        %swap3A_220 = tpu.vector_load %arg13[%swap3A_218, %swap3A_219] {strides = array<i32>} : memref<128x80xf32, #tpu.memory_space<vmem>>, vector<1x16xf32>,
        %swap3A_221 = vector.shape_cast %swap3A_220 : vector<1x16xf32> to vector<16xf32>
        %swap3A_222 = vector.shape_cast %exp3A : vector<16xf32> to vector<1x16xf32>
        tpu.vector_store %arg13[%swap3A_218, %swap3A_219], %swap3A_222 {strides = array<i32>} : memref<128x80xf32, #tpu.memory_space<vmem>>, vector<1x16xf32>,
        %get3A_223 = arith.index_cast %scan3A_205 : i32 to index
        %get3A_224 = arith.constant 0 : index
        %get3A_225 = tpu.vector_load %arg11[%get3A_223, %get3A_224] {strides = array<i32>} : memref<128x80xf32, #tpu.memory_space<vmem>>, vector<1x16xf32>,
        %get3A_226 = vector.shape_cast %get3A_225 : vector<1x16xf32> to vector<16xf32>
        %slice3A = vector.extract_strided_slice %exp3A {offsets = [0], sizes = [1], strides = [1]} : vector<16xf32> to vector<1xf32>
        %squeeze3A = vector.extract %slice3A[0] : f32 from vector<1xf32>
        %mul3A_227 = vector.broadcast %squeeze3A : f32 to vector<16xf32>
        %mul3A_228 = arith.mulf %get3A_226, %mul3A_227 : vector<16xf32>
        %swap3A_229 = arith.index_cast %scan3A_205 : i32 to index
        %swap3A_230 = arith.constant 0 : index
        %swap3A_231 = tpu.vector_load %arg13[%swap3A_229, %swap3A_230] {strides = array<i32>} : memref<128x80xf32, #tpu.memory_space<vmem>>, vector<1x16xf32>,
        %swap3A_232 = vector.shape_cast %swap3A_231 : vector<1x16xf32> to vector<16xf32>
        %swap3A_233 = vector.shape_cast %mul3A_228 : vector<16xf32> to vector<1x16xf32>
        tpu.vector_store %arg13[%swap3A_229, %swap3A_230], %swap3A_233 {strides = array<i32>} : memref<128x80xf32, #tpu.memory_space<vmem>>, vector<1x16xf32>,
        %get3A_234 = arith.index_cast %scan3A_205 : i32 to index
        %get3A_235 = arith.constant 16 : index
        %get3A_236 = tpu.vector_load %arg11[%get3A_234, %get3A_235] {strides = array<i32>} : memref<128x80xf32, #tpu.memory_space<vmem>>, vector<1x16xf32>,
        %get3A_237 = vector.shape_cast %get3A_236 : vector<1x16xf32> to vector<16xf32>
        %slice3A_238 = vector.extract_strided_slice %exp3A {offsets = [1], sizes = [1], strides = [1]} : vector<16xf32> to vector<1xf32>
        %squeeze3A_239 = vector.extract %slice3A_238[0] : f32 from vector<1xf32>
        %mul3A_240 = vector.broadcast %squeeze3A_239 : f32 to vector<16xf32>
        %mul3A_241 = arith.mulf %get3A_237, %mul3A_240 : vector<16xf32>
        %swap3A_242 = arith.index_cast %scan3A_205 : i32 to index
        %swap3A_243 = arith.constant 16 : index
        %swap3A_244 = tpu.vector_load %arg13[%swap3A_242, %swap3A_243] {strides = array<i32>} : memref<128x80xf32, #tpu.memory_space<vmem>>, vector<1x16xf32>,
        %swap3A_245 = vector.shape_cast %swap3A_244 : vector<1x16xf32> to vector<16xf32>
        %swap3A_246 = vector.shape_cast %mul3A_241 : vector<16xf32> to vector<1x16xf32>
        tpu.vector_store %arg13[%swap3A_242, %swap3A_243], %swap3A_246 {strides = array<i32>} : memref<128x80xf32, #tpu.memory_space<vmem>>, vector<1x16xf32>,
        %get3A_247 = arith.index_cast %scan3A_205 : i32 to index
        %get3A_248 = arith.constant 32 : index
        %get3A_249 = tpu.vector_load %arg11[%get3A_247, %get3A_248] {strides = array<i32>} : memref<128x80xf32, #tpu.memory_space<vmem>>, vector<1x16xf32>,
        %get3A_250 = vector.shape_cast %get3A_249 : vector<1x16xf32> to vector<16xf32>
        %slice3A_251 = vector.extract_strided_slice %exp3A {offsets = [2], sizes = [1], strides = [1]} : vector<16xf32> to vector<1xf32>
        %squeeze3A_252 = vector.extract %slice3A_251[0] : f32 from vector<1xf32>
        %mul3A_253 = vector.broadcast %squeeze3A_252 : f32 to vector<16xf32>
        %mul3A_254 = arith.mulf %get3A_250, %mul3A_253 : vector<16xf32>
        %swap3A_255 = arith.index_cast %scan3A_205 : i32 to index
        %swap3A_256 = arith.constant 32 : index
        %swap3A_257 = tpu.vector_load %arg13[%swap3A_255, %swap3A_256] {strides = array<i32>} : memref<128x80xf32, #tpu.memory_space<vmem>>, vector<1x16xf32>,
        %swap3A_258 = vector.shape_cast %swap3A_257 : vector<1x16xf32> to vector<16xf32>
        %swap3A_259 = vector.shape_cast %mul3A_254 : vector<16xf32> to vector<1x16xf32>
        tpu.vector_store %arg13[%swap3A_255, %swap3A_256], %swap3A_259 {strides = array<i32>} : memref<128x80xf32, #tpu.memory_space<vmem>>, vector<1x16xf32>,
        %get3A_260 = arith.index_cast %scan3A_205 : i32 to index
        %get3A_261 = arith.constant 48 : index
        %get3A_262 = tpu.vector_load %arg11[%get3A_260, %get3A_261] {strides = array<i32>} : memref<128x80xf32, #tpu.memory_space<vmem>>, vector<1x16xf32>,
        %get3A_263 = vector.shape_cast %get3A_262 : vector<1x16xf32> to vector<16xf32>
        %slice3A_264 = vector.extract_strided_slice %exp3A {offsets = [3], sizes = [1], strides = [1]} : vector<16xf32> to vector<1xf32>
        %squeeze3A_265 = vector.extract %slice3A_264[0] : f32 from vector<1xf32>
        %mul3A_266 = vector.broadcast %squeeze3A_265 : f32 to vector<16xf32>
        %mul3A_267 = arith.mulf %get3A_263, %mul3A_266 : vector<16xf32>
        %swap3A_268 = arith.index_cast %scan3A_205 : i32 to index
        %swap3A_269 = arith.constant 48 : index
        %swap3A_270 = tpu.vector_load %arg13[%swap3A_268, %swap3A_269] {strides = array<i32>} : memref<128x80xf32, #tpu.memory_space<vmem>>, vector<1x16xf32>,
        %swap3A_271 = vector.shape_cast %swap3A_270 : vector<1x16xf32> to vector<16xf32>
        %swap3A_272 = vector.shape_cast %mul3A_267 : vector<16xf32> to vector<1x16xf32>
        tpu.vector_store %arg13[%swap3A_268, %swap3A_269], %swap3A_272 {strides = array<i32>} : memref<128x80xf32, #tpu.memory_space<vmem>>, vector<1x16xf32>,
      }
      %scan3A_204 = arith.constant 128 : i32
      "tpu.region"() ({
        %run_scoped3A = tpu.sem_alloc : memref<!tpu.dma_semaphore, #tpu.memory_space<semaphore_mem>>
        %dma_start3A_205 = arith.constant 0 : i32
        %dma_start3A_206 = arith.constant 0 : i32
        %dma_start3A_207 = tpu.memref_slice %arg14[%dma_start3A_205, %dma_start3A_206] : memref<12552x80xf32, #tpu.memory_space<vmem_shared>> -> memref<12552x80xf32, #tpu.memory_space<vmem_shared>>
        tpu.enqueue_indirect_dma source(%arg13 : memref<128x80xf32, #tpu.memory_space<vmem>>) target(%dma_start3A_207 : memref<12552x80xf32, #tpu.memory_space<vmem_shared>>) offsets(%arg10 : memref<128xi32, #tpu.memory_space<vmem>>) semaphore(%run_scoped3A : memref<!tpu.dma_semaphore, #tpu.memory_space<semaphore_mem>>) {add = true}
        %dma_wait3A_208 = arith.constant 0 : i32
        %dma_wait3A_209 = arith.constant 0 : i32
        %dma_wait3A_210 = tpu.memref_slice %arg14[%dma_wait3A_208, %dma_wait3A_209] : memref<12552x80xf32, #tpu.memory_space<vmem_shared>> -> memref<12552x80xf32, #tpu.memory_space<vmem_shared>>
        tpu.wait_indirect_dma semaphore(%run_scoped3A : memref<!tpu.dma_semaphore, #tpu.memory_space<semaphore_mem>>) src(%arg13 : memref<128x80xf32, #tpu.memory_space<vmem>>) dst(%dma_wait3A_210 : memref<12552x80xf32, #tpu.memory_space<vmem_shared>>)
        tpu.yield
      }) : () -> ()
    }
    %scan3A_10 = arith.constant 391 : i32
    %barrier3A_11 = arith.constant 0 : index
    tpu.barrier barrier_id(%barrier3A_11)
    %mul3A_12 = arith.constant 784 : i32
    %mul3A_13 = arith.muli %arg1, %mul3A_12 : i32
    %mul3A_14 = arith.constant 784 : i32
    %mul3A_15 = arith.muli %arg1, %mul3A_14 : i32
    %add3A_16 = arith.addi %mul3A_3, %mul3A_15 : i32
    "tpu.region"() ({
      %run_scoped3A = tpu.sem_alloc : memref<!tpu.dma_semaphore, #tpu.memory_space<semaphore_mem>>
      %dma_start3A = arith.constant 0 : i32
      %dma_start3A_40 = tpu.memref_slice %arg7[%add3A_16, %dma_start3A] : memref<50176x80xf32, #tpu.memory_space<hbm>> -> memref<784x80xf32, #tpu.memory_space<hbm>>
      %dma_start3A_41 = arith.constant 0 : i32
      %dma_start3A_42 = tpu.memref_slice %arg14[%mul3A_13, %dma_start3A_41] : memref<12552x80xf32, #tpu.memory_space<vmem_shared>> -> memref<784x80xf32, #tpu.memory_space<vmem_shared>>
      tpu.enqueue_dma source(%dma_start3A_42 : memref<784x80xf32, #tpu.memory_space<vmem_shared>>) target(%dma_start3A_40 : memref<784x80xf32, #tpu.memory_space<hbm>>) target_semaphore(%run_scoped3A : memref<!tpu.dma_semaphore, #tpu.memory_space<semaphore_mem>>)
      %dma_wait3A = arith.constant 0 : i32
      %dma_wait3A_43 = tpu.memref_slice %arg7[%add3A_16, %dma_wait3A] : memref<50176x80xf32, #tpu.memory_space<hbm>> -> memref<784x80xf32, #tpu.memory_space<hbm>>
      %dma_wait3A_44 = arith.constant 0 : i32
      %dma_wait3A_45 = tpu.memref_slice %arg14[%mul3A_13, %dma_wait3A_44] : memref<12552x80xf32, #tpu.memory_space<vmem_shared>> -> memref<784x80xf32, #tpu.memory_space<vmem_shared>>
      tpu.wait_dma2 semaphore(%run_scoped3A : memref<!tpu.dma_semaphore, #tpu.memory_space<semaphore_mem>>) src(%dma_wait3A_45 : memref<784x80xf32, #tpu.memory_space<vmem_shared>>) dst(%dma_wait3A_43 : memref<784x80xf32, #tpu.memory_space<hbm>>)
      tpu.yield
    }) : () -> ()
    %barrier3A_17 = arith.constant 0 : index
    tpu.barrier barrier_id(%barrier3A_17)
    %mul3A_18 = arith.constant 2 : i32
    %mul3A_19 = arith.muli %mul3A_18, %arg0 : i32
    %add3A_20 = arith.constant 1 : i32
    %add3A_21 = arith.addi %mul3A_19, %add3A_20 : i32
    %mul3A_22 = arith.constant 12544 : i32
    %mul3A_23 = arith.muli %add3A_21, %mul3A_22 : i32
    %mul3A_24 = arith.constant 784 : i32
    %mul3A_25 = arith.muli %arg1, %mul3A_24 : i32
    "tpu.region"() ({
      %run_scoped3A = tpu.sem_alloc : memref<!tpu.dma_semaphore, #tpu.memory_space<semaphore_mem>>
      %dma_start3A = arith.constant 0 : i32
      %dma_start3A_40 = tpu.memref_slice %arg14[%mul3A_25, %dma_start3A] : memref<12552x80xf32, #tpu.memory_space<vmem_shared>> -> memref<784x80xf32, #tpu.memory_space<vmem_shared>>
      tpu.enqueue_dma source(%arg6 : memref<784x80xf32, #tpu.memory_space<hbm>>) target(%dma_start3A_40 : memref<784x80xf32, #tpu.memory_space<vmem_shared>>) target_semaphore(%run_scoped3A : memref<!tpu.dma_semaphore, #tpu.memory_space<semaphore_mem>>)
      %dma_wait3A = arith.constant 0 : i32
      %dma_wait3A_41 = tpu.memref_slice %arg14[%mul3A_25, %dma_wait3A] : memref<12552x80xf32, #tpu.memory_space<vmem_shared>> -> memref<784x80xf32, #tpu.memory_space<vmem_shared>>
      tpu.wait_dma2 semaphore(%run_scoped3A : memref<!tpu.dma_semaphore, #tpu.memory_space<semaphore_mem>>) src(%arg6 : memref<784x80xf32, #tpu.memory_space<hbm>>) dst(%dma_wait3A_41 : memref<784x80xf32, #tpu.memory_space<vmem_shared>>)
      tpu.yield
    }) : () -> ()
    %barrier3A_26 = arith.constant 0 : index
    tpu.barrier barrier_id(%barrier3A_26)
    %scan3A_27 = arith.constant 0 : i32
    %scan3A_28 = arith.constant 0 : i32
    %scan3A_29 = arith.constant 391 : i32
    %scan3A_30 = arith.addi %scan3A_28, %scan3A_29 : i32
    %scan3A_31 = arith.constant 1 : i32
    scf.for %scan3A_40 = %scan3A_28 to %scan3A_30 step %scan3A_31  : i32 {
      %mul3A_41 = arith.constant 50048 : i32
      %mul3A_42 = arith.muli %arg1, %mul3A_41 : i32
      %mul3A_43 = arith.constant 128 : i32
      %mul3A_44 = arith.muli %scan3A_40, %mul3A_43 : i32
      %add3A_45 = arith.addi %mul3A_42, %mul3A_44 : i32
      "tpu.region"() ({
        %run_scoped3A = tpu.sem_alloc : memref<!tpu.dma_semaphore, #tpu.memory_space<semaphore_mem>>
        %dma_start3A_205 = tpu.memref_slice %arg2[%add3A_45] : memref<800768xi32, #tpu.memory_space<hbm>> -> memref<128xi32, #tpu.memory_space<hbm>>
        %dma_start3A_206 = tpu.memref_slice %arg2[%add3A_45] : memref<800768xi32, #tpu.memory_space<hbm>> -> memref<128xi32, #tpu.memory_space<hbm>>
        tpu.enqueue_dma source(%dma_start3A_206 : memref<128xi32, #tpu.memory_space<hbm>>) target(%arg8 : memref<128xi32, #tpu.memory_space<vmem>>) target_semaphore(%run_scoped3A : memref<!tpu.dma_semaphore, #tpu.memory_space<semaphore_mem>>)
        %dma_wait3A_207 = tpu.memref_slice %arg2[%add3A_45] : memref<800768xi32, #tpu.memory_space<hbm>> -> memref<128xi32, #tpu.memory_space<hbm>>
        %dma_wait3A_208 = tpu.memref_slice %arg2[%add3A_45] : memref<800768xi32, #tpu.memory_space<hbm>> -> memref<128xi32, #tpu.memory_space<hbm>>
        tpu.wait_dma2 semaphore(%run_scoped3A : memref<!tpu.dma_semaphore, #tpu.memory_space<semaphore_mem>>) src(%dma_wait3A_208 : memref<128xi32, #tpu.memory_space<hbm>>) dst(%arg8 : memref<128xi32, #tpu.memory_space<vmem>>)
        tpu.yield
      }) : () -> ()
      "tpu.region"() ({
        %run_scoped3A = tpu.sem_alloc : memref<!tpu.dma_semaphore, #tpu.memory_space<semaphore_mem>>
        %dma_start3A_205 = tpu.memref_slice %arg3[%add3A_45] : memref<800768xi32, #tpu.memory_space<hbm>> -> memref<128xi32, #tpu.memory_space<hbm>>
        %dma_start3A_206 = tpu.memref_slice %arg3[%add3A_45] : memref<800768xi32, #tpu.memory_space<hbm>> -> memref<128xi32, #tpu.memory_space<hbm>>
        tpu.enqueue_dma source(%dma_start3A_206 : memref<128xi32, #tpu.memory_space<hbm>>) target(%arg9 : memref<128xi32, #tpu.memory_space<vmem>>) target_semaphore(%run_scoped3A : memref<!tpu.dma_semaphore, #tpu.memory_space<semaphore_mem>>)
        %dma_wait3A_207 = tpu.memref_slice %arg3[%add3A_45] : memref<800768xi32, #tpu.memory_space<hbm>> -> memref<128xi32, #tpu.memory_space<hbm>>
        %dma_wait3A_208 = tpu.memref_slice %arg3[%add3A_45] : memref<800768xi32, #tpu.memory_space<hbm>> -> memref<128xi32, #tpu.memory_space<hbm>>
        tpu.wait_dma2 semaphore(%run_scoped3A : memref<!tpu.dma_semaphore, #tpu.memory_space<semaphore_mem>>) src(%dma_wait3A_208 : memref<128xi32, #tpu.memory_space<hbm>>) dst(%arg9 : memref<128xi32, #tpu.memory_space<vmem>>)
        tpu.yield
      }) : () -> ()
      %dma_start3A = arith.constant 0 : i32
      %dma_start3A_46 = arith.constant 0 : i32
      %dma_start3A_47 = tpu.memref_slice %arg4[%dma_start3A, %dma_start3A_46] : memref<50176x80xf32, #tpu.memory_space<hbm>> -> memref<50176x80xf32, #tpu.memory_space<hbm>>
      tpu.enqueue_indirect_dma source(%dma_start3A_47 : memref<50176x80xf32, #tpu.memory_space<hbm>>) target(%arg11 : memref<128x80xf32, #tpu.memory_space<vmem>>) offsets(%arg8 : memref<128xi32, #tpu.memory_space<vmem>>) semaphore(%arg15 : memref<!tpu.dma_semaphore, #tpu.memory_space<semaphore_mem>>)
      %dma_wait3A = arith.constant 0 : i32
      %dma_wait3A_48 = arith.constant 0 : i32
      %dma_wait3A_49 = tpu.memref_slice %arg4[%dma_wait3A, %dma_wait3A_48] : memref<50176x80xf32, #tpu.memory_space<hbm>> -> memref<50176x80xf32, #tpu.memory_space<hbm>>
      tpu.wait_indirect_dma semaphore(%arg15 : memref<!tpu.dma_semaphore, #tpu.memory_space<semaphore_mem>>) src(%dma_wait3A_49 : memref<50176x80xf32, #tpu.memory_space<hbm>>) dst(%arg11 : memref<128x80xf32, #tpu.memory_space<vmem>>)
      %dma_start3A_50 = arith.constant 0 : i32
      %dma_start3A_51 = arith.constant 0 : i32
      %dma_start3A_52 = tpu.memref_slice %arg5[%dma_start3A_50, %dma_start3A_51] : memref<50176x16xf32, #tpu.memory_space<hbm>> -> memref<50176x16xf32, #tpu.memory_space<hbm>>
      tpu.enqueue_indirect_dma source(%dma_start3A_52 : memref<50176x16xf32, #tpu.memory_space<hbm>>) target(%arg12 : memref<128x16xf32, #tpu.memory_space<vmem>>) offsets(%arg9 : memref<128xi32, #tpu.memory_space<vmem>>) semaphore(%arg16 : memref<!tpu.dma_semaphore, #tpu.memory_space<semaphore_mem>>)
      %dma_wait3A_53 = arith.constant 0 : i32
      %dma_wait3A_54 = arith.constant 0 : i32
      %dma_wait3A_55 = tpu.memref_slice %arg5[%dma_wait3A_53, %dma_wait3A_54] : memref<50176x16xf32, #tpu.memory_space<hbm>> -> memref<50176x16xf32, #tpu.memory_space<hbm>>
      tpu.wait_indirect_dma semaphore(%arg16 : memref<!tpu.dma_semaphore, #tpu.memory_space<semaphore_mem>>) src(%dma_wait3A_55 : memref<50176x16xf32, #tpu.memory_space<hbm>>) dst(%arg12 : memref<128x16xf32, #tpu.memory_space<vmem>>)
      %get3A = arith.constant 0 : index
      %get3A_56 = tpu.vector_load %arg9[%get3A] {strides = array<i32>} : memref<128xi32, #tpu.memory_space<vmem>>, vector<16xi32>,
      %get3A_57 = vector.shape_cast %get3A_56 : vector<16xi32> to vector<16xi32>
      %ge3A = vector.broadcast %mul3A_23 : i32 to vector<16xi32>
      %ge3A_58 = arith.cmpi sge, %get3A_57, %ge3A : vector<16xi32>
      %add3A_59 = arith.constant 12544 : i32
      %add3A_60 = arith.addi %mul3A_23, %add3A_59 : i32
      %lt3A = vector.broadcast %add3A_60 : i32 to vector<16xi32>
      %lt3A_61 = arith.cmpi slt, %get3A_57, %lt3A : vector<16xi32>
      %and3A = arith.andi %ge3A_58, %lt3A_61 : vector<16xi1>
      %sub3A = vector.broadcast %mul3A_23 : i32 to vector<16xi32>
      %sub3A_62 = arith.subi %get3A_57, %sub3A : vector<16xi32>
      %jit3A = arith.constant 12544 : i32
      %broadcast_in_dim3A = vector.broadcast %jit3A : i32 to vector<16xi32>
      %select_n3A = arith.select %and3A, %sub3A_62, %broadcast_in_dim3A : vector<16xi1>, vector<16xi32>
      %swap3A = arith.constant 0 : index
      %swap3A_63 = tpu.vector_load %arg10[%swap3A] {strides = array<i32>} : memref<128xi32, #tpu.memory_space<vmem>>, vector<16xi32>,
      %swap3A_64 = vector.shape_cast %swap3A_63 : vector<16xi32> to vector<16xi32>
      %swap3A_65 = vector.shape_cast %select_n3A : vector<16xi32> to vector<16xi32>
      tpu.vector_store %arg10[%swap3A], %swap3A_65 {strides = array<i32>} : memref<128xi32, #tpu.memory_space<vmem>>, vector<16xi32>,
      %get3A_66 = arith.constant 16 : index
      %get3A_67 = tpu.vector_load %arg9[%get3A_66] {strides = array<i32>} : memref<128xi32, #tpu.memory_space<vmem>>, vector<16xi32>,
      %get3A_68 = vector.shape_cast %get3A_67 : vector<16xi32> to vector<16xi32>
      %ge3A_69 = vector.broadcast %mul3A_23 : i32 to vector<16xi32>
      %ge3A_70 = arith.cmpi sge, %get3A_68, %ge3A_69 : vector<16xi32>
      %add3A_71 = arith.constant 12544 : i32
      %add3A_72 = arith.addi %mul3A_23, %add3A_71 : i32
      %lt3A_73 = vector.broadcast %add3A_72 : i32 to vector<16xi32>
      %lt3A_74 = arith.cmpi slt, %get3A_68, %lt3A_73 : vector<16xi32>
      %and3A_75 = arith.andi %ge3A_70, %lt3A_74 : vector<16xi1>
      %sub3A_76 = vector.broadcast %mul3A_23 : i32 to vector<16xi32>
      %sub3A_77 = arith.subi %get3A_68, %sub3A_76 : vector<16xi32>
      %jit3A_78 = arith.constant 12544 : i32
      %broadcast_in_dim3A_79 = vector.broadcast %jit3A_78 : i32 to vector<16xi32>
      %select_n3A_80 = arith.select %and3A_75, %sub3A_77, %broadcast_in_dim3A_79 : vector<16xi1>, vector<16xi32>
      %swap3A_81 = arith.constant 16 : index
      %swap3A_82 = tpu.vector_load %arg10[%swap3A_81] {strides = array<i32>} : memref<128xi32, #tpu.memory_space<vmem>>, vector<16xi32>,
      %swap3A_83 = vector.shape_cast %swap3A_82 : vector<16xi32> to vector<16xi32>
      %swap3A_84 = vector.shape_cast %select_n3A_80 : vector<16xi32> to vector<16xi32>
      tpu.vector_store %arg10[%swap3A_81], %swap3A_84 {strides = array<i32>} : memref<128xi32, #tpu.memory_space<vmem>>, vector<16xi32>,
      %get3A_85 = arith.constant 32 : index
      %get3A_86 = tpu.vector_load %arg9[%get3A_85] {strides = array<i32>} : memref<128xi32, #tpu.memory_space<vmem>>, vector<16xi32>,
      %get3A_87 = vector.shape_cast %get3A_86 : vector<16xi32> to vector<16xi32>
      %ge3A_88 = vector.broadcast %mul3A_23 : i32 to vector<16xi32>
      %ge3A_89 = arith.cmpi sge, %get3A_87, %ge3A_88 : vector<16xi32>
      %add3A_90 = arith.constant 12544 : i32
      %add3A_91 = arith.addi %mul3A_23, %add3A_90 : i32
      %lt3A_92 = vector.broadcast %add3A_91 : i32 to vector<16xi32>
      %lt3A_93 = arith.cmpi slt, %get3A_87, %lt3A_92 : vector<16xi32>
      %and3A_94 = arith.andi %ge3A_89, %lt3A_93 : vector<16xi1>
      %sub3A_95 = vector.broadcast %mul3A_23 : i32 to vector<16xi32>
      %sub3A_96 = arith.subi %get3A_87, %sub3A_95 : vector<16xi32>
      %jit3A_97 = arith.constant 12544 : i32
      %broadcast_in_dim3A_98 = vector.broadcast %jit3A_97 : i32 to vector<16xi32>
      %select_n3A_99 = arith.select %and3A_94, %sub3A_96, %broadcast_in_dim3A_98 : vector<16xi1>, vector<16xi32>
      %swap3A_100 = arith.constant 32 : index
      %swap3A_101 = tpu.vector_load %arg10[%swap3A_100] {strides = array<i32>} : memref<128xi32, #tpu.memory_space<vmem>>, vector<16xi32>,
      %swap3A_102 = vector.shape_cast %swap3A_101 : vector<16xi32> to vector<16xi32>
      %swap3A_103 = vector.shape_cast %select_n3A_99 : vector<16xi32> to vector<16xi32>
      tpu.vector_store %arg10[%swap3A_100], %swap3A_103 {strides = array<i32>} : memref<128xi32, #tpu.memory_space<vmem>>, vector<16xi32>,
      %get3A_104 = arith.constant 48 : index
      %get3A_105 = tpu.vector_load %arg9[%get3A_104] {strides = array<i32>} : memref<128xi32, #tpu.memory_space<vmem>>, vector<16xi32>,
      %get3A_106 = vector.shape_cast %get3A_105 : vector<16xi32> to vector<16xi32>
      %ge3A_107 = vector.broadcast %mul3A_23 : i32 to vector<16xi32>
      %ge3A_108 = arith.cmpi sge, %get3A_106, %ge3A_107 : vector<16xi32>
      %add3A_109 = arith.constant 12544 : i32
      %add3A_110 = arith.addi %mul3A_23, %add3A_109 : i32
      %lt3A_111 = vector.broadcast %add3A_110 : i32 to vector<16xi32>
      %lt3A_112 = arith.cmpi slt, %get3A_106, %lt3A_111 : vector<16xi32>
      %and3A_113 = arith.andi %ge3A_108, %lt3A_112 : vector<16xi1>
      %sub3A_114 = vector.broadcast %mul3A_23 : i32 to vector<16xi32>
      %sub3A_115 = arith.subi %get3A_106, %sub3A_114 : vector<16xi32>
      %jit3A_116 = arith.constant 12544 : i32
      %broadcast_in_dim3A_117 = vector.broadcast %jit3A_116 : i32 to vector<16xi32>
      %select_n3A_118 = arith.select %and3A_113, %sub3A_115, %broadcast_in_dim3A_117 : vector<16xi1>, vector<16xi32>
      %swap3A_119 = arith.constant 48 : index
      %swap3A_120 = tpu.vector_load %arg10[%swap3A_119] {strides = array<i32>} : memref<128xi32, #tpu.memory_space<vmem>>, vector<16xi32>,
      %swap3A_121 = vector.shape_cast %swap3A_120 : vector<16xi32> to vector<16xi32>
      %swap3A_122 = vector.shape_cast %select_n3A_118 : vector<16xi32> to vector<16xi32>
      tpu.vector_store %arg10[%swap3A_119], %swap3A_122 {strides = array<i32>} : memref<128xi32, #tpu.memory_space<vmem>>, vector<16xi32>,
      %get3A_123 = arith.constant 64 : index
      %get3A_124 = tpu.vector_load %arg9[%get3A_123] {strides = array<i32>} : memref<128xi32, #tpu.memory_space<vmem>>, vector<16xi32>,
      %get3A_125 = vector.shape_cast %get3A_124 : vector<16xi32> to vector<16xi32>
      %ge3A_126 = vector.broadcast %mul3A_23 : i32 to vector<16xi32>
      %ge3A_127 = arith.cmpi sge, %get3A_125, %ge3A_126 : vector<16xi32>
      %add3A_128 = arith.constant 12544 : i32
      %add3A_129 = arith.addi %mul3A_23, %add3A_128 : i32
      %lt3A_130 = vector.broadcast %add3A_129 : i32 to vector<16xi32>
      %lt3A_131 = arith.cmpi slt, %get3A_125, %lt3A_130 : vector<16xi32>
      %and3A_132 = arith.andi %ge3A_127, %lt3A_131 : vector<16xi1>
      %sub3A_133 = vector.broadcast %mul3A_23 : i32 to vector<16xi32>
      %sub3A_134 = arith.subi %get3A_125, %sub3A_133 : vector<16xi32>
      %jit3A_135 = arith.constant 12544 : i32
      %broadcast_in_dim3A_136 = vector.broadcast %jit3A_135 : i32 to vector<16xi32>
      %select_n3A_137 = arith.select %and3A_132, %sub3A_134, %broadcast_in_dim3A_136 : vector<16xi1>, vector<16xi32>
      %swap3A_138 = arith.constant 64 : index
      %swap3A_139 = tpu.vector_load %arg10[%swap3A_138] {strides = array<i32>} : memref<128xi32, #tpu.memory_space<vmem>>, vector<16xi32>,
      %swap3A_140 = vector.shape_cast %swap3A_139 : vector<16xi32> to vector<16xi32>
      %swap3A_141 = vector.shape_cast %select_n3A_137 : vector<16xi32> to vector<16xi32>
      tpu.vector_store %arg10[%swap3A_138], %swap3A_141 {strides = array<i32>} : memref<128xi32, #tpu.memory_space<vmem>>, vector<16xi32>,
      %get3A_142 = arith.constant 80 : index
      %get3A_143 = tpu.vector_load %arg9[%get3A_142] {strides = array<i32>} : memref<128xi32, #tpu.memory_space<vmem>>, vector<16xi32>,
      %get3A_144 = vector.shape_cast %get3A_143 : vector<16xi32> to vector<16xi32>
      %ge3A_145 = vector.broadcast %mul3A_23 : i32 to vector<16xi32>
      %ge3A_146 = arith.cmpi sge, %get3A_144, %ge3A_145 : vector<16xi32>
      %add3A_147 = arith.constant 12544 : i32
      %add3A_148 = arith.addi %mul3A_23, %add3A_147 : i32
      %lt3A_149 = vector.broadcast %add3A_148 : i32 to vector<16xi32>
      %lt3A_150 = arith.cmpi slt, %get3A_144, %lt3A_149 : vector<16xi32>
      %and3A_151 = arith.andi %ge3A_146, %lt3A_150 : vector<16xi1>
      %sub3A_152 = vector.broadcast %mul3A_23 : i32 to vector<16xi32>
      %sub3A_153 = arith.subi %get3A_144, %sub3A_152 : vector<16xi32>
      %jit3A_154 = arith.constant 12544 : i32
      %broadcast_in_dim3A_155 = vector.broadcast %jit3A_154 : i32 to vector<16xi32>
      %select_n3A_156 = arith.select %and3A_151, %sub3A_153, %broadcast_in_dim3A_155 : vector<16xi1>, vector<16xi32>
      %swap3A_157 = arith.constant 80 : index
      %swap3A_158 = tpu.vector_load %arg10[%swap3A_157] {strides = array<i32>} : memref<128xi32, #tpu.memory_space<vmem>>, vector<16xi32>,
      %swap3A_159 = vector.shape_cast %swap3A_158 : vector<16xi32> to vector<16xi32>
      %swap3A_160 = vector.shape_cast %select_n3A_156 : vector<16xi32> to vector<16xi32>
      tpu.vector_store %arg10[%swap3A_157], %swap3A_160 {strides = array<i32>} : memref<128xi32, #tpu.memory_space<vmem>>, vector<16xi32>,
      %get3A_161 = arith.constant 96 : index
      %get3A_162 = tpu.vector_load %arg9[%get3A_161] {strides = array<i32>} : memref<128xi32, #tpu.memory_space<vmem>>, vector<16xi32>,
      %get3A_163 = vector.shape_cast %get3A_162 : vector<16xi32> to vector<16xi32>
      %ge3A_164 = vector.broadcast %mul3A_23 : i32 to vector<16xi32>
      %ge3A_165 = arith.cmpi sge, %get3A_163, %ge3A_164 : vector<16xi32>
      %add3A_166 = arith.constant 12544 : i32
      %add3A_167 = arith.addi %mul3A_23, %add3A_166 : i32
      %lt3A_168 = vector.broadcast %add3A_167 : i32 to vector<16xi32>
      %lt3A_169 = arith.cmpi slt, %get3A_163, %lt3A_168 : vector<16xi32>
      %and3A_170 = arith.andi %ge3A_165, %lt3A_169 : vector<16xi1>
      %sub3A_171 = vector.broadcast %mul3A_23 : i32 to vector<16xi32>
      %sub3A_172 = arith.subi %get3A_163, %sub3A_171 : vector<16xi32>
      %jit3A_173 = arith.constant 12544 : i32
      %broadcast_in_dim3A_174 = vector.broadcast %jit3A_173 : i32 to vector<16xi32>
      %select_n3A_175 = arith.select %and3A_170, %sub3A_172, %broadcast_in_dim3A_174 : vector<16xi1>, vector<16xi32>
      %swap3A_176 = arith.constant 96 : index
      %swap3A_177 = tpu.vector_load %arg10[%swap3A_176] {strides = array<i32>} : memref<128xi32, #tpu.memory_space<vmem>>, vector<16xi32>,
      %swap3A_178 = vector.shape_cast %swap3A_177 : vector<16xi32> to vector<16xi32>
      %swap3A_179 = vector.shape_cast %select_n3A_175 : vector<16xi32> to vector<16xi32>
      tpu.vector_store %arg10[%swap3A_176], %swap3A_179 {strides = array<i32>} : memref<128xi32, #tpu.memory_space<vmem>>, vector<16xi32>,
      %get3A_180 = arith.constant 112 : index
      %get3A_181 = tpu.vector_load %arg9[%get3A_180] {strides = array<i32>} : memref<128xi32, #tpu.memory_space<vmem>>, vector<16xi32>,
      %get3A_182 = vector.shape_cast %get3A_181 : vector<16xi32> to vector<16xi32>
      %ge3A_183 = vector.broadcast %mul3A_23 : i32 to vector<16xi32>
      %ge3A_184 = arith.cmpi sge, %get3A_182, %ge3A_183 : vector<16xi32>
      %add3A_185 = arith.constant 12544 : i32
      %add3A_186 = arith.addi %mul3A_23, %add3A_185 : i32
      %lt3A_187 = vector.broadcast %add3A_186 : i32 to vector<16xi32>
      %lt3A_188 = arith.cmpi slt, %get3A_182, %lt3A_187 : vector<16xi32>
      %and3A_189 = arith.andi %ge3A_184, %lt3A_188 : vector<16xi1>
      %sub3A_190 = vector.broadcast %mul3A_23 : i32 to vector<16xi32>
      %sub3A_191 = arith.subi %get3A_182, %sub3A_190 : vector<16xi32>
      %jit3A_192 = arith.constant 12544 : i32
      %broadcast_in_dim3A_193 = vector.broadcast %jit3A_192 : i32 to vector<16xi32>
      %select_n3A_194 = arith.select %and3A_189, %sub3A_191, %broadcast_in_dim3A_193 : vector<16xi1>, vector<16xi32>
      %swap3A_195 = arith.constant 112 : index
      %swap3A_196 = tpu.vector_load %arg10[%swap3A_195] {strides = array<i32>} : memref<128xi32, #tpu.memory_space<vmem>>, vector<16xi32>,
      %swap3A_197 = vector.shape_cast %swap3A_196 : vector<16xi32> to vector<16xi32>
      %swap3A_198 = vector.shape_cast %select_n3A_194 : vector<16xi32> to vector<16xi32>
      tpu.vector_store %arg10[%swap3A_195], %swap3A_198 {strides = array<i32>} : memref<128xi32, #tpu.memory_space<vmem>>, vector<16xi32>,
      %scan3A_199 = arith.constant 0 : i32
      %scan3A_200 = arith.constant 0 : i32
      %scan3A_201 = arith.constant 128 : i32
      %scan3A_202 = arith.addi %scan3A_200, %scan3A_201 : i32
      %scan3A_203 = arith.constant 1 : i32
      scf.for %scan3A_205 = %scan3A_200 to %scan3A_202 step %scan3A_203  : i32 {
        %get3A_206 = arith.index_cast %scan3A_205 : i32 to index
        %get3A_207 = arith.constant 64 : index
        %get3A_208 = tpu.vector_load %arg11[%get3A_206, %get3A_207] {strides = array<i32>} : memref<128x80xf32, #tpu.memory_space<vmem>>, vector<1x16xf32>,
        %get3A_209 = vector.shape_cast %get3A_208 : vector<1x16xf32> to vector<16xf32>
        %get3A_210 = arith.index_cast %scan3A_205 : i32 to index
        %get3A_211 = arith.constant 0 : index
        %get3A_212 = tpu.vector_load %arg12[%get3A_210, %get3A_211] {strides = array<i32>} : memref<128x16xf32, #tpu.memory_space<vmem>>, vector<1x16xf32>,
        %get3A_213 = vector.shape_cast %get3A_212 : vector<1x16xf32> to vector<16xf32>
        %add3A_214 = arith.addf %get3A_209, %get3A_213 : vector<16xf32>
        %mul3A_215 = arith.constant 2.000000e-01 : f32
        %mul3A_216 = vector.broadcast %mul3A_215 : f32 to vector<16xf32>
        %mul3A_217 = arith.mulf %mul3A_216, %add3A_214 : vector<16xf32>
        %max3A = arith.maximumf %add3A_214, %mul3A_217 : vector<16xf32>
        %exp3A = math.exp %max3A : vector<16xf32>
        %swap3A_218 = arith.index_cast %scan3A_205 : i32 to index
        %swap3A_219 = arith.constant 64 : index
        %swap3A_220 = tpu.vector_load %arg13[%swap3A_218, %swap3A_219] {strides = array<i32>} : memref<128x80xf32, #tpu.memory_space<vmem>>, vector<1x16xf32>,
        %swap3A_221 = vector.shape_cast %swap3A_220 : vector<1x16xf32> to vector<16xf32>
        %swap3A_222 = vector.shape_cast %exp3A : vector<16xf32> to vector<1x16xf32>
        tpu.vector_store %arg13[%swap3A_218, %swap3A_219], %swap3A_222 {strides = array<i32>} : memref<128x80xf32, #tpu.memory_space<vmem>>, vector<1x16xf32>,
        %get3A_223 = arith.index_cast %scan3A_205 : i32 to index
        %get3A_224 = arith.constant 0 : index
        %get3A_225 = tpu.vector_load %arg11[%get3A_223, %get3A_224] {strides = array<i32>} : memref<128x80xf32, #tpu.memory_space<vmem>>, vector<1x16xf32>,
        %get3A_226 = vector.shape_cast %get3A_225 : vector<1x16xf32> to vector<16xf32>
        %slice3A = vector.extract_strided_slice %exp3A {offsets = [0], sizes = [1], strides = [1]} : vector<16xf32> to vector<1xf32>
        %squeeze3A = vector.extract %slice3A[0] : f32 from vector<1xf32>
        %mul3A_227 = vector.broadcast %squeeze3A : f32 to vector<16xf32>
        %mul3A_228 = arith.mulf %get3A_226, %mul3A_227 : vector<16xf32>
        %swap3A_229 = arith.index_cast %scan3A_205 : i32 to index
        %swap3A_230 = arith.constant 0 : index
        %swap3A_231 = tpu.vector_load %arg13[%swap3A_229, %swap3A_230] {strides = array<i32>} : memref<128x80xf32, #tpu.memory_space<vmem>>, vector<1x16xf32>,
        %swap3A_232 = vector.shape_cast %swap3A_231 : vector<1x16xf32> to vector<16xf32>
        %swap3A_233 = vector.shape_cast %mul3A_228 : vector<16xf32> to vector<1x16xf32>
        tpu.vector_store %arg13[%swap3A_229, %swap3A_230], %swap3A_233 {strides = array<i32>} : memref<128x80xf32, #tpu.memory_space<vmem>>, vector<1x16xf32>,
        %get3A_234 = arith.index_cast %scan3A_205 : i32 to index
        %get3A_235 = arith.constant 16 : index
        %get3A_236 = tpu.vector_load %arg11[%get3A_234, %get3A_235] {strides = array<i32>} : memref<128x80xf32, #tpu.memory_space<vmem>>, vector<1x16xf32>,
        %get3A_237 = vector.shape_cast %get3A_236 : vector<1x16xf32> to vector<16xf32>
        %slice3A_238 = vector.extract_strided_slice %exp3A {offsets = [1], sizes = [1], strides = [1]} : vector<16xf32> to vector<1xf32>
        %squeeze3A_239 = vector.extract %slice3A_238[0] : f32 from vector<1xf32>
        %mul3A_240 = vector.broadcast %squeeze3A_239 : f32 to vector<16xf32>
        %mul3A_241 = arith.mulf %get3A_237, %mul3A_240 : vector<16xf32>
        %swap3A_242 = arith.index_cast %scan3A_205 : i32 to index
        %swap3A_243 = arith.constant 16 : index
        %swap3A_244 = tpu.vector_load %arg13[%swap3A_242, %swap3A_243] {strides = array<i32>} : memref<128x80xf32, #tpu.memory_space<vmem>>, vector<1x16xf32>,
        %swap3A_245 = vector.shape_cast %swap3A_244 : vector<1x16xf32> to vector<16xf32>
        %swap3A_246 = vector.shape_cast %mul3A_241 : vector<16xf32> to vector<1x16xf32>
        tpu.vector_store %arg13[%swap3A_242, %swap3A_243], %swap3A_246 {strides = array<i32>} : memref<128x80xf32, #tpu.memory_space<vmem>>, vector<1x16xf32>,
        %get3A_247 = arith.index_cast %scan3A_205 : i32 to index
        %get3A_248 = arith.constant 32 : index
        %get3A_249 = tpu.vector_load %arg11[%get3A_247, %get3A_248] {strides = array<i32>} : memref<128x80xf32, #tpu.memory_space<vmem>>, vector<1x16xf32>,
        %get3A_250 = vector.shape_cast %get3A_249 : vector<1x16xf32> to vector<16xf32>
        %slice3A_251 = vector.extract_strided_slice %exp3A {offsets = [2], sizes = [1], strides = [1]} : vector<16xf32> to vector<1xf32>
        %squeeze3A_252 = vector.extract %slice3A_251[0] : f32 from vector<1xf32>
        %mul3A_253 = vector.broadcast %squeeze3A_252 : f32 to vector<16xf32>
        %mul3A_254 = arith.mulf %get3A_250, %mul3A_253 : vector<16xf32>
        %swap3A_255 = arith.index_cast %scan3A_205 : i32 to index
        %swap3A_256 = arith.constant 32 : index
        %swap3A_257 = tpu.vector_load %arg13[%swap3A_255, %swap3A_256] {strides = array<i32>} : memref<128x80xf32, #tpu.memory_space<vmem>>, vector<1x16xf32>,
        %swap3A_258 = vector.shape_cast %swap3A_257 : vector<1x16xf32> to vector<16xf32>
        %swap3A_259 = vector.shape_cast %mul3A_254 : vector<16xf32> to vector<1x16xf32>
        tpu.vector_store %arg13[%swap3A_255, %swap3A_256], %swap3A_259 {strides = array<i32>} : memref<128x80xf32, #tpu.memory_space<vmem>>, vector<1x16xf32>,
        %get3A_260 = arith.index_cast %scan3A_205 : i32 to index
        %get3A_261 = arith.constant 48 : index
        %get3A_262 = tpu.vector_load %arg11[%get3A_260, %get3A_261] {strides = array<i32>} : memref<128x80xf32, #tpu.memory_space<vmem>>, vector<1x16xf32>,
        %get3A_263 = vector.shape_cast %get3A_262 : vector<1x16xf32> to vector<16xf32>
        %slice3A_264 = vector.extract_strided_slice %exp3A {offsets = [3], sizes = [1], strides = [1]} : vector<16xf32> to vector<1xf32>
        %squeeze3A_265 = vector.extract %slice3A_264[0] : f32 from vector<1xf32>
        %mul3A_266 = vector.broadcast %squeeze3A_265 : f32 to vector<16xf32>
        %mul3A_267 = arith.mulf %get3A_263, %mul3A_266 : vector<16xf32>
        %swap3A_268 = arith.index_cast %scan3A_205 : i32 to index
        %swap3A_269 = arith.constant 48 : index
        %swap3A_270 = tpu.vector_load %arg13[%swap3A_268, %swap3A_269] {strides = array<i32>} : memref<128x80xf32, #tpu.memory_space<vmem>>, vector<1x16xf32>,
        %swap3A_271 = vector.shape_cast %swap3A_270 : vector<1x16xf32> to vector<16xf32>
        %swap3A_272 = vector.shape_cast %mul3A_267 : vector<16xf32> to vector<1x16xf32>
        tpu.vector_store %arg13[%swap3A_268, %swap3A_269], %swap3A_272 {strides = array<i32>} : memref<128x80xf32, #tpu.memory_space<vmem>>, vector<1x16xf32>,
      }
      %scan3A_204 = arith.constant 128 : i32
      "tpu.region"() ({
        %run_scoped3A = tpu.sem_alloc : memref<!tpu.dma_semaphore, #tpu.memory_space<semaphore_mem>>
        %dma_start3A_205 = arith.constant 0 : i32
        %dma_start3A_206 = arith.constant 0 : i32
        %dma_start3A_207 = tpu.memref_slice %arg14[%dma_start3A_205, %dma_start3A_206] : memref<12552x80xf32, #tpu.memory_space<vmem_shared>> -> memref<12552x80xf32, #tpu.memory_space<vmem_shared>>
        tpu.enqueue_indirect_dma source(%arg13 : memref<128x80xf32, #tpu.memory_space<vmem>>) target(%dma_start3A_207 : memref<12552x80xf32, #tpu.memory_space<vmem_shared>>) offsets(%arg10 : memref<128xi32, #tpu.memory_space<vmem>>) semaphore(%run_scoped3A : memref<!tpu.dma_semaphore, #tpu.memory_space<semaphore_mem>>) {add = true}
        %dma_wait3A_208 = arith.constant 0 : i32
        %dma_wait3A_209 = arith.constant 0 : i32
        %dma_wait3A_210 = tpu.memref_slice %arg14[%dma_wait3A_208, %dma_wait3A_209] : memref<12552x80xf32, #tpu.memory_space<vmem_shared>> -> memref<12552x80xf32, #tpu.memory_space<vmem_shared>>
        tpu.wait_indirect_dma semaphore(%run_scoped3A : memref<!tpu.dma_semaphore, #tpu.memory_space<semaphore_mem>>) src(%arg13 : memref<128x80xf32, #tpu.memory_space<vmem>>) dst(%dma_wait3A_210 : memref<12552x80xf32, #tpu.memory_space<vmem_shared>>)
        tpu.yield
      }) : () -> ()
    }
    %scan3A_32 = arith.constant 391 : i32
    %barrier3A_33 = arith.constant 0 : index
    tpu.barrier barrier_id(%barrier3A_33)
    %mul3A_34 = arith.constant 784 : i32
    %mul3A_35 = arith.muli %arg1, %mul3A_34 : i32
    %mul3A_36 = arith.constant 784 : i32
    %mul3A_37 = arith.muli %arg1, %mul3A_36 : i32
    %add3A_38 = arith.addi %mul3A_23, %mul3A_37 : i32
    "tpu.region"() ({
      %run_scoped3A = tpu.sem_alloc : memref<!tpu.dma_semaphore, #tpu.memory_space<semaphore_mem>>
      %dma_start3A = arith.constant 0 : i32
      %dma_start3A_40 = tpu.memref_slice %arg7[%add3A_38, %dma_start3A] : memref<50176x80xf32, #tpu.memory_space<hbm>> -> memref<784x80xf32, #tpu.memory_space<hbm>>
      %dma_start3A_41 = arith.constant 0 : i32
      %dma_start3A_42 = tpu.memref_slice %arg14[%mul3A_35, %dma_start3A_41] : memref<12552x80xf32, #tpu.memory_space<vmem_shared>> -> memref<784x80xf32, #tpu.memory_space<vmem_shared>>
      tpu.enqueue_dma source(%dma_start3A_42 : memref<784x80xf32, #tpu.memory_space<vmem_shared>>) target(%dma_start3A_40 : memref<784x80xf32, #tpu.memory_space<hbm>>) target_semaphore(%run_scoped3A : memref<!tpu.dma_semaphore, #tpu.memory_space<semaphore_mem>>)
      %dma_wait3A = arith.constant 0 : i32
      %dma_wait3A_43 = tpu.memref_slice %arg7[%add3A_38, %dma_wait3A] : memref<50176x80xf32, #tpu.memory_space<hbm>> -> memref<784x80xf32, #tpu.memory_space<hbm>>
      %dma_wait3A_44 = arith.constant 0 : i32
      %dma_wait3A_45 = tpu.memref_slice %arg14[%mul3A_35, %dma_wait3A_44] : memref<12552x80xf32, #tpu.memory_space<vmem_shared>> -> memref<784x80xf32, #tpu.memory_space<vmem_shared>>
      tpu.wait_dma2 semaphore(%run_scoped3A : memref<!tpu.dma_semaphore, #tpu.memory_space<semaphore_mem>>) src(%dma_wait3A_45 : memref<784x80xf32, #tpu.memory_space<vmem_shared>>) dst(%dma_wait3A_43 : memref<784x80xf32, #tpu.memory_space<hbm>>)
      tpu.yield
    }) : () -> ()
    %barrier3A_39 = arith.constant 0 : index
    tpu.barrier barrier_id(%barrier3A_39)
    return
  }
}

module attributes {stable_mosaic.version = 14 : i64} {
  func.func @_pre_body(%arg0: i32, %arg1: memref<1024x64xf32, #tpu.memory_space<vmem>>, %arg2: memref<64x64xf32, #tpu.memory_space<vmem>>, %arg3: memref<64x4xf32, #tpu.memory_space<vmem>>, %arg4: memref<64x4xf32, #tpu.memory_space<vmem>>, %arg5: memref<64x64xf32, #tpu.memory_space<vmem>>, %arg6: memref<64x4xf32, #tpu.memory_space<vmem>>, %arg7: memref<64x4xf32, #tpu.memory_space<vmem>>, %arg8: memref<1x64xf32, #tpu.memory_space<vmem>>, %arg9: memref<1x64xf32, #tpu.memory_space<vmem>>, %arg10: memref<1024x80xf32, #tpu.memory_space<vmem>>, %arg11: memref<1024x16xf32, #tpu.memory_space<vmem>>, %arg12: memref<1024x80xf32, #tpu.memory_space<vmem>>, %arg13: memref<1024x16xf32, #tpu.memory_space<vmem>>, %arg14: memref<1024x64xf32, #tpu.memory_space<vmem>>) attributes {dimension_semantics = [#tpu.dimension_semantics<arbitrary>], iteration_bounds = array<i64: 49>, scalar_prefetch = 0 : i64, scratch_operands = 0 : i64, tpu.core_type = #tpu.core_type<tc>, window_params = [{transform_indices = @transform_0, window_bounds = array<i64: 1024, 64>}, {pipeline_mode = #tpu.pipeline_mode<synchronous>, transform_indices = @transform_1, window_bounds = array<i64: 64, 64>}, {pipeline_mode = #tpu.pipeline_mode<synchronous>, transform_indices = @transform_2, window_bounds = array<i64: 64, 4>}, {pipeline_mode = #tpu.pipeline_mode<synchronous>, transform_indices = @transform_3, window_bounds = array<i64: 64, 4>}, {pipeline_mode = #tpu.pipeline_mode<synchronous>, transform_indices = @transform_4, window_bounds = array<i64: 64, 64>}, {pipeline_mode = #tpu.pipeline_mode<synchronous>, transform_indices = @transform_5, window_bounds = array<i64: 64, 4>}, {pipeline_mode = #tpu.pipeline_mode<synchronous>, transform_indices = @transform_6, window_bounds = array<i64: 64, 4>}, {pipeline_mode = #tpu.pipeline_mode<synchronous>, transform_indices = @transform_7, window_bounds = array<i64: 1, 64>}, {pipeline_mode = #tpu.pipeline_mode<synchronous>, transform_indices = @transform_8, window_bounds = array<i64: 1, 64>}, {transform_indices = @transform_9, window_bounds = array<i64: 1024, 80>}, {transform_indices = @transform_10, window_bounds = array<i64: 1024, 16>}, {transform_indices = @transform_11, window_bounds = array<i64: 1024, 80>}, {transform_indices = @transform_12, window_bounds = array<i64: 1024, 16>}, {transform_indices = @transform_13, window_bounds = array<i64: 1024, 64>}]} {
    %get3A = arith.constant 0 : index
    %get3A_0 = arith.constant 0 : index
    %get3A_1 = vector.load %arg1[%get3A, %get3A_0] : memref<1024x64xf32, #tpu.memory_space<vmem>>, vector<1024x64xf32>
    %broadcast_in_dim3A = arith.constant 0.000000e+00 : f32
    %broadcast_in_dim3A_2 = vector.broadcast %broadcast_in_dim3A : f32 to vector<1024x12xf32>
    %get3A_3 = arith.constant 0 : index
    %get3A_4 = arith.constant 0 : index
    %get3A_5 = vector.load %arg2[%get3A_3, %get3A_4] : memref<64x64xf32, #tpu.memory_space<vmem>>, vector<64x64xf32>
    %dot_general3A = arith.constant dense<0.000000e+00> : vector<1024x64xf32>
    %dot_general3A_6 = tpu.matmul %get3A_1, %get3A_5, %dot_general3A {dimension_numbers = #tpu.dot_dimension_numbers<[1], [0], [0], [1], [0, 0, 1, 1], [], []>, transpose_lhs_hint = false} : vector<1024x64xf32>, vector<64x64xf32>, vector<1024x64xf32> -> vector<1024x64xf32>
    %get3A_7 = arith.constant 0 : index
    %get3A_8 = arith.constant 0 : index
    %get3A_9 = vector.load %arg3[%get3A_7, %get3A_8] : memref<64x4xf32, #tpu.memory_space<vmem>>, vector<64x4xf32>
    %dot_general3A_10 = arith.constant dense<0.000000e+00> : vector<1024x4xf32>
    %dot_general3A_11 = tpu.matmul %dot_general3A_6, %get3A_9, %dot_general3A_10 {dimension_numbers = #tpu.dot_dimension_numbers<[1], [0], [0], [1], [0, 0, 1, 1], [], []>, transpose_lhs_hint = false} : vector<1024x64xf32>, vector<64x4xf32>, vector<1024x4xf32> -> vector<1024x4xf32>
    %get3A_12 = arith.constant 0 : index
    %get3A_13 = arith.constant 0 : index
    %get3A_14 = vector.load %arg4[%get3A_12, %get3A_13] : memref<64x4xf32, #tpu.memory_space<vmem>>, vector<64x4xf32>
    %dot_general3A_15 = arith.constant dense<0.000000e+00> : vector<1024x4xf32>
    %dot_general3A_16 = tpu.matmul %dot_general3A_6, %get3A_14, %dot_general3A_15 {dimension_numbers = #tpu.dot_dimension_numbers<[1], [0], [0], [1], [0, 0, 1, 1], [], []>, transpose_lhs_hint = false} : vector<1024x64xf32>, vector<64x4xf32>, vector<1024x4xf32> -> vector<1024x4xf32>
    %concatenate3A = tpu.concatenate %dot_general3A_6, %dot_general3A_11, %broadcast_in_dim3A_2 in 1 : vector<1024x64xf32>, vector<1024x4xf32>, vector<1024x12xf32> -> vector<1024x80xf32>
    %swap3A = arith.constant 0 : index
    %swap3A_17 = arith.constant 0 : index
    %swap3A_18 = vector.load %arg10[%swap3A, %swap3A_17] : memref<1024x80xf32, #tpu.memory_space<vmem>>, vector<1024x80xf32>
    tpu.vector_store %arg10[%swap3A, %swap3A_17], %concatenate3A {strides = array<i32>} : memref<1024x80xf32, #tpu.memory_space<vmem>>, vector<1024x80xf32>,
    %concatenate3A_19 = tpu.concatenate %dot_general3A_16, %broadcast_in_dim3A_2 in 1 : vector<1024x4xf32>, vector<1024x12xf32> -> vector<1024x16xf32>
    %swap3A_20 = arith.constant 0 : index
    %swap3A_21 = arith.constant 0 : index
    %swap3A_22 = vector.load %arg11[%swap3A_20, %swap3A_21] : memref<1024x16xf32, #tpu.memory_space<vmem>>, vector<1024x16xf32>
    tpu.vector_store %arg11[%swap3A_20, %swap3A_21], %concatenate3A_19 {strides = array<i32>} : memref<1024x16xf32, #tpu.memory_space<vmem>>, vector<1024x16xf32>,
    %get3A_23 = arith.constant 0 : index
    %get3A_24 = arith.constant 0 : index
    %get3A_25 = vector.load %arg5[%get3A_23, %get3A_24] : memref<64x64xf32, #tpu.memory_space<vmem>>, vector<64x64xf32>
    %dot_general3A_26 = arith.constant dense<0.000000e+00> : vector<1024x64xf32>
    %dot_general3A_27 = tpu.matmul %get3A_1, %get3A_25, %dot_general3A_26 {dimension_numbers = #tpu.dot_dimension_numbers<[1], [0], [0], [1], [0, 0, 1, 1], [], []>, transpose_lhs_hint = false} : vector<1024x64xf32>, vector<64x64xf32>, vector<1024x64xf32> -> vector<1024x64xf32>
    %get3A_28 = arith.constant 0 : index
    %get3A_29 = arith.constant 0 : index
    %get3A_30 = vector.load %arg6[%get3A_28, %get3A_29] : memref<64x4xf32, #tpu.memory_space<vmem>>, vector<64x4xf32>
    %dot_general3A_31 = arith.constant dense<0.000000e+00> : vector<1024x4xf32>
    %dot_general3A_32 = tpu.matmul %dot_general3A_27, %get3A_30, %dot_general3A_31 {dimension_numbers = #tpu.dot_dimension_numbers<[1], [0], [0], [1], [0, 0, 1, 1], [], []>, transpose_lhs_hint = false} : vector<1024x64xf32>, vector<64x4xf32>, vector<1024x4xf32> -> vector<1024x4xf32>
    %get3A_33 = arith.constant 0 : index
    %get3A_34 = arith.constant 0 : index
    %get3A_35 = vector.load %arg7[%get3A_33, %get3A_34] : memref<64x4xf32, #tpu.memory_space<vmem>>, vector<64x4xf32>
    %dot_general3A_36 = arith.constant dense<0.000000e+00> : vector<1024x4xf32>
    %dot_general3A_37 = tpu.matmul %dot_general3A_27, %get3A_35, %dot_general3A_36 {dimension_numbers = #tpu.dot_dimension_numbers<[1], [0], [0], [1], [0, 0, 1, 1], [], []>, transpose_lhs_hint = false} : vector<1024x64xf32>, vector<64x4xf32>, vector<1024x4xf32> -> vector<1024x4xf32>
    %concatenate3A_38 = tpu.concatenate %dot_general3A_27, %dot_general3A_32, %broadcast_in_dim3A_2 in 1 : vector<1024x64xf32>, vector<1024x4xf32>, vector<1024x12xf32> -> vector<1024x80xf32>
    %swap3A_39 = arith.constant 0 : index
    %swap3A_40 = arith.constant 0 : index
    %swap3A_41 = vector.load %arg12[%swap3A_39, %swap3A_40] : memref<1024x80xf32, #tpu.memory_space<vmem>>, vector<1024x80xf32>
    tpu.vector_store %arg12[%swap3A_39, %swap3A_40], %concatenate3A_38 {strides = array<i32>} : memref<1024x80xf32, #tpu.memory_space<vmem>>, vector<1024x80xf32>,
    %concatenate3A_42 = tpu.concatenate %dot_general3A_37, %broadcast_in_dim3A_2 in 1 : vector<1024x4xf32>, vector<1024x12xf32> -> vector<1024x16xf32>
    %swap3A_43 = arith.constant 0 : index
    %swap3A_44 = arith.constant 0 : index
    %swap3A_45 = vector.load %arg13[%swap3A_43, %swap3A_44] : memref<1024x16xf32, #tpu.memory_space<vmem>>, vector<1024x16xf32>
    tpu.vector_store %arg13[%swap3A_43, %swap3A_44], %concatenate3A_42 {strides = array<i32>} : memref<1024x16xf32, #tpu.memory_space<vmem>>, vector<1024x16xf32>,
    %reduce_sum3A = arith.constant dense<0.000000e+00> : vector<1024xf32>
    %reduce_sum3A_46 = vector.multi_reduction <add>, %get3A_1, %reduce_sum3A [1] : vector<1024x64xf32> to vector<1024xf32>
    %broadcast_in_dim3A_47 = vector.shape_cast %reduce_sum3A_46 : vector<1024xf32> to vector<1024x1xf32>
    %div3A = arith.constant 6.400000e+01 : f32
    %div3A_48 = vector.broadcast %div3A : f32 to vector<1024x1xf32>
    %div3A_49 = arith.divf %broadcast_in_dim3A_47, %div3A_48 : vector<1024x1xf32>
    %sub3A = vector.broadcast %div3A_49 : vector<1024x1xf32> to vector<1024x64xf32>
    %sub3A_50 = arith.subf %get3A_1, %sub3A : vector<1024x64xf32>
    %integer_pow3A = arith.mulf %sub3A_50, %sub3A_50 : vector<1024x64xf32>
    %reduce_sum3A_51 = arith.constant dense<0.000000e+00> : vector<1024xf32>
    %reduce_sum3A_52 = vector.multi_reduction <add>, %integer_pow3A, %reduce_sum3A_51 [1] : vector<1024x64xf32> to vector<1024xf32>
    %broadcast_in_dim3A_53 = vector.shape_cast %reduce_sum3A_52 : vector<1024xf32> to vector<1024x1xf32>
    %div3A_54 = arith.constant 6.400000e+01 : f32
    %div3A_55 = vector.broadcast %div3A_54 : f32 to vector<1024x1xf32>
    %div3A_56 = arith.divf %broadcast_in_dim3A_53, %div3A_55 : vector<1024x1xf32>
    %sub3A_57 = vector.broadcast %div3A_49 : vector<1024x1xf32> to vector<1024x64xf32>
    %sub3A_58 = arith.subf %get3A_1, %sub3A_57 : vector<1024x64xf32>
    %add3A = arith.constant 9.99999974E-6 : f32
    %add3A_59 = vector.broadcast %add3A : f32 to vector<1024x1xf32>
    %add3A_60 = arith.addf %div3A_56, %add3A_59 : vector<1024x1xf32>
    %sqrt3A = math.sqrt %add3A_60 : vector<1024x1xf32>
    %div3A_61 = vector.broadcast %sqrt3A : vector<1024x1xf32> to vector<1024x64xf32>
    %div3A_62 = arith.divf %sub3A_58, %div3A_61 : vector<1024x64xf32>
    %get3A_63 = arith.constant 0 : index
    %get3A_64 = arith.constant 0 : index
    %get3A_65 = vector.load %arg8[%get3A_63, %get3A_64] : memref<1x64xf32, #tpu.memory_space<vmem>>, vector<1x64xf32>
    %mul3A = vector.broadcast %get3A_65 : vector<1x64xf32> to vector<1024x64xf32>
    %mul3A_66 = arith.mulf %div3A_62, %mul3A : vector<1024x64xf32>
    %get3A_67 = arith.constant 0 : index
    %get3A_68 = arith.constant 0 : index
    %get3A_69 = vector.load %arg9[%get3A_67, %get3A_68] : memref<1x64xf32, #tpu.memory_space<vmem>>, vector<1x64xf32>
    %add3A_70 = vector.broadcast %get3A_69 : vector<1x64xf32> to vector<1024x64xf32>
    %add3A_71 = arith.addf %mul3A_66, %add3A_70 : vector<1024x64xf32>
    %swap3A_72 = arith.constant 0 : index
    %swap3A_73 = arith.constant 0 : index
    %swap3A_74 = vector.load %arg14[%swap3A_72, %swap3A_73] : memref<1024x64xf32, #tpu.memory_space<vmem>>, vector<1024x64xf32>
    tpu.vector_store %arg14[%swap3A_72, %swap3A_73], %add3A_71 {strides = array<i32>} : memref<1024x64xf32, #tpu.memory_space<vmem>>, vector<1024x64xf32>,
    return
  }
  func.func @transform_0(%arg0: i32) -> (i32, i32) {
    %c0_i32 = arith.constant 0 : i32
    %c0_i32_0 = arith.constant 0 : i32
    return %arg0, %c0_i32 : i32, i32
  }
  func.func @transform_1(%arg0: i32) -> (i32, i32) {
    %c0_i32 = arith.constant 0 : i32
    %c0_i32_0 = arith.constant 0 : i32
    %c0_i32_1 = arith.constant 0 : i32
    return %c0_i32, %c0_i32_0 : i32, i32
  }
  func.func @transform_2(%arg0: i32) -> (i32, i32) {
    %c0_i32 = arith.constant 0 : i32
    %c0_i32_0 = arith.constant 0 : i32
    %c0_i32_1 = arith.constant 0 : i32
    return %c0_i32, %c0_i32_0 : i32, i32
  }
  func.func @transform_3(%arg0: i32) -> (i32, i32) {
    %c0_i32 = arith.constant 0 : i32
    %c0_i32_0 = arith.constant 0 : i32
    %c0_i32_1 = arith.constant 0 : i32
    return %c0_i32, %c0_i32_0 : i32, i32
  }
  func.func @transform_4(%arg0: i32) -> (i32, i32) {
    %c0_i32 = arith.constant 0 : i32
    %c0_i32_0 = arith.constant 0 : i32
    %c0_i32_1 = arith.constant 0 : i32
    return %c0_i32, %c0_i32_0 : i32, i32
  }
  func.func @transform_5(%arg0: i32) -> (i32, i32) {
    %c0_i32 = arith.constant 0 : i32
    %c0_i32_0 = arith.constant 0 : i32
    %c0_i32_1 = arith.constant 0 : i32
    return %c0_i32, %c0_i32_0 : i32, i32
  }
  func.func @transform_6(%arg0: i32) -> (i32, i32) {
    %c0_i32 = arith.constant 0 : i32
    %c0_i32_0 = arith.constant 0 : i32
    %c0_i32_1 = arith.constant 0 : i32
    return %c0_i32, %c0_i32_0 : i32, i32
  }
  func.func @transform_7(%arg0: i32) -> (i32, i32) {
    %c0_i32 = arith.constant 0 : i32
    %c0_i32_0 = arith.constant 0 : i32
    %c0_i32_1 = arith.constant 0 : i32
    return %c0_i32, %c0_i32_0 : i32, i32
  }
  func.func @transform_8(%arg0: i32) -> (i32, i32) {
    %c0_i32 = arith.constant 0 : i32
    %c0_i32_0 = arith.constant 0 : i32
    %c0_i32_1 = arith.constant 0 : i32
    return %c0_i32, %c0_i32_0 : i32, i32
  }
  func.func @transform_9(%arg0: i32) -> (i32, i32) {
    %c0_i32 = arith.constant 0 : i32
    %c0_i32_0 = arith.constant 0 : i32
    return %arg0, %c0_i32 : i32, i32
  }
  func.func @transform_10(%arg0: i32) -> (i32, i32) {
    %c0_i32 = arith.constant 0 : i32
    %c0_i32_0 = arith.constant 0 : i32
    return %arg0, %c0_i32 : i32, i32
  }
  func.func @transform_11(%arg0: i32) -> (i32, i32) {
    %c0_i32 = arith.constant 0 : i32
    %c0_i32_0 = arith.constant 0 : i32
    return %arg0, %c0_i32 : i32, i32
  }
  func.func @transform_12(%arg0: i32) -> (i32, i32) {
    %c0_i32 = arith.constant 0 : i32
    %c0_i32_0 = arith.constant 0 : i32
    return %arg0, %c0_i32 : i32, i32
  }
  func.func @transform_13(%arg0: i32) -> (i32, i32) {
    %c0_i32 = arith.constant 0 : i32
    %c0_i32_0 = arith.constant 0 : i32
    return %arg0, %c0_i32 : i32, i32
  }
}

module attributes {stable_mosaic.version = 14 : i64} {
  func.func @_postA_body(%arg0: i32, %arg1: memref<2000x80xf32, #tpu.memory_space<vmem>>, %arg2: memref<2000x80xf32, #tpu.memory_space<vmem>>, %arg3: memref<1x64xf32, #tpu.memory_space<vmem>>, %arg4: memref<1x64xf32, #tpu.memory_space<vmem>>, %arg5: memref<64x128xf32, #tpu.memory_space<vmem>>, %arg6: memref<1x128xf32, #tpu.memory_space<vmem>>, %arg7: memref<128x1xf32, #tpu.memory_space<vmem>>, %arg8: memref<2000x64xf32, #tpu.memory_space<vmem>>, %arg9: memref<2000x64xf32, #tpu.memory_space<vmem>>, %arg10: memref<1x1x128xf32, #tpu.memory_space<vmem>>) attributes {dimension_semantics = [#tpu.dimension_semantics<arbitrary>], iteration_bounds = array<i64: 25>, scalar_prefetch = 0 : i64, scratch_operands = 0 : i64, tpu.core_type = #tpu.core_type<tc>, window_params = [{transform_indices = @transform_0, window_bounds = array<i64: 2000, 80>}, {transform_indices = @transform_1, window_bounds = array<i64: 2000, 80>}, {pipeline_mode = #tpu.pipeline_mode<synchronous>, transform_indices = @transform_2, window_bounds = array<i64: 1, 64>}, {pipeline_mode = #tpu.pipeline_mode<synchronous>, transform_indices = @transform_3, window_bounds = array<i64: 1, 64>}, {pipeline_mode = #tpu.pipeline_mode<synchronous>, transform_indices = @transform_4, window_bounds = array<i64: 64, 128>}, {pipeline_mode = #tpu.pipeline_mode<synchronous>, transform_indices = @transform_5, window_bounds = array<i64: 1, 128>}, {pipeline_mode = #tpu.pipeline_mode<synchronous>, transform_indices = @transform_6, window_bounds = array<i64: 128, 1>}, {transform_indices = @transform_7, window_bounds = array<i64: 2000, 64>}, {transform_indices = @transform_8, window_bounds = array<i64: 2000, 64>}, {transform_indices = @transform_9, window_bounds = array<i64: 1, 1, 128>}]} {
    %get3A = arith.constant 0 : index
    %get3A_0 = arith.constant 0 : index
    %get3A_1 = vector.load %arg1[%get3A, %get3A_0] : memref<2000x80xf32, #tpu.memory_space<vmem>>, vector<2000x16xf32>
    %get3A_2 = arith.constant 0 : index
    %get3A_3 = arith.constant 64 : index
    %get3A_4 = vector.load %arg1[%get3A_2, %get3A_3] : memref<2000x80xf32, #tpu.memory_space<vmem>>, vector<2000x1xf32>
    %max3A = arith.constant 9.99999971E-10 : f32
    %max3A_5 = vector.broadcast %max3A : f32 to vector<2000x1xf32>
    %max3A_6 = arith.maximumf %get3A_4, %max3A_5 : vector<2000x1xf32>
    %div3A = vector.broadcast %max3A_6 : vector<2000x1xf32> to vector<2000x16xf32>
    %div3A_7 = arith.divf %get3A_1, %div3A : vector<2000x16xf32>
    %get3A_8 = arith.constant 0 : index
    %get3A_9 = arith.constant 16 : index
    %get3A_10 = vector.load %arg1[%get3A_8, %get3A_9] : memref<2000x80xf32, #tpu.memory_space<vmem>>, vector<2000x16xf32>
    %get3A_11 = arith.constant 0 : index
    %get3A_12 = arith.constant 65 : index
    %get3A_13 = vector.load %arg1[%get3A_11, %get3A_12] : memref<2000x80xf32, #tpu.memory_space<vmem>>, vector<2000x1xf32>
    %max3A_14 = arith.constant 9.99999971E-10 : f32
    %max3A_15 = vector.broadcast %max3A_14 : f32 to vector<2000x1xf32>
    %max3A_16 = arith.maximumf %get3A_13, %max3A_15 : vector<2000x1xf32>
    %div3A_17 = vector.broadcast %max3A_16 : vector<2000x1xf32> to vector<2000x16xf32>
    %div3A_18 = arith.divf %get3A_10, %div3A_17 : vector<2000x16xf32>
    %get3A_19 = arith.constant 0 : index
    %get3A_20 = arith.constant 32 : index
    %get3A_21 = vector.load %arg1[%get3A_19, %get3A_20] : memref<2000x80xf32, #tpu.memory_space<vmem>>, vector<2000x16xf32>
    %get3A_22 = arith.constant 0 : index
    %get3A_23 = arith.constant 66 : index
    %get3A_24 = vector.load %arg1[%get3A_22, %get3A_23] : memref<2000x80xf32, #tpu.memory_space<vmem>>, vector<2000x1xf32>
    %max3A_25 = arith.constant 9.99999971E-10 : f32
    %max3A_26 = vector.broadcast %max3A_25 : f32 to vector<2000x1xf32>
    %max3A_27 = arith.maximumf %get3A_24, %max3A_26 : vector<2000x1xf32>
    %div3A_28 = vector.broadcast %max3A_27 : vector<2000x1xf32> to vector<2000x16xf32>
    %div3A_29 = arith.divf %get3A_21, %div3A_28 : vector<2000x16xf32>
    %get3A_30 = arith.constant 0 : index
    %get3A_31 = arith.constant 48 : index
    %get3A_32 = vector.load %arg1[%get3A_30, %get3A_31] : memref<2000x80xf32, #tpu.memory_space<vmem>>, vector<2000x16xf32>
    %get3A_33 = arith.constant 0 : index
    %get3A_34 = arith.constant 67 : index
    %get3A_35 = vector.load %arg1[%get3A_33, %get3A_34] : memref<2000x80xf32, #tpu.memory_space<vmem>>, vector<2000x1xf32>
    %max3A_36 = arith.constant 9.99999971E-10 : f32
    %max3A_37 = vector.broadcast %max3A_36 : f32 to vector<2000x1xf32>
    %max3A_38 = arith.maximumf %get3A_35, %max3A_37 : vector<2000x1xf32>
    %div3A_39 = vector.broadcast %max3A_38 : vector<2000x1xf32> to vector<2000x16xf32>
    %div3A_40 = arith.divf %get3A_32, %div3A_39 : vector<2000x16xf32>
    %concatenate3A = tpu.concatenate %div3A_7, %div3A_18, %div3A_29, %div3A_40 in 1 : vector<2000x16xf32>, vector<2000x16xf32>, vector<2000x16xf32>, vector<2000x16xf32> -> vector<2000x64xf32>
    %get3A_41 = arith.constant 0 : index
    %get3A_42 = arith.constant 0 : index
    %get3A_43 = vector.load %arg3[%get3A_41, %get3A_42] : memref<1x64xf32, #tpu.memory_space<vmem>>, vector<1x64xf32>
    %add3A = vector.broadcast %get3A_43 : vector<1x64xf32> to vector<2000x64xf32>
    %add3A_44 = arith.addf %concatenate3A, %add3A : vector<2000x64xf32>
    %gt3A = arith.constant 0.000000e+00 : f32
    %gt3A_45 = vector.broadcast %gt3A : f32 to vector<2000x64xf32>
    %gt3A_46 = arith.cmpf ogt, %add3A_44, %gt3A_45 : vector<2000x64xf32>
    %exp3A = math.exp %add3A_44 : vector<2000x64xf32>
    %sub3A = arith.constant 1.000000e+00 : f32
    %sub3A_47 = vector.broadcast %sub3A : f32 to vector<2000x64xf32>
    %sub3A_48 = arith.subf %exp3A, %sub3A_47 : vector<2000x64xf32>
    %select_n3A = arith.select %gt3A_46, %add3A_44, %sub3A_48 : vector<2000x64xi1>, vector<2000x64xf32>
    %get3A_49 = arith.constant 0 : index
    %get3A_50 = arith.constant 0 : index
    %get3A_51 = vector.load %arg2[%get3A_49, %get3A_50] : memref<2000x80xf32, #tpu.memory_space<vmem>>, vector<2000x16xf32>
    %get3A_52 = arith.constant 0 : index
    %get3A_53 = arith.constant 64 : index
    %get3A_54 = vector.load %arg2[%get3A_52, %get3A_53] : memref<2000x80xf32, #tpu.memory_space<vmem>>, vector<2000x1xf32>
    %max3A_55 = arith.constant 9.99999971E-10 : f32
    %max3A_56 = vector.broadcast %max3A_55 : f32 to vector<2000x1xf32>
    %max3A_57 = arith.maximumf %get3A_54, %max3A_56 : vector<2000x1xf32>
    %div3A_58 = vector.broadcast %max3A_57 : vector<2000x1xf32> to vector<2000x16xf32>
    %div3A_59 = arith.divf %get3A_51, %div3A_58 : vector<2000x16xf32>
    %get3A_60 = arith.constant 0 : index
    %get3A_61 = arith.constant 16 : index
    %get3A_62 = vector.load %arg2[%get3A_60, %get3A_61] : memref<2000x80xf32, #tpu.memory_space<vmem>>, vector<2000x16xf32>
    %get3A_63 = arith.constant 0 : index
    %get3A_64 = arith.constant 65 : index
    %get3A_65 = vector.load %arg2[%get3A_63, %get3A_64] : memref<2000x80xf32, #tpu.memory_space<vmem>>, vector<2000x1xf32>
    %max3A_66 = arith.constant 9.99999971E-10 : f32
    %max3A_67 = vector.broadcast %max3A_66 : f32 to vector<2000x1xf32>
    %max3A_68 = arith.maximumf %get3A_65, %max3A_67 : vector<2000x1xf32>
    %div3A_69 = vector.broadcast %max3A_68 : vector<2000x1xf32> to vector<2000x16xf32>
    %div3A_70 = arith.divf %get3A_62, %div3A_69 : vector<2000x16xf32>
    %get3A_71 = arith.constant 0 : index
    %get3A_72 = arith.constant 32 : index
    %get3A_73 = vector.load %arg2[%get3A_71, %get3A_72] : memref<2000x80xf32, #tpu.memory_space<vmem>>, vector<2000x16xf32>
    %get3A_74 = arith.constant 0 : index
    %get3A_75 = arith.constant 66 : index
    %get3A_76 = vector.load %arg2[%get3A_74, %get3A_75] : memref<2000x80xf32, #tpu.memory_space<vmem>>, vector<2000x1xf32>
    %max3A_77 = arith.constant 9.99999971E-10 : f32
    %max3A_78 = vector.broadcast %max3A_77 : f32 to vector<2000x1xf32>
    %max3A_79 = arith.maximumf %get3A_76, %max3A_78 : vector<2000x1xf32>
    %div3A_80 = vector.broadcast %max3A_79 : vector<2000x1xf32> to vector<2000x16xf32>
    %div3A_81 = arith.divf %get3A_73, %div3A_80 : vector<2000x16xf32>
    %get3A_82 = arith.constant 0 : index
    %get3A_83 = arith.constant 48 : index
    %get3A_84 = vector.load %arg2[%get3A_82, %get3A_83] : memref<2000x80xf32, #tpu.memory_space<vmem>>, vector<2000x16xf32>
    %get3A_85 = arith.constant 0 : index
    %get3A_86 = arith.constant 67 : index
    %get3A_87 = vector.load %arg2[%get3A_85, %get3A_86] : memref<2000x80xf32, #tpu.memory_space<vmem>>, vector<2000x1xf32>
    %max3A_88 = arith.constant 9.99999971E-10 : f32
    %max3A_89 = vector.broadcast %max3A_88 : f32 to vector<2000x1xf32>
    %max3A_90 = arith.maximumf %get3A_87, %max3A_89 : vector<2000x1xf32>
    %div3A_91 = vector.broadcast %max3A_90 : vector<2000x1xf32> to vector<2000x16xf32>
    %div3A_92 = arith.divf %get3A_84, %div3A_91 : vector<2000x16xf32>
    %concatenate3A_93 = tpu.concatenate %div3A_59, %div3A_70, %div3A_81, %div3A_92 in 1 : vector<2000x16xf32>, vector<2000x16xf32>, vector<2000x16xf32>, vector<2000x16xf32> -> vector<2000x64xf32>
    %get3A_94 = arith.constant 0 : index
    %get3A_95 = arith.constant 0 : index
    %get3A_96 = vector.load %arg4[%get3A_94, %get3A_95] : memref<1x64xf32, #tpu.memory_space<vmem>>, vector<1x64xf32>
    %add3A_97 = vector.broadcast %get3A_96 : vector<1x64xf32> to vector<2000x64xf32>
    %add3A_98 = arith.addf %concatenate3A_93, %add3A_97 : vector<2000x64xf32>
    %gt3A_99 = arith.constant 0.000000e+00 : f32
    %gt3A_100 = vector.broadcast %gt3A_99 : f32 to vector<2000x64xf32>
    %gt3A_101 = arith.cmpf ogt, %add3A_98, %gt3A_100 : vector<2000x64xf32>
    %exp3A_102 = math.exp %add3A_98 : vector<2000x64xf32>
    %sub3A_103 = arith.constant 1.000000e+00 : f32
    %sub3A_104 = vector.broadcast %sub3A_103 : f32 to vector<2000x64xf32>
    %sub3A_105 = arith.subf %exp3A_102, %sub3A_104 : vector<2000x64xf32>
    %select_n3A_106 = arith.select %gt3A_101, %add3A_98, %sub3A_105 : vector<2000x64xi1>, vector<2000x64xf32>
    %swap3A = arith.constant 0 : index
    %swap3A_107 = arith.constant 0 : index
    %swap3A_108 = vector.load %arg8[%swap3A, %swap3A_107] : memref<2000x64xf32, #tpu.memory_space<vmem>>, vector<2000x64xf32>
    tpu.vector_store %arg8[%swap3A, %swap3A_107], %select_n3A {strides = array<i32>} : memref<2000x64xf32, #tpu.memory_space<vmem>>, vector<2000x64xf32>,
    %swap3A_109 = arith.constant 0 : index
    %swap3A_110 = arith.constant 0 : index
    %swap3A_111 = vector.load %arg9[%swap3A_109, %swap3A_110] : memref<2000x64xf32, #tpu.memory_space<vmem>>, vector<2000x64xf32>
    tpu.vector_store %arg9[%swap3A_109, %swap3A_110], %select_n3A_106 {strides = array<i32>} : memref<2000x64xf32, #tpu.memory_space<vmem>>, vector<2000x64xf32>,
    %get3A_112 = arith.constant 0 : index
    %get3A_113 = arith.constant 0 : index
    %get3A_114 = vector.load %arg5[%get3A_112, %get3A_113] : memref<64x128xf32, #tpu.memory_space<vmem>>, vector<64x128xf32>
    %dot_general3A = arith.constant dense<0.000000e+00> : vector<2000x128xf32>
    %dot_general3A_115 = tpu.matmul %select_n3A, %get3A_114, %dot_general3A {dimension_numbers = #tpu.dot_dimension_numbers<[1], [0], [0], [1], [0, 0, 1, 1], [], []>, transpose_lhs_hint = false} : vector<2000x64xf32>, vector<64x128xf32>, vector<2000x128xf32> -> vector<2000x128xf32>
    %get3A_116 = arith.constant 0 : index
    %get3A_117 = arith.constant 0 : index
    %get3A_118 = vector.load %arg6[%get3A_116, %get3A_117] : memref<1x128xf32, #tpu.memory_space<vmem>>, vector<1x128xf32>
    %add3A_119 = vector.broadcast %get3A_118 : vector<1x128xf32> to vector<2000x128xf32>
    %add3A_120 = arith.addf %dot_general3A_115, %add3A_119 : vector<2000x128xf32>
    %tanh3A = math.tanh %add3A_120 : vector<2000x128xf32>
    %get3A_121 = arith.constant 0 : index
    %get3A_122 = arith.constant 0 : index
    %get3A_123 = vector.load %arg5[%get3A_121, %get3A_122] : memref<64x128xf32, #tpu.memory_space<vmem>>, vector<64x128xf32>
    %dot_general3A_124 = arith.constant dense<0.000000e+00> : vector<2000x128xf32>
    %dot_general3A_125 = tpu.matmul %select_n3A_106, %get3A_123, %dot_general3A_124 {dimension_numbers = #tpu.dot_dimension_numbers<[1], [0], [0], [1], [0, 0, 1, 1], [], []>, transpose_lhs_hint = false} : vector<2000x64xf32>, vector<64x128xf32>, vector<2000x128xf32> -> vector<2000x128xf32>
    %get3A_126 = arith.constant 0 : index
    %get3A_127 = arith.constant 0 : index
    %get3A_128 = vector.load %arg6[%get3A_126, %get3A_127] : memref<1x128xf32, #tpu.memory_space<vmem>>, vector<1x128xf32>
    %add3A_129 = vector.broadcast %get3A_128 : vector<1x128xf32> to vector<2000x128xf32>
    %add3A_130 = arith.addf %dot_general3A_125, %add3A_129 : vector<2000x128xf32>
    %tanh3A_131 = math.tanh %add3A_130 : vector<2000x128xf32>
    %get3A_132 = arith.constant 0 : index
    %get3A_133 = arith.constant 0 : index
    %get3A_134 = vector.load %arg7[%get3A_132, %get3A_133] : memref<128x1xf32, #tpu.memory_space<vmem>>, vector<128x1xf32>
    %dot_general3A_135 = arith.constant dense<0.000000e+00> : vector<2000x1xf32>
    %dot_general3A_136 = tpu.matmul %tanh3A, %get3A_134, %dot_general3A_135 {dimension_numbers = #tpu.dot_dimension_numbers<[1], [0], [0], [1], [0, 0, 1, 1], [], []>, transpose_lhs_hint = false} : vector<2000x128xf32>, vector<128x1xf32>, vector<2000x1xf32> -> vector<2000x1xf32>
    %reduce_sum3A = vector.shape_cast %dot_general3A_136 : vector<2000x1xf32> to vector<1x2000x1xf32>
    %reduce_sum3A_137 = arith.constant dense<0.000000e+00> : vector<1xf32>
    %reduce_sum3A_138 = vector.multi_reduction <add>, %reduce_sum3A, %reduce_sum3A_137 [1, 2] : vector<1x2000x1xf32> to vector<1xf32>
    %reduce_sum3A_139 = vector.shape_cast %reduce_sum3A_138 : vector<1xf32> to vector<1x1x1xf32>
    %reduce_sum3A_140 = vector.extract %reduce_sum3A_139[0, 0, 0] : f32 from vector<1x1x1xf32>
    %get3A_141 = arith.constant 0 : index
    %get3A_142 = arith.constant 0 : index
    %get3A_143 = vector.load %arg7[%get3A_141, %get3A_142] : memref<128x1xf32, #tpu.memory_space<vmem>>, vector<128x1xf32>
    %dot_general3A_144 = arith.constant dense<0.000000e+00> : vector<2000x1xf32>
    %dot_general3A_145 = tpu.matmul %tanh3A_131, %get3A_143, %dot_general3A_144 {dimension_numbers = #tpu.dot_dimension_numbers<[1], [0], [0], [1], [0, 0, 1, 1], [], []>, transpose_lhs_hint = false} : vector<2000x128xf32>, vector<128x1xf32>, vector<2000x1xf32> -> vector<2000x1xf32>
    %reduce_sum3A_146 = vector.shape_cast %dot_general3A_145 : vector<2000x1xf32> to vector<1x2000x1xf32>
    %reduce_sum3A_147 = arith.constant dense<0.000000e+00> : vector<1xf32>
    %reduce_sum3A_148 = vector.multi_reduction <add>, %reduce_sum3A_146, %reduce_sum3A_147 [1, 2] : vector<1x2000x1xf32> to vector<1xf32>
    %reduce_sum3A_149 = vector.shape_cast %reduce_sum3A_148 : vector<1xf32> to vector<1x1x1xf32>
    %reduce_sum3A_150 = vector.extract %reduce_sum3A_149[0, 0, 0] : f32 from vector<1x1x1xf32>
    %iota3A = tpu.iota {dimensions = array<i32: 1>} : vector<1x128xi32>
    %eq3A = arith.constant 0 : i32
    %eq3A_151 = vector.broadcast %eq3A : i32 to vector<1x128xi32>
    %eq3A_152 = arith.cmpi eq, %iota3A, %eq3A_151 : vector<1x128xi32>
    %jit3A = arith.constant 0.000000e+00 : f32
    %broadcast_in_dim3A = vector.broadcast %reduce_sum3A_140 : f32 to vector<1x128xf32>
    %broadcast_in_dim3A_153 = vector.broadcast %jit3A : f32 to vector<1x128xf32>
    %select_n3A_154 = arith.select %eq3A_152, %broadcast_in_dim3A, %broadcast_in_dim3A_153 : vector<1x128xi1>, vector<1x128xf32>
    %eq3A_155 = arith.constant 1 : i32
    %eq3A_156 = vector.broadcast %eq3A_155 : i32 to vector<1x128xi32>
    %eq3A_157 = arith.cmpi eq, %iota3A, %eq3A_156 : vector<1x128xi32>
    %jit3A_158 = arith.constant 0.000000e+00 : f32
    %broadcast_in_dim3A_159 = vector.broadcast %reduce_sum3A_150 : f32 to vector<1x128xf32>
    %broadcast_in_dim3A_160 = vector.broadcast %jit3A_158 : f32 to vector<1x128xf32>
    %select_n3A_161 = arith.select %eq3A_157, %broadcast_in_dim3A_159, %broadcast_in_dim3A_160 : vector<1x128xi1>, vector<1x128xf32>
    %add3A_162 = arith.addf %select_n3A_154, %select_n3A_161 : vector<1x128xf32>
    %reshape3A = vector.shape_cast %add3A_162 : vector<1x128xf32> to vector<1x1x128xf32>
    %swap3A_163 = arith.constant 0 : index
    %swap3A_164 = arith.constant 0 : index
    %swap3A_165 = arith.constant 0 : index
    %swap3A_166 = vector.load %arg10[%swap3A_163, %swap3A_164, %swap3A_165] : memref<1x1x128xf32, #tpu.memory_space<vmem>>, vector<1x1x128xf32>
    tpu.vector_store %arg10[%swap3A_163, %swap3A_164, %swap3A_165], %reshape3A {strides = array<i32>} : memref<1x1x128xf32, #tpu.memory_space<vmem>>, vector<1x1x128xf32>,
    return
  }
  func.func @transform_0(%arg0: i32) -> (i32, i32) {
    %c0_i32 = arith.constant 0 : i32
    %c0_i32_0 = arith.constant 0 : i32
    return %arg0, %c0_i32 : i32, i32
  }
  func.func @transform_1(%arg0: i32) -> (i32, i32) {
    %c0_i32 = arith.constant 0 : i32
    %c0_i32_0 = arith.constant 0 : i32
    return %arg0, %c0_i32 : i32, i32
  }
  func.func @transform_2(%arg0: i32) -> (i32, i32) {
    %c0_i32 = arith.constant 0 : i32
    %c0_i32_0 = arith.constant 0 : i32
    %c0_i32_1 = arith.constant 0 : i32
    return %c0_i32, %c0_i32_0 : i32, i32
  }
  func.func @transform_3(%arg0: i32) -> (i32, i32) {
    %c0_i32 = arith.constant 0 : i32
    %c0_i32_0 = arith.constant 0 : i32
    %c0_i32_1 = arith.constant 0 : i32
    return %c0_i32, %c0_i32_0 : i32, i32
  }
  func.func @transform_4(%arg0: i32) -> (i32, i32) {
    %c0_i32 = arith.constant 0 : i32
    %c0_i32_0 = arith.constant 0 : i32
    %c0_i32_1 = arith.constant 0 : i32
    return %c0_i32, %c0_i32_0 : i32, i32
  }
  func.func @transform_5(%arg0: i32) -> (i32, i32) {
    %c0_i32 = arith.constant 0 : i32
    %c0_i32_0 = arith.constant 0 : i32
    %c0_i32_1 = arith.constant 0 : i32
    return %c0_i32, %c0_i32_0 : i32, i32
  }
  func.func @transform_6(%arg0: i32) -> (i32, i32) {
    %c0_i32 = arith.constant 0 : i32
    %c0_i32_0 = arith.constant 0 : i32
    %c0_i32_1 = arith.constant 0 : i32
    return %c0_i32, %c0_i32_0 : i32, i32
  }
  func.func @transform_7(%arg0: i32) -> (i32, i32) {
    %c0_i32 = arith.constant 0 : i32
    %c0_i32_0 = arith.constant 0 : i32
    return %arg0, %c0_i32 : i32, i32
  }
  func.func @transform_8(%arg0: i32) -> (i32, i32) {
    %c0_i32 = arith.constant 0 : i32
    %c0_i32_0 = arith.constant 0 : i32
    return %arg0, %c0_i32 : i32, i32
  }
  func.func @transform_9(%arg0: i32) -> (i32, i32, i32) {
    %c0_i32 = arith.constant 0 : i32
    %c0_i32_0 = arith.constant 0 : i32
    %c0_i32_1 = arith.constant 0 : i32
    return %arg0, %c0_i32, %c0_i32_0 : i32, i32, i32
  }
}

module attributes {stable_mosaic.version = 14 : i64} {
  func.func @_postB_body(%arg0: i32, %arg1: memref<2000x64xf32, #tpu.memory_space<vmem>>, %arg2: memref<2000x64xf32, #tpu.memory_space<vmem>>, %arg3: memref<2000x64xf32, #tpu.memory_space<vmem>>, %arg4: memref<1x64xf32, #tpu.memory_space<vmem>>, %arg5: memref<1x64xf32, #tpu.memory_space<vmem>>, %arg6: memref<2000x64xf32, #tpu.memory_space<vmem>>) attributes {dimension_semantics = [#tpu.dimension_semantics<arbitrary>], iteration_bounds = array<i64: 25>, scalar_prefetch = 0 : i64, scratch_operands = 0 : i64, tpu.core_type = #tpu.core_type<tc>, window_params = [{transform_indices = @transform_0, window_bounds = array<i64: 2000, 64>}, {transform_indices = @transform_1, window_bounds = array<i64: 2000, 64>}, {transform_indices = @transform_2, window_bounds = array<i64: 2000, 64>}, {pipeline_mode = #tpu.pipeline_mode<synchronous>, transform_indices = @transform_3, window_bounds = array<i64: 1, 64>}, {pipeline_mode = #tpu.pipeline_mode<synchronous>, transform_indices = @transform_4, window_bounds = array<i64: 1, 64>}, {transform_indices = @transform_5, window_bounds = array<i64: 2000, 64>}]} {
    %get3A = arith.constant 0 : index
    %get3A_0 = arith.constant 0 : index
    %get3A_1 = vector.load %arg1[%get3A, %get3A_0] : memref<2000x64xf32, #tpu.memory_space<vmem>>, vector<2000x64xf32>
    %get3A_2 = arith.constant 0 : index
    %get3A_3 = arith.constant 0 : index
    %get3A_4 = vector.load %arg4[%get3A_2, %get3A_3] : memref<1x64xf32, #tpu.memory_space<vmem>>, vector<1x64xf32>
    %get3A_5 = arith.constant 0 : index
    %get3A_6 = arith.constant 0 : index
    %get3A_7 = vector.load %arg2[%get3A_5, %get3A_6] : memref<2000x64xf32, #tpu.memory_space<vmem>>, vector<2000x64xf32>
    %mul3A = vector.broadcast %get3A_4 : vector<1x64xf32> to vector<2000x64xf32>
    %mul3A_8 = arith.mulf %mul3A, %get3A_7 : vector<2000x64xf32>
    %add3A = arith.addf %get3A_1, %mul3A_8 : vector<2000x64xf32>
    %get3A_9 = arith.constant 0 : index
    %get3A_10 = arith.constant 0 : index
    %get3A_11 = vector.load %arg5[%get3A_9, %get3A_10] : memref<1x64xf32, #tpu.memory_space<vmem>>, vector<1x64xf32>
    %get3A_12 = arith.constant 0 : index
    %get3A_13 = arith.constant 0 : index
    %get3A_14 = vector.load %arg3[%get3A_12, %get3A_13] : memref<2000x64xf32, #tpu.memory_space<vmem>>, vector<2000x64xf32>
    %mul3A_15 = vector.broadcast %get3A_11 : vector<1x64xf32> to vector<2000x64xf32>
    %mul3A_16 = arith.mulf %mul3A_15, %get3A_14 : vector<2000x64xf32>
    %add3A_17 = arith.addf %add3A, %mul3A_16 : vector<2000x64xf32>
    %swap3A = arith.constant 0 : index
    %swap3A_18 = arith.constant 0 : index
    %swap3A_19 = vector.load %arg6[%swap3A, %swap3A_18] : memref<2000x64xf32, #tpu.memory_space<vmem>>, vector<2000x64xf32>
    tpu.vector_store %arg6[%swap3A, %swap3A_18], %add3A_17 {strides = array<i32>} : memref<2000x64xf32, #tpu.memory_space<vmem>>, vector<2000x64xf32>,
    return
  }
  func.func @transform_0(%arg0: i32) -> (i32, i32) {
    %c0_i32 = arith.constant 0 : i32
    %c0_i32_0 = arith.constant 0 : i32
    return %arg0, %c0_i32 : i32, i32
  }
  func.func @transform_1(%arg0: i32) -> (i32, i32) {
    %c0_i32 = arith.constant 0 : i32
    %c0_i32_0 = arith.constant 0 : i32
    return %arg0, %c0_i32 : i32, i32
  }
  func.func @transform_2(%arg0: i32) -> (i32, i32) {
    %c0_i32 = arith.constant 0 : i32
    %c0_i32_0 = arith.constant 0 : i32
    return %arg0, %c0_i32 : i32, i32
  }
  func.func @transform_3(%arg0: i32) -> (i32, i32) {
    %c0_i32 = arith.constant 0 : i32
    %c0_i32_0 = arith.constant 0 : i32
    %c0_i32_1 = arith.constant 0 : i32
    return %c0_i32, %c0_i32_0 : i32, i32
  }
  func.func @transform_4(%arg0: i32) -> (i32, i32) {
    %c0_i32 = arith.constant 0 : i32
    %c0_i32_0 = arith.constant 0 : i32
    %c0_i32_1 = arith.constant 0 : i32
    return %c0_i32, %c0_i32_0 : i32, i32
  }
  func.func @transform_5(%arg0: i32) -> (i32, i32) {
    %c0_i32 = arith.constant 0 : i32
    %c0_i32_0 = arith.constant 0 : i32
    return %arg0, %c0_i32 : i32, i32
  }
}

</mosaic_0001>

<sc_bundles>
// kernel: kernel.10.cloned.1.call-start
scs
__scs_entry_jumppad:
0x0: {  	(pc) =	sbr.rel $0x88, $3  }
0x1: {  	(tag) =	ssettag $0x0;
	lr =	simm.s32 $0x1  }
0x2: {  	[smem:$0x3F91] =	sst lr;
	_ =	strace $0xD0000000  }
0x3: {  	_ = 	snop  }
0x4: {  	_ = 	snop  }
0x5: {  	_ = 	snop  }
0x6: {  	_ = 	snop  }
0x7: {  	_ = 	snop  }
__scs_overlays_trampoline_lowered:
0x8: {  	[smem:$0x3FA0] =	sst s0  }
0x9: {  	[smem:$0x3FA1] =	sst s1  }
0xa: {  	[smem:$0x3FA2] =	sst s2  }
0xb: {  	[smem:$0x3FA3] =	sst s3  }
0xc: {  	[smem:$0x3FA4] =	sst s4  }
0xd: {  	[smem:$0x3FA5] =	sst s5  }
0xe: {  	[smem:$0x3FA6] =	sst s6  }
0xf: {  	[smem:$0x3FA7] =	sst s7  }
0x10: {  	[smem:$0x3FA8] =	sst s8  }
0x11: {  	[smem:$0x3FA9] =	sst s9;
	s0 =	simm.s32 @!p0 $0x0  }
0x12: {  	s1 =	sld [smem:$0x3F8F];
	s0 =	simm.s32 @p0 $0x1  }
0x13: {  	[smem:$0x3FAA] =	sst s0;
	s0 =	simm.s32 @!p1 $0x0  }
0x14: {  	s2 =	sld [smem:$0x3F8E];
	s0 =	simm.s32 @p1 $0x1  }
0x15: {  	[smem:$0x3FAB] =	sst s0;
	s0 =	simm.s32 @!p2 $0x0  }
0x16: {  	s3 =	sld [smem:$0x3FDB];
	s0 =	simm.s32 @p2 $0x1  }
0x17: {  	s4 =	simm.s32 $0x1BF5;
	[smem:$0x3FAD] =	sst s0  }
0x18: {  	s0 =	sld [smem:$0x3F90];
	_ =	swait.ge [sflag:s4], $0x0  }
0x19: {  	s7 =	sld [smem:$0x3F91]  }
0x1a: {  	s8 =	sadd.s32 $0xFFFFE003, lr  }
0x1b: {  	s9 =	sadd.s32 $0xFFFFFEF7, lr;
	s5 =	simm.s32 $0xFFFFFFFF;
	p2 =	slt.u32 s8, $0xFFFFF086  }
0x1c: {  	p1 =	slt.u32 s9, $0xF7A;
	s5 =	simm.s32 @!p2 $0x0  }
0x1d: {  	s5 =	simm.s32 @p1 $0x1;
	p0 =	seq.s32 s7, s2  }
0x1e: {  	s7 =	smul.u32 @!p0 $0xF7A, s2;
	p2 =	seq.s32 @!p0 s5, $0x0  }
0x1f: {  	s9 =	smul.u32 $0xF7A, s1;
	s8 =	simm.s32 @!p0 $0x1BF5;
	p2 =	por !p2, p0  }
0x20: {  	[sflag:s8] =	ssyncset.s32 @!p0 $0xFFFFF086;
	s6 =	sadd.s32 @!p0 s3, s7;
	s7 =	simm.s32 @!p0 $0x108  }
0x21: {  	s3 =	sadd.s32 s3, s9;
	s6 =	sadd.s32 @!p0 $0x88, s6;
	s7 =	simm.s32 @p2 $0x1082  }
0x22: {  	[simem:s7], [sflag:s8] =	dma.local @!p0 [hbm:s6], $0xF7A  }
0x23: {  	s9 =	sor.u32 $0xD0000000, s2;
	s6 =	simm.s32 $0x108;
	_ =	swait.ge @!p0 [sflag:s8], $0x0  }
0x24: {  	s3 =	sadd.s32 $0x88, s3;
	s6 =	simm.s32 @!p1 $0x1082;
	[sflag:s4] =	ssyncset.s32 $0xFFFFF086  }
0x25: {  	[simem:s6], [sflag:s4] =	dma.local [hbm:s3], $0xF7A  }
0x26: {  	[smem:$0x3F91] =	sst s1;
	(tag) =	ssettag s2;
	_ =	strace s9  }
0x27: {  	s1 =	sld [smem:$0x3FA1]  }
0x28: {  	s2 =	sld [smem:$0x3FA2]  }
0x29: {  	s4 =	sld [smem:$0x3FA4]  }
0x2a: {  	p0 =	seq.s32 s5, $0x0;
	s5 =	sld [smem:$0x3FA5]  }
0x2b: {  	s6 =	sld [smem:$0x3FA6]  }
0x2c: {  	s7 =	sld [smem:$0x3FA7]  }
0x2d: {  	s3 =	simm.s32 $0x108;
	s8 =	sld [smem:$0x3FA8]  }
0x2e: {  	s3 =	simm.s32 @!p0 $0x1082;
	s9 =	sld [smem:$0x3FA9]  }
0x2f: {  	lr =	sadd.s32 s0, s3;
	s0 =	sld [smem:$0x3FA0]  }
0x30: {  	s3 =	sld [smem:$0x3FA3]  }
0x31: {  	[smem:$0x3FAC] =	sst s10  }
0x32: {  	s10 =	sld [smem:$0x3FAA];
	_ =	sdelay $0x3  }
0x33: {  	p0 =	seq.s32 s10, $0x1;
	s10 =	sld [smem:$0x3FAC];
	_ =	sdelay $0x3  }
0x34: {  	[smem:$0x3FAC] =	sst s10  }
0x35: {  	s10 =	sld [smem:$0x3FAB];
	_ =	sdelay $0x3  }
0x36: {  	p1 =	seq.s32 s10, $0x1;
	s10 =	sld [smem:$0x3FAC];
	_ =	sdelay $0x3  }
0x37: {  	[smem:$0x3FAC] =	sst s10  }
0x38: {  	s10 =	sld [smem:$0x3FAD]  }
0x39: {  	_ = 	snop;
	(pc) =	sbr.ind lr, $3  }
0x3a: {  	_ = 	snop  }
0x3b: {  	_ = 	snop  }
0x3c: {  	p2 =	seq.s32 s10, $0x1;
	s10 =	sld [smem:$0x3FAC]  }
0x3d: {  	_ =	shalt  }
0x3e: {  	_ =	shalt  }
0x3f: {  	_ =	shalt  }
0x40: {  	_ =	shalt  }
0x41: {  	_ =	shalt  }
0x42: {  	_ =	shalt  }
0x43: {  	_ =	shalt  }
0x44: {  	_ =	shalt  }
0x45: {  	_ =	shalt  }
0x46: {  	_ =	shalt  }
0x47: {  	_ =	shalt  }
0x48: {  	_ =	shalt  }
0x49: {  	_ =	shalt  }
0x4a: {  	_ =	shalt  }
0x4b: {  	_ =	shalt  }
0x4c: {  	_ =	shalt  }
0x4d: {  	_ =	shalt  }
0x4e: {  	_ =	shalt  }
0x4f: {  	_ =	shalt  }
0x50: {  	_ =	shalt  }
0x51: {  	_ =	shalt  }
0x52: {  	_ =	shalt  }
0x53: {  	_ =	shalt  }
0x54: {  	_ =	shalt  }
0x55: {  	_ =	shalt  }
0x56: {  	_ =	shalt  }
0x57: {  	_ =	shalt  }
0x58: {  	_ =	shalt  }
0x59: {  	_ =	shalt  }
0x5a: {  	_ =	shalt  }
0x5b: {  	_ =	shalt  }
0x5c: {  	_ =	shalt  }
0x5d: {  	_ =	shalt  }
0x5e: {  	_ =	shalt  }
0x5f: {  	_ =	shalt  }
0x60: {  	_ =	shalt  }
0x61: {  	_ =	shalt  }
0x62: {  	_ =	shalt  }
0x63: {  	_ =	shalt  }
0x64: {  	_ =	shalt  }
0x65: {  	_ =	shalt  }
0x66: {  	_ =	shalt  }
0x67: {  	_ =	shalt  }
0x68: {  	_ =	shalt  }
0x69: {  	_ =	shalt  }
0x6a: {  	_ =	shalt  }
0x6b: {  	_ =	shalt  }
0x6c: {  	_ =	shalt  }
0x6d: {  	_ =	shalt  }
0x6e: {  	_ =	shalt  }
0x6f: {  	_ =	shalt  }
0x70: {  	_ =	shalt  }
0x71: {  	_ =	shalt  }
0x72: {  	_ =	shalt  }
0x73: {  	_ =	shalt  }
0x74: {  	_ =	shalt  }
0x75: {  	_ =	shalt  }
0x76: {  	_ =	shalt  }
0x77: {  	_ =	shalt  }
0x78: {  	_ =	shalt  }
0x79: {  	_ =	shalt  }
0x7a: {  	_ =	shalt  }
0x7b: {  	_ =	shalt  }
0x7c: {  	_ =	shalt  }
0x7d: {  	_ =	shalt  }
0x7e: {  	_ =	shalt  }
0x7f: {  	_ =	shalt  }
0x80: {  	_ =	shalt  }
0x81: {  	_ =	shalt  }
0x82: {  	_ =	shalt  }
0x83: {  	_ =	shalt  }
0x84: {  	_ =	shalt  }
0x85: {  	_ =	shalt  }
0x86: {  	_ =	shalt  }
0x87: {  	_ =	shalt  }
.Lfunc_end0:
.L_simem_size_0:
called_computation.1_lowered:
.L_overlay_start_0:
0x88: {  	s2 =	sld [smem:$0x3FD9]  }
0x89: {  	s3 =	sld [smem:$0x3FFE];
	_ =	sdelay $0x1  }
0x8a: {  	s1 =	srdreg.scid  }
0x8b: {  	s0 =	sand.u32 $0x1, s1  }
0x8c: {  	s16 =	sshll.u32 s0, $0xA;
	s2 =	sadd.s32 s3, s2  }
0x8d: {  	s2 =	sadd.s32 s2, s16  }
0x8e: {  	[smem:$0x3FB8] =	sst s2  }
0x8f: {  	_ = 	snop  }
0x90: {  	(tm) =	ssettm $0x1  }
0x91: {  	s17 =	sld [smem:$0x3FFB];
	_ =	sdelay $0x3  }
0x92: {  	_ =	strace s17  }
0x93: {  	s2 =	sld [smem:$0x3FFC];
	_ =	sdelay $0x3  }
0x94: {  	_ =	strace s2  }
0x95: {  	s2 =	sld [smem:$0x3FFD];
	_ =	sdelay $0x3  }
0x96: {  	_ =	strace s2  }
0x97: {  	_ =	strace $0x8FFFFFFF  }
0x98: {  	s18 =	sld [smem:$0x3FDB];
	_ =	sdelay $0x1  }
0x99: {  	s19 =	simm.s32 $_scs_section_size  }
0x9a: {  	s4 =	simm.s32 $_size__tile_overlayer_lowered;
	s5 =	simm.s32 $_tile_overlayer_lowered  }
0x9b: {  	s22 =	simm.s32 $0x1BFF;
	s21 =	sshll.u32 s5, $0x1;
	s2 =	sadd.s32 s19, s18  }
0x9c: {  	s6 =	simm.s32 $0x0;
	s20 =	sshll.u32 s4, $0x1;
	s4 =	sadd.s32 s21, s2  }
0x9d: {  	[timem:s6], [sflag:s22] =	dma.local [hbm:s4], s20  }
0x9e: {  	_ =	swait.ge [sflag:s22], s20  }
0x9f: {  	s3 =	ssub.s32 $0x0, s20;
	[sflag:s22] =	ssyncset.done $0x0  }
0xa0: {  	[sflag:s22] =	ssyncadd.s32 s3;
	_ =	sdelay $0x1  }
0xa1: {  	s23 =	simm.s32 $0x1B8B  }
0xa2: {  	_ =	swait.ge [sflag:s23], $0x1  }
0xa3: {  	[sflag:s23] =	ssyncset.done $0x0  }
0xa4: {  	s25 =	simm.s32 $0x1B8E;
	s24 =	sld [smem:$0x3FFE];
	[sflag:s23] =	ssyncadd.s32 $0xFFFFFFFF  }
0xa5: {  	s26 =	simm.s32 $execute0_lowered;
	[smem:$0x3FD2] =	sst s25  }
0xa6: {  	s4 =	sshll.u32 s26, $0x1;
	_ =	strace $0x80000046;
	[dreg:$0x1] =	wrdreg $0xFFFFFFFF  }
0xa7: {  	s28 =	simm.s32 $_size_execute0_lowered;
	s2 =	sadd.s32 s2, s4;
	[dreg:$0x0] =	wrdreg $0x0  }
0xa8: {  	s4 =	sshll.u32 s28, $0x1;
	[dreg:$0x2] =	wrdreg s2  }
0xa9: {  	[dreg:$0x3] =	wrdreg s4  }
0xaa: {  	[dreg:$0x4] =	wrdreg $0xC0  }
0xab: {  	_ =	task [dreg:s6], $0x5FFFF  }
0xac: {  	[dreg:$0x1] =	wrdreg $0xFFFFFFFF  }
0xad: {  	[dreg:$0x0] =	wrdreg $0x60  }
0xae: {  	[dreg:$0x2] =	wrdreg s24  }
0xaf: {  	[dreg:$0x3] =	wrdreg $0x59800  }
0xb0: {  	[dreg:$0x4] =	wrdreg $0xA  }
0xb1: {  	_ =	task.clear_ibuf [dreg:s6], $0x5FFFF;
	_ =	strace $0x90000046  }
0xb2: {  	s29 =	simm.s32 $0xA;
	_ =	strace $0x80000048  }
0xb3: {  	_ =	swait.ge [sflag:s29], $0x1  }
0xb4: {  	[sflag:s29] =	ssyncadd.s32 $0xFFFFFFFF  }
0xb5: {  	_ =	strace $0x90000048  }
0xb6: {  	_ =	sfence  }
0xb7: {  	s30 =	sld [smem:$0x0];
	_ =	sdelay $0x2  }
0xb8: {  	s31 =	sshll.u32 s1, $0xD;
	s1 =	sshrl.u32 s1, $0x2  }
0xb9: {  	s3 =	sand.u32 $0x4000, s31;
	s1 =	sadd.s32 s1, s30  }
0xba: {  	s0 =	sor.u32 s3, s0;
	s1 =	sshll.u32 s1, $0x11  }
0xbb: {  	s0 =	sor.u32 s1, s0  }
0xbc: {  	s0 =	sadd.s32 $0x8F2B, s0  }
0xbd: {  	[sflag:s0] =	ssyncadd.remote.s32 $0x1  }
0xbe: {  	_ =	sfence.sel $0xFFFF  }
0xbf: {  	[dreg:$0x0] =	wrdreg $0xFFFFFFFF;
	(pc) =	sbr.abs _section_cstart, $3  }
0xc0: {  	[dreg:$0x1] =	wrdreg $0xFFFFFFFF  }
0xc1: {  	_ =	task.clear_ibuf [dreg:s6], $0x2FFFF;
	_ =	strace $0x9FFFFFFF  }
0xc2: {  	(tm) =	ssettm $0x7FFFFFFF  }
0xc3: {  	_ =	shalt  }
tec
execute0_lowered:
.L_overlay_start_1:
0x0: {  	(tag) =	ssettag $0x1  }
0x1: {  	s9 =	rddreg [dreg:$0x0]  }
0x2: {  	s1 =	rddreg [dreg:$0x1]  }
0x3: {  	s0 =	rddreg [dreg:$0x2];
	s2 =	simm.s32 $0x0  }
0x4: {  	s3 =	srdreg.scid;
	s17 =	simm.s32 $0x180;
	s18 =	simm.s32 $0x1  }
0x5: {  	[smem:$0x7FF] =	sst s2;
	s4 =	sadd.s32 $0xAE800, s9;
	s5 =	sadd.s32 $0x96000, s9  }
0x6: {  	s8 =	sand.u32 $0x1, s3;
	s6 =	sadd.s32 $0x3000, s9;
	s3 =	stileid.u32  }
0x7: {  	s7 =	sadd.s32 $0x7D800, s9;
	s12 =	sadd.s32 $0xC9000, s9;
	s19 =	smul.u32 $0x6200, s8  }
0x8: {  	_ =	strace $0x80000047;
	s10 =	ssub.s32 $0x2, s8;
	s11 =	smul.u32 $0x310, s3  }
0x9: {  	s8 =	sadd.s32 $0xC7000, s9;
	s13 =	smul.u32 $0x3D400, s3;
	s30 =	sshll.u32 s3, $0x6  }
0xa: {  	s26 =	sshrl.u32 s10, $0x1;
	s9 =	sor.u32 $0x1C03, s30;
	s20 =	sadd.s32 $0x3100, s19  }
0xb: {  	s14 =	sadd.s32 s11, s19;
	s15 =	ssub.s32 s10, s26;
	s29 =	sshrl.u32 s13, $0x2  }
0xc: {  	s10 =	smul.u32 $0xC380, s3;
	s21 =	sadd.s32 $0x6200, s19;
	v0 =	vmov s19;
	s19 =	simm.s32 $0x2  }
0xd: {  	s14 =	smul.u32 $0xA, s14;
	s28 =	sadd.s32 s11, s20;
	s16 =	sadd.s32 s29, s1  }
0xe: {  	s13 =	smax.u32 s15, $0x1;
	s15 =	simm.s32 $0x3;
	s31 =	smul.u32 $0xA, s28  }
0xf: {  	v1 =	vmov s20;
	v2 =	vmov s21;
	s20 =	simm.s32 $0x100;
	s21 =	simm.s32 $0x3180;
	s11 =	sadd.s32 s12, s14  }
0x10: {  	s14 =	sshrl.u32 s16, $0x3;
	s16 =	simm.s32 $0x80;
	s12 =	sadd.s32 s12, s31  }
.LBB2_1:
0x11: {  	[spmem:s14], [sflag:s9] =	dma.local [hbm:s8], $0x1EA0  }
0x12: {  	_ =	swait.ge [sflag:s15], $0x1EA0  }
0x13: {  	[sflag:s15] =	ssyncset.done $0x0  }
0x14: {  	[sflag:s15] =	ssyncadd.s32 $0xFFFFE160  }
0x15: {  	s22 =	simm.s32 $0x0;
	[bflag:$0x0] =	sbarrier.arrive $0xFFFF  }
.LBB2_2:
0x16: {  	s23 =	sshll.u32 s22, $0x7  }
0x17: {  	s23 =	sadd.s32 s10, s23  }
0x18: {  	s23 =	sshrl.u32 s23, $0x3  }
0x19: {  	s25 =	simm.s32 $0x0;
	s24 =	sadd.s32 s4, s23  }
0x1a: {  	[tilespmem:s25], [sflag:$0x3] =	stream.linear.gather [hbm4b:s24+s25], $0x80, $0x38;
	[tilespmem:$0x14EA8] =	vst v63  }
0x1b: {  	_ =	swait.ge [sflag:s15], $0x80  }
0x1c: {  	[sflag:s15] =	ssyncset.done $0x0  }
0x1d: {  	s23 =	sadd.s32 s5, s23;
	[sflag:s15] =	ssyncadd.s32 $0xFFFFFF80  }
0x1e: {  	[tilespmem:s16], [sflag:$0x3] =	stream.linear.gather [hbm4b:s23+s25], $0x80, $0x38;
	[tilespmem:$0x14EA8] =	vst v63  }
0x1f: {  	_ =	swait.ge [sflag:s15], $0x80  }
0x20: {  	[sflag:s15] =	ssyncset.done $0x0  }
0x21: {  	[sflag:s15] =	ssyncadd.s32 $0xFFFFFF80  }
0x22: {  	[tilespmem:s17], [sflag:$0x1] =	stream.indirect.gather [hbm4b:s6+s16], $0x50, s25, s16, $0xb8;
	[tilespmem:$0x14EA8] =	vst v63  }
0x23: {  	_ =	swait.ge [sflag:s18], $0x2800  }
0x24: {  	[sflag:s18] =	ssyncset.done $0x0  }
0x25: {  	s23 =	simm.s32 $0x2980;
	[sflag:s18] =	ssyncadd.s32 $0xFFFFD800  }
0x26: {  	[tilespmem:s23], [sflag:$0x2] =	stream.indirect.gather [hbm4b:s7+s16], $0x10, s16, s16, $0xb8;
	[tilespmem:$0x14EA8] =	vst v63  }
0x27: {  	_ =	swait.ge [sflag:s19], $0x800  }
0x28: {  	[sflag:s19] =	ssyncset.done $0x0  }
0x29: {  	[sflag:s19] =	ssyncadd.s32 $0xFFFFF800  }
0x2a: {  	v3 =	vld [tilespmem:$0x80]  }
0x2b: {  	v4 =	vld [tilespmem:$0x90]  }
0x2c: {  	v5 =	vld [tilespmem:$0xA0]  }
0x2d: {  	v6 =	vld [tilespmem:$0xB0]  }
0x2e: {  	v7 =	vld [tilespmem:$0xC0]  }
0x2f: {  	v8 =	vld [tilespmem:$0xD0]  }
0x30: {  	v9 =	vld [tilespmem:$0xE0];
	vm0 =	vge.s32 v3, v0;
	vm1 =	vlt.s32 v3, v1;
	v3 =	vsub.s32 v3, v0  }
0x31: {  	vm12 =	vge.s32 v4, v0;
	vm2 =	vlt.s32 v4, v1;
	v4 =	vsub.s32 v4, v0  }
0x32: {  	vm14 =	vge.s32 v5, v0;
	vm15 =	vlt.s32 v5, v1;
	vm4 =	vge.s32 v6, v0  }
0x33: {  	vm5 =	vlt.s32 v6, v1;
	v5 =	vsub.s32 v5, v0;
	v6 =	vsub.s32 v6, v0  }
0x34: {  	vm6 =	vge.s32 v7, v0;
	vm7 =	vlt.s32 v7, v1;
	vm8 =	vge.s32 v8, v0  }
0x35: {  	v10 =	vld [tilespmem:$0xF0];
	vm3 =	vlt.s32 v8, v1;
	vm10 =	vge.s32 v9, v0;
	vm0 =	vmand vm0, vm1  }
0x36: {  	vm11 =	vlt.s32 v9, v1;
	vm13 =	vmand vm12, vm2;
	v3 =	vnsel vm0, $0x3100, v3  }
0x37: {  	vm1 =	vmand vm4, vm5;
	vm9 =	vmand vm8, vm3;
	v4 =	vnsel vm13, $0x3100, v4;
	[tilespmem:$0x100] =	vst v3  }
0x38: {  	vm12 =	vmand vm10, vm11;
	vm0 =	vmand vm14, vm15;
	v6 =	vnsel vm1, $0x3100, v6;
	[tilespmem:$0x110] =	vst v4  }
0x39: {  	v5 =	vnsel vm0, $0x3100, v5;
	vm0 =	vmand vm6, vm7;
	v3 =	vsub.s32 v7, v0;
	[tilespmem:$0x130] =	vst v6  }
0x3a: {  	vm13 =	vge.s32 v10, v0;
	v4 =	vsub.s32 v8, v0;
	[tilespmem:$0x120] =	vst v5;
	v3 =	vnsel vm0, $0x3100, v3  }
0x3b: {  	vm14 =	vlt.s32 v10, v1;
	v4 =	vnsel vm9, $0x3100, v4;
	[tilespmem:$0x140] =	vst v3;
	v3 =	vsub.s32 v9, v0  }
0x3c: {  	vm15 =	vmand vm13, vm14;
	[tilespmem:$0x150] =	vst v4;
	v4 =	vsub.s32 v10, v0;
	v3 =	vnsel vm12, $0x3100, v3  }
0x3d: {  	[tilespmem:$0x160] =	vst v3;
	v3 =	vnsel vm15, $0x3100, v4  }
0x3e: {  	s24 =	simm.s32 $0x0;
	[tilespmem:$0x170] =	vst v3  }
0x3f: {  	s25 =	simm.s32 $0x140;
	v3 =	vld [tilespmem:s24+$0x1C0]  }
.LBB2_3:
0x40: {  	p0 =	sne.s32 s25, $0x9EC0;
	v4 =	vld [tilespmem:s23+$0x0];
	_ =	sdelay $0x4  }
0x41: {  	v3 =	vadd.f32 v4, v3;
	_ =	sdelay $0x1  }
0x42: {  	v4 =	vmul.f32 $2.000000030e-01, v3;
	_ =	sdelay $0x1  }
0x43: {  	v3 =	vmax.f32 v3, v4  }
0x44: {  	v3 =	vmul.f32 $1.442695020e+00, v3;
	_ =	sdelay $0x1  }
0x45: {  	(erf) = vpow2.f32 v3;
	_ =	sdelay $0x4  }
0x46: {  	v3 =	vld [tilespmem:s24+$0x180]  }
0x47: {  	v4 =	vld [tilespmem:s24+$0x190]  }
0x48: {  	v5 =	vld [tilespmem:s24+$0x1A0]  }
0x49: {  	v6 =	vld [tilespmem:s24+$0x1B0]  }
0x4a: {  	v7 =	vpop (erf)  }
0x4b: {  	[tilespmem:s24+$0x31C0] =	vst v7;
	v8 =	vbroadcast v7, $0x0;
	v9 =	vbroadcast v7, $0x1  }
0x4c: {  	v10 =	vbroadcast v7, $0x2;
	v7 =	vbroadcast v7, $0x3  }
0x4d: {  	v3 =	vmul.f32 v8, v3;
	v4 =	vmul.f32 v9, v4  }
.Ltmp0:
0x4e: {  	v5 =	vmul.f32 v10, v5;
	v6 =	vmul.f32 v6, v7;
	(pc) =	sbr.rel @p0 .LBB2_3-.Ltmp0, $4  }
0x4f: {  	[tilespmem:s24+$0x3180] =	vst v3  }
0x50: {  	[tilespmem:s24+$0x3190] =	vst v4  }
0x51: {  	s26 =	sshra.s32 s25, $0x2;
	[tilespmem:s24+$0x31A0] =	vst v5  }
0x52: {  	s25 =	sadd.s32 $0x140, s25;
	s23 =	sadd.s32 $0x10, s23;
	v3 =	vld [tilespmem:s26+$0x1C0];
	[tilespmem:s24+$0x31B0] =	vst v6;
	s24 =	smov.u32 s26  }
0x53: {  	v4 =	vld [tilespmem:s23+$0x0];
	_ =	sdelay $0x4  }
0x54: {  	v3 =	vadd.f32 v4, v3;
	_ =	sdelay $0x1  }
0x55: {  	v4 =	vmul.f32 $2.000000030e-01, v3;
	_ =	sdelay $0x1  }
0x56: {  	v3 =	vmax.f32 v3, v4  }
0x57: {  	v3 =	vmul.f32 $1.442695020e+00, v3;
	_ =	sdelay $0x1  }
0x58: {  	(erf) = vpow2.f32 v3;
	_ =	sdelay $0x6  }
0x59: {  	v3 =	vld [tilespmem:s24+$0x180]  }
0x5a: {  	v63 =	vld [tilespmem:s24+$0x190]  }
0x5b: {  	v5 =	vld [tilespmem:s24+$0x1A0];
	v6 =	vpop (erf)  }
0x5c: {  	v7 =	vld [tilespmem:s24+$0x1B0];
	v8 =	vbroadcast v6, $0x0  }
0x5d: {  	v9 =	vbroadcast v6, $0x1  }
0x5e: {  	v10 =	vbroadcast v6, $0x2;
	v3 =	vmul.f32 v8, v3  }
0x5f: {  	[tilespmem:s24+$0x31C0] =	vst v6;
	v6 =	vbroadcast v6, $0x3;
	v4 =	vmul.f32 v9, v63  }
0x60: {  	v5 =	vmul.f32 v10, v5;
	[tilespmem:s24+$0x3180] =	vst v3  }
0x61: {  	s22 =	sadd.s32 $0x1, s22;
	v3 =	vmul.f32 v7, v6;
	[tilespmem:s24+$0x3190] =	vst v4  }
0x62: {  	p0 =	sne.s32 s22, $0x187;
	[tilespmem:s24+$0x31A0] =	vst v5  }
.Ltmp1:
0x63: {  	[tilespmem:s24+$0x31B0] =	vst v3;
	(pc) =	sbr.rel @p0 .LBB2_2-.Ltmp1, $4  }
0x64: {  	[spmem:s1] =	stream.indirect.scatter.add.f32 [tilespmem:s21], [sflag:$0x3], $0x50, s20, s16, $0xb8;
	[tilespmem:$0x14EA8] =	vst v63  }
0x65: {  	_ =	swait.ge [sflag:s15], $0x2800  }
0x66: {  	[sflag:s15] =	ssyncset.done $0x0  }
0x67: {  	[sflag:s15] =	ssyncadd.s32 $0xFFFFD800  }
0x68: {  	[bflag:$0x0] =	sbarrier.arrive $0xFFFF  }
0x69: {  	[hbm:s11], [sflag:s9] =	dma.local [spmem:s14], $0x1EA0  }
0x6a: {  	_ =	swait.ge [sflag:s15], $0x1EA0  }
0x6b: {  	[sflag:s15] =	ssyncset.done $0x0  }
0x6c: {  	[sflag:s15] =	ssyncadd.s32 $0xFFFFE160  }
0x6d: {  	[bflag:$0x0] =	sbarrier.arrive $0xFFFF  }
0x6e: {  	[spmem:s14], [sflag:s9] =	dma.local [hbm:s8], $0x1EA0  }
0x6f: {  	_ =	swait.ge [sflag:s15], $0x1EA0  }
0x70: {  	[sflag:s15] =	ssyncset.done $0x0  }
0x71: {  	[sflag:s15] =	ssyncadd.s32 $0xFFFFE160  }
0x72: {  	s22 =	simm.s32 $0x0;
	s23 =	simm.s32 $0x0;
	[bflag:$0x0] =	sbarrier.arrive $0xFFFF  }
.LBB2_6:
0x73: {  	s24 =	sshll.u32 s23, $0x7  }
0x74: {  	s24 =	sadd.s32 s10, s24  }
0x75: {  	s24 =	sshrl.u32 s24, $0x3  }
0x76: {  	s25 =	sadd.s32 s4, s24  }
0x77: {  	[tilespmem:s22], [sflag:$0x3] =	stream.linear.gather [hbm4b:s25+s22], $0x80, $0x38;
	[tilespmem:$0x14EA8] =	vst v63  }
0x78: {  	_ =	swait.ge [sflag:s15], $0x80  }
0x79: {  	[sflag:s15] =	ssyncset.done $0x0  }
0x7a: {  	s24 =	sadd.s32 s5, s24;
	[sflag:s15] =	ssyncadd.s32 $0xFFFFFF80  }
0x7b: {  	[tilespmem:s16], [sflag:$0x3] =	stream.linear.gather [hbm4b:s24+s22], $0x80, $0x38;
	[tilespmem:$0x14EA8] =	vst v63  }
0x7c: {  	_ =	swait.ge [sflag:s15], $0x80  }
0x7d: {  	[sflag:s15] =	ssyncset.done $0x0  }
0x7e: {  	[sflag:s15] =	ssyncadd.s32 $0xFFFFFF80  }
0x7f: {  	[tilespmem:s17], [sflag:$0x1] =	stream.indirect.gather [hbm4b:s6+s16], $0x50, s22, s16, $0xb8;
	[tilespmem:$0x14EA8] =	vst v63  }
0x80: {  	_ =	swait.ge [sflag:s18], $0x2800  }
0x81: {  	[sflag:s18] =	ssyncset.done $0x0  }
0x82: {  	s24 =	simm.s32 $0x2980;
	[sflag:s18] =	ssyncadd.s32 $0xFFFFD800  }
0x83: {  	[tilespmem:s24], [sflag:$0x2] =	stream.indirect.gather [hbm4b:s7+s16], $0x10, s16, s16, $0xb8;
	[tilespmem:$0x14EA8] =	vst v63  }
0x84: {  	_ =	swait.ge [sflag:s19], $0x800  }
0x85: {  	[sflag:s19] =	ssyncset.done $0x0  }
0x86: {  	[sflag:s19] =	ssyncadd.s32 $0xFFFFF800  }
0x87: {  	v3 =	vld [tilespmem:$0x80]  }
0x88: {  	v4 =	vld [tilespmem:$0x90]  }
0x89: {  	v5 =	vld [tilespmem:$0xA0]  }
0x8a: {  	v6 =	vld [tilespmem:$0xB0]  }
0x8b: {  	v7 =	vld [tilespmem:$0xC0]  }
0x8c: {  	v8 =	vld [tilespmem:$0xD0]  }
0x8d: {  	v9 =	vld [tilespmem:$0xE0];
	vm0 =	vge.s32 v3, v1;
	vm1 =	vlt.s32 v3, v2;
	v3 =	vsub.s32 v3, v1  }
0x8e: {  	vm12 =	vge.s32 v4, v1;
	vm2 =	vlt.s32 v4, v2;
	v4 =	vsub.s32 v4, v1  }
0x8f: {  	vm14 =	vge.s32 v5, v1;
	vm15 =	vlt.s32 v5, v2;
	vm4 =	vge.s32 v6, v1  }
0x90: {  	vm5 =	vlt.s32 v6, v2;
	v5 =	vsub.s32 v5, v1;
	v6 =	vsub.s32 v6, v1  }
0x91: {  	vm6 =	vge.s32 v7, v1;
	vm7 =	vlt.s32 v7, v2;
	vm8 =	vge.s32 v8, v1  }
0x92: {  	v10 =	vld [tilespmem:$0xF0];
	vm3 =	vlt.s32 v8, v2;
	vm10 =	vge.s32 v9, v1;
	vm0 =	vmand vm0, vm1  }
0x93: {  	vm11 =	vlt.s32 v9, v2;
	vm13 =	vmand vm12, vm2;
	v3 =	vnsel vm0, $0x3100, v3  }
0x94: {  	vm1 =	vmand vm4, vm5;
	vm9 =	vmand vm8, vm3;
	v4 =	vnsel vm13, $0x3100, v4;
	[tilespmem:$0x100] =	vst v3  }
0x95: {  	vm12 =	vmand vm10, vm11;
	vm0 =	vmand vm14, vm15;
	v6 =	vnsel vm1, $0x3100, v6;
	[tilespmem:$0x110] =	vst v4  }
0x96: {  	v5 =	vnsel vm0, $0x3100, v5;
	vm0 =	vmand vm6, vm7;
	v3 =	vsub.s32 v7, v1;
	[tilespmem:$0x130] =	vst v6  }
0x97: {  	vm13 =	vge.s32 v10, v1;
	v4 =	vsub.s32 v8, v1;
	[tilespmem:$0x120] =	vst v5;
	v3 =	vnsel vm0, $0x3100, v3  }
0x98: {  	vm14 =	vlt.s32 v10, v2;
	v4 =	vnsel vm9, $0x3100, v4;
	[tilespmem:$0x140] =	vst v3;
	v3 =	vsub.s32 v9, v1  }
0x99: {  	vm15 =	vmand vm13, vm14;
	[tilespmem:$0x150] =	vst v4;
	v4 =	vsub.s32 v10, v1;
	v3 =	vnsel vm12, $0x3100, v3  }
0x9a: {  	[tilespmem:$0x160] =	vst v3;
	v3 =	vnsel vm15, $0x3100, v4  }
0x9b: {  	s25 =	simm.s32 $0x0;
	[tilespmem:$0x170] =	vst v3  }
0x9c: {  	s26 =	simm.s32 $0x140;
	v3 =	vld [tilespmem:s25+$0x1C0]  }
.LBB2_7:
0x9d: {  	p0 =	sne.s32 s26, $0x9EC0;
	v4 =	vld [tilespmem:s24+$0x0];
	_ =	sdelay $0x4  }
0x9e: {  	v3 =	vadd.f32 v4, v3;
	_ =	sdelay $0x1  }
0x9f: {  	v4 =	vmul.f32 $2.000000030e-01, v3;
	_ =	sdelay $0x1  }
0xa0: {  	v3 =	vmax.f32 v3, v4  }
0xa1: {  	v3 =	vmul.f32 $1.442695020e+00, v3;
	_ =	sdelay $0x1  }
0xa2: {  	(erf) = vpow2.f32 v3;
	_ =	sdelay $0x4  }
0xa3: {  	v3 =	vld [tilespmem:s25+$0x180]  }
0xa4: {  	v4 =	vld [tilespmem:s25+$0x190]  }
0xa5: {  	v5 =	vld [tilespmem:s25+$0x1A0]  }
0xa6: {  	v6 =	vld [tilespmem:s25+$0x1B0]  }
0xa7: {  	v7 =	vpop (erf)  }
0xa8: {  	[tilespmem:s25+$0x31C0] =	vst v7;
	v8 =	vbroadcast v7, $0x0;
	v9 =	vbroadcast v7, $0x1  }
0xa9: {  	v10 =	vbroadcast v7, $0x2;
	v7 =	vbroadcast v7, $0x3  }
0xaa: {  	v3 =	vmul.f32 v8, v3;
	v4 =	vmul.f32 v9, v4  }
.Ltmp2:
0xab: {  	v5 =	vmul.f32 v10, v5;
	v6 =	vmul.f32 v6, v7;
	(pc) =	sbr.rel @p0 .LBB2_7-.Ltmp2, $4  }
0xac: {  	[tilespmem:s25+$0x3180] =	vst v3  }
0xad: {  	[tilespmem:s25+$0x3190] =	vst v4  }
0xae: {  	s28 =	sshra.s32 s26, $0x2;
	[tilespmem:s25+$0x31A0] =	vst v5  }
0xaf: {  	s26 =	sadd.s32 $0x140, s26;
	s24 =	sadd.s32 $0x10, s24;
	v3 =	vld [tilespmem:s28+$0x1C0];
	[tilespmem:s25+$0x31B0] =	vst v6;
	s25 =	smov.u32 s28  }
0xb0: {  	v4 =	vld [tilespmem:s24+$0x0];
	_ =	sdelay $0x4  }
0xb1: {  	v3 =	vadd.f32 v4, v3;
	_ =	sdelay $0x1  }
0xb2: {  	v4 =	vmul.f32 $2.000000030e-01, v3;
	_ =	sdelay $0x1  }
0xb3: {  	v3 =	vmax.f32 v3, v4  }
0xb4: {  	v3 =	vmul.f32 $1.442695020e+00, v3;
	_ =	sdelay $0x1  }
0xb5: {  	(erf) = vpow2.f32 v3;
	_ =	sdelay $0x6  }
0xb6: {  	v3 =	vld [tilespmem:s25+$0x180]  }
0xb7: {  	v63 =	vld [tilespmem:s25+$0x190]  }
0xb8: {  	v5 =	vld [tilespmem:s25+$0x1A0];
	v6 =	vpop (erf)  }
0xb9: {  	v7 =	vld [tilespmem:s25+$0x1B0];
	v8 =	vbroadcast v6, $0x0  }
0xba: {  	v9 =	vbroadcast v6, $0x1  }
0xbb: {  	v10 =	vbroadcast v6, $0x2;
	v3 =	vmul.f32 v8, v3  }
0xbc: {  	[tilespmem:s25+$0x31C0] =	vst v6;
	v6 =	vbroadcast v6, $0x3;
	v4 =	vmul.f32 v9, v63  }
0xbd: {  	v5 =	vmul.f32 v10, v5;
	[tilespmem:s25+$0x3180] =	vst v3  }
0xbe: {  	s23 =	sadd.s32 $0x1, s23;
	v3 =	vmul.f32 v7, v6;
	[tilespmem:s25+$0x3190] =	vst v4  }
0xbf: {  	p0 =	sne.s32 s23, $0x187;
	[tilespmem:s25+$0x31A0] =	vst v5  }
.Ltmp3:
0xc0: {  	[tilespmem:s25+$0x31B0] =	vst v3;
	(pc) =	sbr.rel @p0 .LBB2_6-.Ltmp3, $4  }
0xc1: {  	[spmem:s1] =	stream.indirect.scatter.add.f32 [tilespmem:s21], [sflag:$0x3], $0x50, s20, s16, $0xb8;
	[tilespmem:$0x14EA8] =	vst v63  }
0xc2: {  	_ =	swait.ge [sflag:s15], $0x2800  }
0xc3: {  	[sflag:s15] =	ssyncset.done $0x0  }
0xc4: {  	[sflag:s15] =	ssyncadd.s32 $0xFFFFD800  }
0xc5: {  	[bflag:$0x0] =	sbarrier.arrive $0xFFFF;
	s2 =	sadd.s32 $0x1, s2  }
0xc6: {  	[hbm:s12], [sflag:s9] =	dma.local [spmem:s14], $0x1EA0  }
0xc7: {  	p0 =	sne.s32 s2, s13  }
.Ltmp4:
0xc8: {  	_ =	swait.ge [sflag:s15], $0x1EA0;
	(pc) =	sbr.rel @p0 .LBB2_1-.Ltmp4, $3  }
0xc9: {  	[sflag:s15] =	ssyncset.done $0x0  }
0xca: {  	[sflag:s15] =	ssyncadd.s32 $0xFFFFE160  }
0xcb: {  	[bflag:$0x0] =	sbarrier.arrive $0xFFFF;
	_ =	sdelay $0x1  }
0xcc: {  	_ =	sfence.sel $0x180000  }
0xcd: {  	[bflag:$0x0] =	sbarrier.arrive $0xFFFF  }
0xce: {  	p0 =	sne.s32 s3, $0x0;
	_ =	strace $0x90000047  }
0xcf: {  	s0 =	sadd.s32 @!p0 $0x100000, s0;
	[bflag:$0x2] =	sbarrier.arrive $0xFFFF  }
0xd0: {  	[sflag:s0] =	ssyncadd.tile.s32 @!p0 $0x1;
	_ =	shalt  }
.Lfunc_end2:
_tile_overlayer_lowered:
.L_overlay_start_2:
0xd1: {  	(tag) =	ssettag $0x2  }
0xd2: {  	s0 =	rddreg [dreg:$0x0];
	s2 =	stileid.u32  }
0xd3: {  	s1 =	rddreg [dreg:$0x1];
	p0 =	sne.s32 s2, $0x0  }
0xd4: {  	s3 =	rddreg [dreg:$0x2];
	[bflag:$0x3] =	sbarrier.arrive $0xFFFF;
	s2 =	simm.s32 @!p0 $0x1C03  }
0xd5: {  	[timem:s3], [sflag:s2] =	dma.local @!p0 [hbm:s0], s1  }
0xd6: {  	s0 =	simm.s32 @!p0 $0x3  }
0xd7: {  	_ =	swait.ge @!p0 [sflag:s0], s1  }
0xd8: {  	s1 =	ssub.s32 @!p0 $0x0, s1;
	[sflag:s0] =	ssyncset.done @!p0 $0x0  }
0xd9: {  	[sflag:s0] =	ssyncadd.s32 @!p0 s1  }
0xda: {  	[bflag:$0x3] =	sbarrier.arrive $0xFFFF  }
0xdb: {  	_ =	shalt  }

// kernel: kernel.7.cloned.1.call-start
scs
__scs_entry_jumppad:
0x0: {  	(pc) =	sbr.rel $0x88, $3  }
0x1: {  	(tag) =	ssettag $0x0;
	lr =	simm.s32 $0x1  }
0x2: {  	[smem:$0x3F91] =	sst lr;
	_ =	strace $0xD0000000  }
0x3: {  	_ = 	snop  }
0x4: {  	_ = 	snop  }
0x5: {  	_ = 	snop  }
0x6: {  	_ = 	snop  }
0x7: {  	_ = 	snop  }
__scs_overlays_trampoline_lowered:
0x8: {  	[smem:$0x3FA0] =	sst s0  }
0x9: {  	[smem:$0x3FA1] =	sst s1  }
0xa: {  	[smem:$0x3FA2] =	sst s2  }
0xb: {  	[smem:$0x3FA3] =	sst s3  }
0xc: {  	[smem:$0x3FA4] =	sst s4  }
0xd: {  	[smem:$0x3FA5] =	sst s5  }
0xe: {  	[smem:$0x3FA6] =	sst s6  }
0xf: {  	[smem:$0x3FA7] =	sst s7  }
0x10: {  	[smem:$0x3FA8] =	sst s8  }
0x11: {  	[smem:$0x3FA9] =	sst s9;
	s0 =	simm.s32 @!p0 $0x0  }
0x12: {  	s1 =	sld [smem:$0x3F8F];
	s0 =	simm.s32 @p0 $0x1  }
0x13: {  	[smem:$0x3FAA] =	sst s0;
	s0 =	simm.s32 @!p1 $0x0  }
0x14: {  	s2 =	sld [smem:$0x3F8E];
	s0 =	simm.s32 @p1 $0x1  }
0x15: {  	[smem:$0x3FAB] =	sst s0;
	s0 =	simm.s32 @!p2 $0x0  }
0x16: {  	s3 =	sld [smem:$0x3FDB];
	s0 =	simm.s32 @p2 $0x1  }
0x17: {  	s4 =	simm.s32 $0x1BF5;
	[smem:$0x3FAD] =	sst s0  }
0x18: {  	s0 =	sld [smem:$0x3F90];
	_ =	swait.ge [sflag:s4], $0x0  }
0x19: {  	s7 =	sld [smem:$0x3F91]  }
0x1a: {  	s8 =	sadd.s32 $0xFFFFE003, lr  }
0x1b: {  	s9 =	sadd.s32 $0xFFFFFEF7, lr;
	s5 =	simm.s32 $0xFFFFFFFF;
	p2 =	slt.u32 s8, $0xFFFFF086  }
0x1c: {  	p1 =	slt.u32 s9, $0xF7A;
	s5 =	simm.s32 @!p2 $0x0  }
0x1d: {  	s5 =	simm.s32 @p1 $0x1;
	p0 =	seq.s32 s7, s2  }
0x1e: {  	s7 =	smul.u32 @!p0 $0xF7A, s2;
	p2 =	seq.s32 @!p0 s5, $0x0  }
0x1f: {  	s9 =	smul.u32 $0xF7A, s1;
	s8 =	simm.s32 @!p0 $0x1BF5;
	p2 =	por !p2, p0  }
0x20: {  	[sflag:s8] =	ssyncset.s32 @!p0 $0xFFFFF086;
	s6 =	sadd.s32 @!p0 s3, s7;
	s7 =	simm.s32 @!p0 $0x108  }
0x21: {  	s3 =	sadd.s32 s3, s9;
	s6 =	sadd.s32 @!p0 $0x88, s6;
	s7 =	simm.s32 @p2 $0x1082  }
0x22: {  	[simem:s7], [sflag:s8] =	dma.local @!p0 [hbm:s6], $0xF7A  }
0x23: {  	s9 =	sor.u32 $0xD0000000, s2;
	s6 =	simm.s32 $0x108;
	_ =	swait.ge @!p0 [sflag:s8], $0x0  }
0x24: {  	s3 =	sadd.s32 $0x88, s3;
	s6 =	simm.s32 @!p1 $0x1082;
	[sflag:s4] =	ssyncset.s32 $0xFFFFF086  }
0x25: {  	[simem:s6], [sflag:s4] =	dma.local [hbm:s3], $0xF7A  }
0x26: {  	[smem:$0x3F91] =	sst s1;
	(tag) =	ssettag s2;
	_ =	strace s9  }
0x27: {  	s1 =	sld [smem:$0x3FA1]  }
0x28: {  	s2 =	sld [smem:$0x3FA2]  }
0x29: {  	s4 =	sld [smem:$0x3FA4]  }
0x2a: {  	p0 =	seq.s32 s5, $0x0;
	s5 =	sld [smem:$0x3FA5]  }
0x2b: {  	s6 =	sld [smem:$0x3FA6]  }
0x2c: {  	s7 =	sld [smem:$0x3FA7]  }
0x2d: {  	s3 =	simm.s32 $0x108;
	s8 =	sld [smem:$0x3FA8]  }
0x2e: {  	s3 =	simm.s32 @!p0 $0x1082;
	s9 =	sld [smem:$0x3FA9]  }
0x2f: {  	lr =	sadd.s32 s0, s3;
	s0 =	sld [smem:$0x3FA0]  }
0x30: {  	s3 =	sld [smem:$0x3FA3]  }
0x31: {  	[smem:$0x3FAC] =	sst s10  }
0x32: {  	s10 =	sld [smem:$0x3FAA];
	_ =	sdelay $0x3  }
0x33: {  	p0 =	seq.s32 s10, $0x1;
	s10 =	sld [smem:$0x3FAC];
	_ =	sdelay $0x3  }
0x34: {  	[smem:$0x3FAC] =	sst s10  }
0x35: {  	s10 =	sld [smem:$0x3FAB];
	_ =	sdelay $0x3  }
0x36: {  	p1 =	seq.s32 s10, $0x1;
	s10 =	sld [smem:$0x3FAC];
	_ =	sdelay $0x3  }
0x37: {  	[smem:$0x3FAC] =	sst s10  }
0x38: {  	s10 =	sld [smem:$0x3FAD]  }
0x39: {  	_ = 	snop;
	(pc) =	sbr.ind lr, $3  }
0x3a: {  	_ = 	snop  }
0x3b: {  	_ = 	snop  }
0x3c: {  	p2 =	seq.s32 s10, $0x1;
	s10 =	sld [smem:$0x3FAC]  }
0x3d: {  	_ =	shalt  }
0x3e: {  	_ =	shalt  }
0x3f: {  	_ =	shalt  }
0x40: {  	_ =	shalt  }
0x41: {  	_ =	shalt  }
0x42: {  	_ =	shalt  }
0x43: {  	_ =	shalt  }
0x44: {  	_ =	shalt  }
0x45: {  	_ =	shalt  }
0x46: {  	_ =	shalt  }
0x47: {  	_ =	shalt  }
0x48: {  	_ =	shalt  }
0x49: {  	_ =	shalt  }
0x4a: {  	_ =	shalt  }
0x4b: {  	_ =	shalt  }
0x4c: {  	_ =	shalt  }
0x4d: {  	_ =	shalt  }
0x4e: {  	_ =	shalt  }
0x4f: {  	_ =	shalt  }
0x50: {  	_ =	shalt  }
0x51: {  	_ =	shalt  }
0x52: {  	_ =	shalt  }
0x53: {  	_ =	shalt  }
0x54: {  	_ =	shalt  }
0x55: {  	_ =	shalt  }
0x56: {  	_ =	shalt  }
0x57: {  	_ =	shalt  }
0x58: {  	_ =	shalt  }
0x59: {  	_ =	shalt  }
0x5a: {  	_ =	shalt  }
0x5b: {  	_ =	shalt  }
0x5c: {  	_ =	shalt  }
0x5d: {  	_ =	shalt  }
0x5e: {  	_ =	shalt  }
0x5f: {  	_ =	shalt  }
0x60: {  	_ =	shalt  }
0x61: {  	_ =	shalt  }
0x62: {  	_ =	shalt  }
0x63: {  	_ =	shalt  }
0x64: {  	_ =	shalt  }
0x65: {  	_ =	shalt  }
0x66: {  	_ =	shalt  }
0x67: {  	_ =	shalt  }
0x68: {  	_ =	shalt  }
0x69: {  	_ =	shalt  }
0x6a: {  	_ =	shalt  }
0x6b: {  	_ =	shalt  }
0x6c: {  	_ =	shalt  }
0x6d: {  	_ =	shalt  }
0x6e: {  	_ =	shalt  }
0x6f: {  	_ =	shalt  }
0x70: {  	_ =	shalt  }
0x71: {  	_ =	shalt  }
0x72: {  	_ =	shalt  }
0x73: {  	_ =	shalt  }
0x74: {  	_ =	shalt  }
0x75: {  	_ =	shalt  }
0x76: {  	_ =	shalt  }
0x77: {  	_ =	shalt  }
0x78: {  	_ =	shalt  }
0x79: {  	_ =	shalt  }
0x7a: {  	_ =	shalt  }
0x7b: {  	_ =	shalt  }
0x7c: {  	_ =	shalt  }
0x7d: {  	_ =	shalt  }
0x7e: {  	_ =	shalt  }
0x7f: {  	_ =	shalt  }
0x80: {  	_ =	shalt  }
0x81: {  	_ =	shalt  }
0x82: {  	_ =	shalt  }
0x83: {  	_ =	shalt  }
0x84: {  	_ =	shalt  }
0x85: {  	_ =	shalt  }
0x86: {  	_ =	shalt  }
0x87: {  	_ =	shalt  }
.Lfunc_end0:
.L_simem_size_0:
called_computation_lowered:
.L_overlay_start_0:
0x88: {  	s2 =	sld [smem:$0x3FD9]  }
0x89: {  	s3 =	sld [smem:$0x3FFE];
	_ =	sdelay $0x1  }
0x8a: {  	s1 =	srdreg.scid  }
0x8b: {  	s0 =	sand.u32 $0x1, s1  }
0x8c: {  	s17 =	sshll.u32 s0, $0xA;
	s2 =	sadd.s32 s3, s2  }
0x8d: {  	s2 =	sadd.s32 s2, s17  }
0x8e: {  	[smem:$0x3FB8] =	sst s2  }
0x8f: {  	_ = 	snop  }
0x90: {  	s18 =	sld [smem:$0x3FD0];
	(tm) =	ssettm $0x1  }
0x91: {  	s19 =	sld [smem:$0x3FFB];
	_ =	sdelay $0x3  }
0x92: {  	_ =	strace s19  }
0x93: {  	s2 =	sld [smem:$0x3FFC];
	_ =	sdelay $0x3  }
0x94: {  	_ =	strace s2  }
0x95: {  	s2 =	sld [smem:$0x3FFD];
	_ =	sdelay $0x3  }
0x96: {  	_ =	strace s2  }
0x97: {  	_ =	strace $0x8FFFFFFF  }
0x98: {  	s20 =	sld [smem:$0x3FDB];
	_ =	sdelay $0x1  }
0x99: {  	s4 =	simm.s32 $_scs_section_size  }
0x9a: {  	s5 =	simm.s32 $_size__tile_overlayer_lowered;
	s6 =	simm.s32 $_tile_overlayer_lowered  }
0x9b: {  	s7 =	simm.s32 $0x1BFF;
	s21 =	sshll.u32 s6, $0x1;
	s4 =	sadd.s32 s4, s20  }
0x9c: {  	s22 =	simm.s32 $0x0;
	s5 =	sshll.u32 s5, $0x1;
	s6 =	sadd.s32 s21, s4  }
0x9d: {  	[timem:s22], [sflag:s7] =	dma.local [hbm:s6], s5  }
0x9e: {  	_ =	swait.ge [sflag:s7], s5  }
0x9f: {  	s5 =	ssub.s32 $0x0, s5;
	[sflag:s7] =	ssyncset.done $0x0  }
0xa0: {  	[sflag:s7] =	ssyncadd.s32 s5;
	_ =	sdelay $0x1  }
0xa1: {  	s23 =	simm.s32 $0x1B8B  }
0xa2: {  	_ =	swait.ge [sflag:s23], $0x1  }
0xa3: {  	[sflag:s23] =	ssyncset.done $0x0  }
0xa4: {  	[sflag:s23] =	ssyncadd.s32 $0xFFFFFFFF  }
0xa5: {  	s5 =	sld [smem:$0x0]  }
0xa6: {  	s6 =	sand.u32 $0xFFFFFFFE, s1  }
0xa7: {  	p0 =	sne.s32 s1, s6  }
0xa8: {  	s6 =	sshll.u32 @p0 s6, $0xE  }
0xa9: {  	s6 =	sadd.s32 @p0 $0x11B8D, s6;
	s7 =	sshll.u32 @p0 s5, $0x11  }
0xaa: {  	s6 =	sor.u32 @p0 s7, s6  }
0xab: {  	[sflag:s6] =	ssyncadd.remote.s32 @p0 $0x1;
	_ =	sdelay $0x1  }
0xac: {  	s6 =	simm.s32 @p0 $0x1B8D  }
0xad: {  	_ =	swait.eq @p0 [sflag:s6], $0x1  }
0xae: {  	[sflag:s6] =	ssyncadd.s32 @p0 $0xFFFFFFFF  }
0xaf: {  	s7 =	sshll.u32 @!p0 s1, $0xE  }
0xb0: {  	s7 =	sor.u32 @!p0 $0x4000, s7;
	s6 =	simm.s32 @!p0 $0x1B8D  }
0xb1: {  	s5 =	sshll.u32 @!p0 s5, $0x11;
	s7 =	sadd.s32 @!p0 $0x11B8D, s7;
	_ =	swait.eq @!p0 [sflag:s6], $0x1  }
0xb2: {  	s5 =	sor.u32 @!p0 s5, s7;
	[sflag:s6] =	ssyncadd.s32 @!p0 $0xFFFFFFFF  }
0xb3: {  	s25 =	simm.s32 $0x1B8E;
	s24 =	sld [smem:$0x3FFE];
	[sflag:s5] =	ssyncadd.remote.s32 @!p0 $0x1  }
0xb4: {  	s26 =	simm.s32 $execute0_lowered;
	[smem:$0x3FD2] =	sst s25  }
0xb5: {  	s6 =	sshll.u32 s26, $0x1;
	_ =	strace $0x80000049;
	[dreg:$0x1] =	wrdreg $0xFFFFFFFF  }
0xb6: {  	s28 =	simm.s32 $_size_execute0_lowered;
	s4 =	sadd.s32 s4, s6;
	[dreg:$0x0] =	wrdreg $0x0  }
0xb7: {  	s6 =	sshll.u32 s28, $0x1;
	[dreg:$0x2] =	wrdreg s4  }
0xb8: {  	[dreg:$0x3] =	wrdreg s6  }
0xb9: {  	[dreg:$0x4] =	wrdreg $0xC0  }
0xba: {  	_ =	task [dreg:s22], $0x5FFFF  }
0xbb: {  	[dreg:$0x1] =	wrdreg $0xFFFFFFFF  }
0xbc: {  	[dreg:$0x0] =	wrdreg $0x60  }
0xbd: {  	[dreg:$0x2] =	wrdreg s24  }
0xbe: {  	[dreg:$0x3] =	wrdreg s18  }
0xbf: {  	[dreg:$0x4] =	wrdreg $0x59800  }
0xc0: {  	[dreg:$0x5] =	wrdreg $0x9  }
0xc1: {  	_ =	task.clear_ibuf [dreg:s22], $0x6FFFF;
	_ =	strace $0x90000049  }
0xc2: {  	s29 =	simm.s32 $0x9;
	_ =	strace $0x8000004B  }
0xc3: {  	_ =	swait.ge [sflag:s29], $0x1  }
0xc4: {  	[sflag:s29] =	ssyncadd.s32 $0xFFFFFFFF  }
0xc5: {  	_ =	strace $0x9000004B  }
0xc6: {  	_ =	sfence  }
0xc7: {  	s30 =	sld [smem:$0x0];
	_ =	sdelay $0x2  }
0xc8: {  	s31 =	sshll.u32 s1, $0xD;
	s1 =	sshrl.u32 s1, $0x2  }
0xc9: {  	s4 =	sand.u32 $0x4000, s31;
	s1 =	sadd.s32 s1, s30  }
0xca: {  	s0 =	sor.u32 s4, s0;
	s1 =	sshll.u32 s1, $0x11  }
0xcb: {  	s0 =	sor.u32 s1, s0  }
0xcc: {  	s0 =	sadd.s32 $0x8F2B, s0  }
0xcd: {  	[sflag:s0] =	ssyncadd.remote.s32 $0x1  }
0xce: {  	_ =	sfence.sel $0xFFFF  }
0xcf: {  	[dreg:$0x0] =	wrdreg $0xFFFFFFFF;
	(pc) =	sbr.abs _section_cstart, $3  }
0xd0: {  	[dreg:$0x1] =	wrdreg $0xFFFFFFFF  }
0xd1: {  	_ =	task.clear_ibuf [dreg:s22], $0x2FFFF;
	_ =	strace $0x9FFFFFFF  }
0xd2: {  	(tm) =	ssettm $0x7FFFFFFF  }
0xd3: {  	_ =	shalt  }
tec
execute0_lowered:
.L_overlay_start_1:
0x0: {  	(tag) =	ssettag $0x1  }
0x1: {  	s9 =	rddreg [dreg:$0x0]  }
0x2: {  	s1 =	rddreg [dreg:$0x1]  }
0x3: {  	s2 =	rddreg [dreg:$0x2]  }
0x4: {  	s0 =	rddreg [dreg:$0x3]  }
0x5: {  	s3 =	simm.s32 $0x0;
	s4 =	srdreg.scid;
	s17 =	simm.s32 $0x180  }
0x6: {  	s18 =	simm.s32 $0x1;
	[smem:$0x7FF] =	sst s3;
	s5 =	sadd.s32 $0x1D6800, s9  }
0x7: {  	s8 =	sand.u32 $0x1, s4;
	s6 =	sadd.s32 $0x1BE000, s9;
	s4 =	stileid.u32  }
0x8: {  	s7 =	sadd.s32 $0x143800, s9;
	s12 =	sadd.s32 $0x1EF000, s9;
	s19 =	smul.u32 $0x6200, s8  }
0x9: {  	_ =	strace $0x8000004A;
	s10 =	ssub.s32 $0x2, s8;
	s11 =	smul.u32 $0x310, s4  }
0xa: {  	s8 =	sadd.s32 $0xC7000, s9;
	s13 =	smul.u32 $0x3D400, s4;
	s30 =	sshll.u32 s4, $0x6  }
0xb: {  	s26 =	sshrl.u32 s10, $0x1;
	s9 =	sor.u32 $0x1C03, s30;
	s20 =	sadd.s32 $0x3100, s19  }
0xc: {  	s14 =	sadd.s32 s11, s19;
	s15 =	ssub.s32 s10, s26;
	s29 =	sshrl.u32 s13, $0x2  }
0xd: {  	s10 =	smul.u32 $0xC380, s4;
	s21 =	sadd.s32 $0x6200, s19;
	v0 =	vmov s19;
	s19 =	simm.s32 $0x2  }
0xe: {  	s14 =	smul.u32 $0xA, s14;
	s28 =	sadd.s32 s11, s20;
	s16 =	sadd.s32 s29, s2  }
0xf: {  	s13 =	smax.u32 s15, $0x1;
	s15 =	simm.s32 $0x3;
	s31 =	smul.u32 $0xA, s28  }
0x10: {  	v1 =	vmov s20;
	v2 =	vmov s21;
	s20 =	simm.s32 $0x100;
	s21 =	simm.s32 $0x3180;
	s11 =	sadd.s32 s12, s14  }
0x11: {  	s14 =	sshrl.u32 s16, $0x3;
	s16 =	simm.s32 $0x80;
	s12 =	sadd.s32 s12, s31  }
.LBB2_1:
0x12: {  	[spmem:s14], [sflag:s9] =	dma.local [hbm:s8], $0x1EA0  }
0x13: {  	_ =	swait.ge [sflag:s15], $0x1EA0  }
0x14: {  	[sflag:s15] =	ssyncset.done $0x0  }
0x15: {  	[sflag:s15] =	ssyncadd.s32 $0xFFFFE160  }
0x16: {  	s22 =	simm.s32 $0x0;
	[bflag:$0x0] =	sbarrier.arrive $0xFFFF  }
.LBB2_2:
0x17: {  	s23 =	sshll.u32 s22, $0x7  }
0x18: {  	s23 =	sadd.s32 s10, s23  }
0x19: {  	s23 =	sshrl.u32 s23, $0x3  }
0x1a: {  	s25 =	simm.s32 $0x0;
	s24 =	sadd.s32 s5, s23  }
0x1b: {  	[tilespmem:s25], [sflag:$0x3] =	stream.linear.gather [hbm4b:s24+s25], $0x80, $0x38;
	[tilespmem:$0x14EA8] =	vst v63  }
0x1c: {  	_ =	swait.ge [sflag:s15], $0x80  }
0x1d: {  	[sflag:s15] =	ssyncset.done $0x0  }
0x1e: {  	s23 =	sadd.s32 s6, s23;
	[sflag:s15] =	ssyncadd.s32 $0xFFFFFF80  }
0x1f: {  	[tilespmem:s16], [sflag:$0x3] =	stream.linear.gather [hbm4b:s23+s25], $0x80, $0x38;
	[tilespmem:$0x14EA8] =	vst v63  }
0x20: {  	_ =	swait.ge [sflag:s15], $0x80  }
0x21: {  	[sflag:s15] =	ssyncset.done $0x0  }
0x22: {  	[sflag:s15] =	ssyncadd.s32 $0xFFFFFF80  }
0x23: {  	[tilespmem:s17], [sflag:$0x1] =	stream.indirect.gather [hbm4b:s7+s16], $0x50, s25, s16, $0xb8;
	[tilespmem:$0x14EA8] =	vst v63  }
0x24: {  	_ =	swait.ge [sflag:s18], $0x2800  }
0x25: {  	[sflag:s18] =	ssyncset.done $0x0  }
0x26: {  	s23 =	simm.s32 $0x2980;
	[sflag:s18] =	ssyncadd.s32 $0xFFFFD800  }
0x27: {  	[tilespmem:s23], [sflag:$0x2] =	stream.indirect.gather [hbm4b:s1+s16], $0x10, s16, s16, $0xb8;
	[tilespmem:$0x14EA8] =	vst v63  }
0x28: {  	_ =	swait.ge [sflag:s19], $0x800  }
0x29: {  	[sflag:s19] =	ssyncset.done $0x0  }
0x2a: {  	[sflag:s19] =	ssyncadd.s32 $0xFFFFF800  }
0x2b: {  	v3 =	vld [tilespmem:$0x80]  }
0x2c: {  	v4 =	vld [tilespmem:$0x90]  }
0x2d: {  	v5 =	vld [tilespmem:$0xA0]  }
0x2e: {  	v6 =	vld [tilespmem:$0xB0]  }
0x2f: {  	v7 =	vld [tilespmem:$0xC0]  }
0x30: {  	v8 =	vld [tilespmem:$0xD0]  }
0x31: {  	v9 =	vld [tilespmem:$0xE0];
	vm0 =	vge.s32 v3, v0;
	vm1 =	vlt.s32 v3, v1;
	v3 =	vsub.s32 v3, v0  }
0x32: {  	vm12 =	vge.s32 v4, v0;
	vm2 =	vlt.s32 v4, v1;
	v4 =	vsub.s32 v4, v0  }
0x33: {  	vm14 =	vge.s32 v5, v0;
	vm15 =	vlt.s32 v5, v1;
	vm4 =	vge.s32 v6, v0  }
0x34: {  	vm5 =	vlt.s32 v6, v1;
	v5 =	vsub.s32 v5, v0;
	v6 =	vsub.s32 v6, v0  }
0x35: {  	vm6 =	vge.s32 v7, v0;
	vm7 =	vlt.s32 v7, v1;
	vm8 =	vge.s32 v8, v0  }
0x36: {  	v10 =	vld [tilespmem:$0xF0];
	vm3 =	vlt.s32 v8, v1;
	vm10 =	vge.s32 v9, v0;
	vm0 =	vmand vm0, vm1  }
0x37: {  	vm11 =	vlt.s32 v9, v1;
	vm13 =	vmand vm12, vm2;
	v3 =	vnsel vm0, $0x3100, v3  }
0x38: {  	vm1 =	vmand vm4, vm5;
	vm9 =	vmand vm8, vm3;
	v4 =	vnsel vm13, $0x3100, v4;
	[tilespmem:$0x100] =	vst v3  }
0x39: {  	vm12 =	vmand vm10, vm11;
	vm0 =	vmand vm14, vm15;
	v6 =	vnsel vm1, $0x3100, v6;
	[tilespmem:$0x110] =	vst v4  }
0x3a: {  	v5 =	vnsel vm0, $0x3100, v5;
	vm0 =	vmand vm6, vm7;
	v3 =	vsub.s32 v7, v0;
	[tilespmem:$0x130] =	vst v6  }
0x3b: {  	vm13 =	vge.s32 v10, v0;
	v4 =	vsub.s32 v8, v0;
	[tilespmem:$0x120] =	vst v5;
	v3 =	vnsel vm0, $0x3100, v3  }
0x3c: {  	vm14 =	vlt.s32 v10, v1;
	v4 =	vnsel vm9, $0x3100, v4;
	[tilespmem:$0x140] =	vst v3;
	v3 =	vsub.s32 v9, v0  }
0x3d: {  	vm15 =	vmand vm13, vm14;
	[tilespmem:$0x150] =	vst v4;
	v4 =	vsub.s32 v10, v0;
	v3 =	vnsel vm12, $0x3100, v3  }
0x3e: {  	[tilespmem:$0x160] =	vst v3;
	v3 =	vnsel vm15, $0x3100, v4  }
0x3f: {  	s24 =	simm.s32 $0x0;
	[tilespmem:$0x170] =	vst v3  }
0x40: {  	s25 =	simm.s32 $0x140;
	v3 =	vld [tilespmem:s24+$0x1C0]  }
.LBB2_3:
0x41: {  	p0 =	sne.s32 s25, $0x9EC0;
	v4 =	vld [tilespmem:s23+$0x0];
	_ =	sdelay $0x4  }
0x42: {  	v3 =	vadd.f32 v4, v3;
	_ =	sdelay $0x1  }
0x43: {  	v4 =	vmul.f32 $2.000000030e-01, v3;
	_ =	sdelay $0x1  }
0x44: {  	v3 =	vmax.f32 v3, v4  }
0x45: {  	v3 =	vmul.f32 $1.442695020e+00, v3;
	_ =	sdelay $0x1  }
0x46: {  	(erf) = vpow2.f32 v3;
	_ =	sdelay $0x4  }
0x47: {  	v3 =	vld [tilespmem:s24+$0x180]  }
0x48: {  	v4 =	vld [tilespmem:s24+$0x190]  }
0x49: {  	v5 =	vld [tilespmem:s24+$0x1A0]  }
0x4a: {  	v6 =	vld [tilespmem:s24+$0x1B0]  }
0x4b: {  	v7 =	vpop (erf)  }
0x4c: {  	[tilespmem:s24+$0x31C0] =	vst v7;
	v8 =	vbroadcast v7, $0x0;
	v9 =	vbroadcast v7, $0x1  }
0x4d: {  	v10 =	vbroadcast v7, $0x2;
	v7 =	vbroadcast v7, $0x3  }
0x4e: {  	v3 =	vmul.f32 v8, v3;
	v4 =	vmul.f32 v9, v4  }
.Ltmp0:
0x4f: {  	v5 =	vmul.f32 v10, v5;
	v6 =	vmul.f32 v6, v7;
	(pc) =	sbr.rel @p0 .LBB2_3-.Ltmp0, $4  }
0x50: {  	[tilespmem:s24+$0x3180] =	vst v3  }
0x51: {  	[tilespmem:s24+$0x3190] =	vst v4  }
0x52: {  	s26 =	sshra.s32 s25, $0x2;
	[tilespmem:s24+$0x31A0] =	vst v5  }
0x53: {  	s25 =	sadd.s32 $0x140, s25;
	s23 =	sadd.s32 $0x10, s23;
	v3 =	vld [tilespmem:s26+$0x1C0];
	[tilespmem:s24+$0x31B0] =	vst v6;
	s24 =	smov.u32 s26  }
0x54: {  	v4 =	vld [tilespmem:s23+$0x0];
	_ =	sdelay $0x4  }
0x55: {  	v3 =	vadd.f32 v4, v3;
	_ =	sdelay $0x1  }
0x56: {  	v4 =	vmul.f32 $2.000000030e-01, v3;
	_ =	sdelay $0x1  }
0x57: {  	v3 =	vmax.f32 v3, v4  }
0x58: {  	v3 =	vmul.f32 $1.442695020e+00, v3;
	_ =	sdelay $0x1  }
0x59: {  	(erf) = vpow2.f32 v3;
	_ =	sdelay $0x6  }
0x5a: {  	v3 =	vld [tilespmem:s24+$0x180]  }
0x5b: {  	v63 =	vld [tilespmem:s24+$0x190]  }
0x5c: {  	v5 =	vld [tilespmem:s24+$0x1A0];
	v6 =	vpop (erf)  }
0x5d: {  	v7 =	vld [tilespmem:s24+$0x1B0];
	v8 =	vbroadcast v6, $0x0  }
0x5e: {  	v9 =	vbroadcast v6, $0x1  }
0x5f: {  	v10 =	vbroadcast v6, $0x2;
	v3 =	vmul.f32 v8, v3  }
0x60: {  	[tilespmem:s24+$0x31C0] =	vst v6;
	v6 =	vbroadcast v6, $0x3;
	v4 =	vmul.f32 v9, v63  }
0x61: {  	v5 =	vmul.f32 v10, v5;
	[tilespmem:s24+$0x3180] =	vst v3  }
0x62: {  	s22 =	sadd.s32 $0x1, s22;
	v3 =	vmul.f32 v7, v6;
	[tilespmem:s24+$0x3190] =	vst v4  }
0x63: {  	p0 =	sne.s32 s22, $0x187;
	[tilespmem:s24+$0x31A0] =	vst v5  }
.Ltmp1:
0x64: {  	[tilespmem:s24+$0x31B0] =	vst v3;
	(pc) =	sbr.rel @p0 .LBB2_2-.Ltmp1, $4  }
0x65: {  	[spmem:s2] =	stream.indirect.scatter.add.f32 [tilespmem:s21], [sflag:$0x3], $0x50, s20, s16, $0xb8;
	[tilespmem:$0x14EA8] =	vst v63  }
0x66: {  	_ =	swait.ge [sflag:s15], $0x2800  }
0x67: {  	[sflag:s15] =	ssyncset.done $0x0  }
0x68: {  	[sflag:s15] =	ssyncadd.s32 $0xFFFFD800  }
0x69: {  	[bflag:$0x0] =	sbarrier.arrive $0xFFFF  }
0x6a: {  	[hbm:s11], [sflag:s9] =	dma.local [spmem:s14], $0x1EA0  }
0x6b: {  	_ =	swait.ge [sflag:s15], $0x1EA0  }
0x6c: {  	[sflag:s15] =	ssyncset.done $0x0  }
0x6d: {  	[sflag:s15] =	ssyncadd.s32 $0xFFFFE160  }
0x6e: {  	[bflag:$0x0] =	sbarrier.arrive $0xFFFF  }
0x6f: {  	[spmem:s14], [sflag:s9] =	dma.local [hbm:s8], $0x1EA0  }
0x70: {  	_ =	swait.ge [sflag:s15], $0x1EA0  }
0x71: {  	[sflag:s15] =	ssyncset.done $0x0  }
0x72: {  	[sflag:s15] =	ssyncadd.s32 $0xFFFFE160  }
0x73: {  	s22 =	simm.s32 $0x0;
	s23 =	simm.s32 $0x0;
	[bflag:$0x0] =	sbarrier.arrive $0xFFFF  }
.LBB2_6:
0x74: {  	s24 =	sshll.u32 s23, $0x7  }
0x75: {  	s24 =	sadd.s32 s10, s24  }
0x76: {  	s24 =	sshrl.u32 s24, $0x3  }
0x77: {  	s25 =	sadd.s32 s5, s24  }
0x78: {  	[tilespmem:s22], [sflag:$0x3] =	stream.linear.gather [hbm4b:s25+s22], $0x80, $0x38;
	[tilespmem:$0x14EA8] =	vst v63  }
0x79: {  	_ =	swait.ge [sflag:s15], $0x80  }
0x7a: {  	[sflag:s15] =	ssyncset.done $0x0  }
0x7b: {  	s24 =	sadd.s32 s6, s24;
	[sflag:s15] =	ssyncadd.s32 $0xFFFFFF80  }
0x7c: {  	[tilespmem:s16], [sflag:$0x3] =	stream.linear.gather [hbm4b:s24+s22], $0x80, $0x38;
	[tilespmem:$0x14EA8] =	vst v63  }
0x7d: {  	_ =	swait.ge [sflag:s15], $0x80  }
0x7e: {  	[sflag:s15] =	ssyncset.done $0x0  }
0x7f: {  	[sflag:s15] =	ssyncadd.s32 $0xFFFFFF80  }
0x80: {  	[tilespmem:s17], [sflag:$0x1] =	stream.indirect.gather [hbm4b:s7+s16], $0x50, s22, s16, $0xb8;
	[tilespmem:$0x14EA8] =	vst v63  }
0x81: {  	_ =	swait.ge [sflag:s18], $0x2800  }
0x82: {  	[sflag:s18] =	ssyncset.done $0x0  }
0x83: {  	s24 =	simm.s32 $0x2980;
	[sflag:s18] =	ssyncadd.s32 $0xFFFFD800  }
0x84: {  	[tilespmem:s24], [sflag:$0x2] =	stream.indirect.gather [hbm4b:s1+s16], $0x10, s16, s16, $0xb8;
	[tilespmem:$0x14EA8] =	vst v63  }
0x85: {  	_ =	swait.ge [sflag:s19], $0x800  }
0x86: {  	[sflag:s19] =	ssyncset.done $0x0  }
0x87: {  	[sflag:s19] =	ssyncadd.s32 $0xFFFFF800  }
0x88: {  	v3 =	vld [tilespmem:$0x80]  }
0x89: {  	v4 =	vld [tilespmem:$0x90]  }
0x8a: {  	v5 =	vld [tilespmem:$0xA0]  }
0x8b: {  	v6 =	vld [tilespmem:$0xB0]  }
0x8c: {  	v7 =	vld [tilespmem:$0xC0]  }
0x8d: {  	v8 =	vld [tilespmem:$0xD0]  }
0x8e: {  	v9 =	vld [tilespmem:$0xE0];
	vm0 =	vge.s32 v3, v1;
	vm1 =	vlt.s32 v3, v2;
	v3 =	vsub.s32 v3, v1  }
0x8f: {  	vm12 =	vge.s32 v4, v1;
	vm2 =	vlt.s32 v4, v2;
	v4 =	vsub.s32 v4, v1  }
0x90: {  	vm14 =	vge.s32 v5, v1;
	vm15 =	vlt.s32 v5, v2;
	vm4 =	vge.s32 v6, v1  }
0x91: {  	vm5 =	vlt.s32 v6, v2;
	v5 =	vsub.s32 v5, v1;
	v6 =	vsub.s32 v6, v1  }
0x92: {  	vm6 =	vge.s32 v7, v1;
	vm7 =	vlt.s32 v7, v2;
	vm8 =	vge.s32 v8, v1  }
0x93: {  	v10 =	vld [tilespmem:$0xF0];
	vm3 =	vlt.s32 v8, v2;
	vm10 =	vge.s32 v9, v1;
	vm0 =	vmand vm0, vm1  }
0x94: {  	vm11 =	vlt.s32 v9, v2;
	vm13 =	vmand vm12, vm2;
	v3 =	vnsel vm0, $0x3100, v3  }
0x95: {  	vm1 =	vmand vm4, vm5;
	vm9 =	vmand vm8, vm3;
	v4 =	vnsel vm13, $0x3100, v4;
	[tilespmem:$0x100] =	vst v3  }
0x96: {  	vm12 =	vmand vm10, vm11;
	vm0 =	vmand vm14, vm15;
	v6 =	vnsel vm1, $0x3100, v6;
	[tilespmem:$0x110] =	vst v4  }
0x97: {  	v5 =	vnsel vm0, $0x3100, v5;
	vm0 =	vmand vm6, vm7;
	v3 =	vsub.s32 v7, v1;
	[tilespmem:$0x130] =	vst v6  }
0x98: {  	vm13 =	vge.s32 v10, v1;
	v4 =	vsub.s32 v8, v1;
	[tilespmem:$0x120] =	vst v5;
	v3 =	vnsel vm0, $0x3100, v3  }
0x99: {  	vm14 =	vlt.s32 v10, v2;
	v4 =	vnsel vm9, $0x3100, v4;
	[tilespmem:$0x140] =	vst v3;
	v3 =	vsub.s32 v9, v1  }
0x9a: {  	vm15 =	vmand vm13, vm14;
	[tilespmem:$0x150] =	vst v4;
	v4 =	vsub.s32 v10, v1;
	v3 =	vnsel vm12, $0x3100, v3  }
0x9b: {  	[tilespmem:$0x160] =	vst v3;
	v3 =	vnsel vm15, $0x3100, v4  }
0x9c: {  	s25 =	simm.s32 $0x0;
	[tilespmem:$0x170] =	vst v3  }
0x9d: {  	s26 =	simm.s32 $0x140;
	v3 =	vld [tilespmem:s25+$0x1C0]  }
.LBB2_7:
0x9e: {  	p0 =	sne.s32 s26, $0x9EC0;
	v4 =	vld [tilespmem:s24+$0x0];
	_ =	sdelay $0x4  }
0x9f: {  	v3 =	vadd.f32 v4, v3;
	_ =	sdelay $0x1  }
0xa0: {  	v4 =	vmul.f32 $2.000000030e-01, v3;
	_ =	sdelay $0x1  }
0xa1: {  	v3 =	vmax.f32 v3, v4  }
0xa2: {  	v3 =	vmul.f32 $1.442695020e+00, v3;
	_ =	sdelay $0x1  }
0xa3: {  	(erf) = vpow2.f32 v3;
	_ =	sdelay $0x4  }
0xa4: {  	v3 =	vld [tilespmem:s25+$0x180]  }
0xa5: {  	v4 =	vld [tilespmem:s25+$0x190]  }
0xa6: {  	v5 =	vld [tilespmem:s25+$0x1A0]  }
0xa7: {  	v6 =	vld [tilespmem:s25+$0x1B0]  }
0xa8: {  	v7 =	vpop (erf)  }
0xa9: {  	[tilespmem:s25+$0x31C0] =	vst v7;
	v8 =	vbroadcast v7, $0x0;
	v9 =	vbroadcast v7, $0x1  }
0xaa: {  	v10 =	vbroadcast v7, $0x2;
	v7 =	vbroadcast v7, $0x3  }
0xab: {  	v3 =	vmul.f32 v8, v3;
	v4 =	vmul.f32 v9, v4  }
.Ltmp2:
0xac: {  	v5 =	vmul.f32 v10, v5;
	v6 =	vmul.f32 v6, v7;
	(pc) =	sbr.rel @p0 .LBB2_7-.Ltmp2, $4  }
0xad: {  	[tilespmem:s25+$0x3180] =	vst v3  }
0xae: {  	[tilespmem:s25+$0x3190] =	vst v4  }
0xaf: {  	s28 =	sshra.s32 s26, $0x2;
	[tilespmem:s25+$0x31A0] =	vst v5  }
0xb0: {  	s26 =	sadd.s32 $0x140, s26;
	s24 =	sadd.s32 $0x10, s24;
	v3 =	vld [tilespmem:s28+$0x1C0];
	[tilespmem:s25+$0x31B0] =	vst v6;
	s25 =	smov.u32 s28  }
0xb1: {  	v4 =	vld [tilespmem:s24+$0x0];
	_ =	sdelay $0x4  }
0xb2: {  	v3 =	vadd.f32 v4, v3;
	_ =	sdelay $0x1  }
0xb3: {  	v4 =	vmul.f32 $2.000000030e-01, v3;
	_ =	sdelay $0x1  }
0xb4: {  	v3 =	vmax.f32 v3, v4  }
0xb5: {  	v3 =	vmul.f32 $1.442695020e+00, v3;
	_ =	sdelay $0x1  }
0xb6: {  	(erf) = vpow2.f32 v3;
	_ =	sdelay $0x6  }
0xb7: {  	v3 =	vld [tilespmem:s25+$0x180]  }
0xb8: {  	v63 =	vld [tilespmem:s25+$0x190]  }
0xb9: {  	v5 =	vld [tilespmem:s25+$0x1A0];
	v6 =	vpop (erf)  }
0xba: {  	v7 =	vld [tilespmem:s25+$0x1B0];
	v8 =	vbroadcast v6, $0x0  }
0xbb: {  	v9 =	vbroadcast v6, $0x1  }
0xbc: {  	v10 =	vbroadcast v6, $0x2;
	v3 =	vmul.f32 v8, v3  }
0xbd: {  	[tilespmem:s25+$0x31C0] =	vst v6;
	v6 =	vbroadcast v6, $0x3;
	v4 =	vmul.f32 v9, v63  }
0xbe: {  	v5 =	vmul.f32 v10, v5;
	[tilespmem:s25+$0x3180] =	vst v3  }
0xbf: {  	s23 =	sadd.s32 $0x1, s23;
	v3 =	vmul.f32 v7, v6;
	[tilespmem:s25+$0x3190] =	vst v4  }
0xc0: {  	p0 =	sne.s32 s23, $0x187;
	[tilespmem:s25+$0x31A0] =	vst v5  }
.Ltmp3:
0xc1: {  	[tilespmem:s25+$0x31B0] =	vst v3;
	(pc) =	sbr.rel @p0 .LBB2_6-.Ltmp3, $4  }
0xc2: {  	[spmem:s2] =	stream.indirect.scatter.add.f32 [tilespmem:s21], [sflag:$0x3], $0x50, s20, s16, $0xb8;
	[tilespmem:$0x14EA8] =	vst v63  }
0xc3: {  	_ =	swait.ge [sflag:s15], $0x2800  }
0xc4: {  	[sflag:s15] =	ssyncset.done $0x0  }
0xc5: {  	[sflag:s15] =	ssyncadd.s32 $0xFFFFD800  }
0xc6: {  	[bflag:$0x0] =	sbarrier.arrive $0xFFFF;
	s3 =	sadd.s32 $0x1, s3  }
0xc7: {  	[hbm:s12], [sflag:s9] =	dma.local [spmem:s14], $0x1EA0  }
0xc8: {  	p0 =	sne.s32 s3, s13  }
.Ltmp4:
0xc9: {  	_ =	swait.ge [sflag:s15], $0x1EA0;
	(pc) =	sbr.rel @p0 .LBB2_1-.Ltmp4, $3  }
0xca: {  	[sflag:s15] =	ssyncset.done $0x0  }
0xcb: {  	[sflag:s15] =	ssyncadd.s32 $0xFFFFE160  }
0xcc: {  	[bflag:$0x0] =	sbarrier.arrive $0xFFFF;
	_ =	sdelay $0x1  }
0xcd: {  	_ =	sfence.sel $0x180000  }
0xce: {  	[bflag:$0x0] =	sbarrier.arrive $0xFFFF  }
0xcf: {  	p0 =	sne.s32 s4, $0x0;
	_ =	strace $0x9000004A  }
0xd0: {  	s0 =	sadd.s32 @!p0 $0x100000, s0;
	[bflag:$0x2] =	sbarrier.arrive $0xFFFF  }
0xd1: {  	[sflag:s0] =	ssyncadd.tile.s32 @!p0 $0x1;
	_ =	shalt  }
.Lfunc_end2:
_tile_overlayer_lowered:
.L_overlay_start_2:
0xd2: {  	(tag) =	ssettag $0x2  }
0xd3: {  	s0 =	rddreg [dreg:$0x0];
	s2 =	stileid.u32  }
0xd4: {  	s1 =	rddreg [dreg:$0x1];
	p0 =	sne.s32 s2, $0x0  }
0xd5: {  	s3 =	rddreg [dreg:$0x2];
	[bflag:$0x3] =	sbarrier.arrive $0xFFFF;
	s2 =	simm.s32 @!p0 $0x1C03  }
0xd6: {  	[timem:s3], [sflag:s2] =	dma.local @!p0 [hbm:s0], s1  }
0xd7: {  	s0 =	simm.s32 @!p0 $0x3  }
0xd8: {  	_ =	swait.ge @!p0 [sflag:s0], s1  }
0xd9: {  	s1 =	ssub.s32 @!p0 $0x0, s1;
	[sflag:s0] =	ssyncset.done @!p0 $0x0  }
0xda: {  	[sflag:s0] =	ssyncadd.s32 @!p0 s1  }
0xdb: {  	[bflag:$0x3] =	sbarrier.arrive $0xFFFF  }
0xdc: {  	_ =	shalt  }

</sc_bundles>
